<compile_context>
chip_gen: v7x
topology: tpu7x:2x2x1
jax: 0.10.2.dev20260603
libtpu: 0.0.44.dev20260713+nightly
codegen_flags: <defaults>
</compile_context>

<pallas_src>
import functools

import jax
import jax.numpy as jnp
from jax import lax
from jax.experimental import pallas as pl
from jax.experimental.pallas import tpu as pltpu
from jax.experimental.pallas import tpu_sc as plsc

N = 10000
F = 64
K = 120
KP = 128
NW = 32
VPW = 320
NP = NW * VPW
NF16 = F // 16
CV = 80
NBUF = 4

def _sc_interp_body(signal_hbm, idx_hbm, w_hbm, out_hbm,
                    idx_c, w_c, rows_v, s_v, table_sh,
                    sem0, sem1, sem2, sem3):
    cid = lax.axis_index("c")
    sid = lax.axis_index("s")
    wid = sid * 2 + cid
    base = wid * VPW

    tps = NP // 16
    pltpu.sync_copy(signal_hbm.at[pl.ds(sid * tps, tps)],
                    table_sh.at[pl.ds(sid * tps, tps)])
    plsc.subcore_barrier()

    sems = (sem0, sem1, sem2, sem3)

    def fire(i, b):
        pltpu.async_copy(table_sh.at[idx_c.at[i]], rows_v.at[b], sems[b])

    def wait(b):
        pltpu.make_async_copy(signal_hbm.at[pl.ds(0, KP)],
                              rows_v.at[b], sems[b]).wait()

    def compute(gi, i, b):
        rows = rows_v.at[b]

        def jchunk(jc, accs):
            j0 = jc * 16
            wv = w_c[i, pl.ds(j0, 16)]
            acc_a, acc_b = list(accs[:NF16]), list(accs[NF16:])
            for l in range(16):
                acc = acc_a if l % 2 == 0 else acc_b
                wb = plsc.bitcast(jnp.broadcast_to(wv[l], (16,)),
                                  jnp.bfloat16)
                for h in range(NF16 // 2):
                    x = plsc.bitcast(rows[j0 + l, pl.ds(16 * h, 16)],
                                     jnp.bfloat16)
                    p = plsc.bitcast(x * wb, jnp.int32)
                    lo = plsc.bitcast(p << 16, jnp.float32)
                    hi = plsc.bitcast(p, jnp.float32)
                    acc[2 * h] = acc[2 * h] + lo
                    acc[2 * h + 1] = acc[2 * h + 1] + hi
            return tuple(acc_a) + tuple(acc_b)

        zeros = tuple(jnp.zeros((16,), jnp.float32) for _ in range(2 * NF16))
        accs = lax.fori_loop(0, KP // 16, jchunk, zeros, unroll=2)
        for f in range(NF16):
            s_v[gi, pl.ds(16 * f, 16)] = accs[f] + accs[NF16 + f]

    def chunk_body(c, carry):
        c0 = c * CV
        pltpu.sync_copy(idx_hbm.at[pl.ds(base + c0, CV)], idx_c)
        pltpu.sync_copy(w_hbm.at[pl.ds(base + c0, CV)], w_c)
        for b in range(NBUF):
            fire(b, b)

        def body(it, carry2):
            buf = it & (NBUF - 1)
            for b in range(NBUF):
                @pl.when(buf == b)
                def _(b=b):
                    wait(b)
            compute(c0 + it, it, buf)
            for b in range(NBUF):
                @pl.when(jnp.logical_and(it + NBUF < CV, buf == b))
                def _(b=b):
                    fire(it + NBUF, b)
            return carry2

        lax.fori_loop(0, CV, body, 0)
        return carry

    lax.fori_loop(0, VPW // CV, chunk_body, 0)
    pltpu.sync_copy(s_v, out_hbm.at[pl.ds(base, VPW)])


_sc_interp = functools.partial(
    pl.kernel,
    out_type=jax.ShapeDtypeStruct((NP, F), jnp.float32),
    mesh=plsc.VectorSubcoreMesh(core_axis_name="c", subcore_axis_name="s"),
    compiler_params=pltpu.CompilerParams(use_tc_tiling_on_sc=False,
                                         needs_layout_passes=False),
    scratch_types=[
        pltpu.VMEM((CV, KP), jnp.int32),
        pltpu.VMEM((CV, KP), jnp.int32),
        pltpu.VMEM((NBUF, KP, F // 2), jnp.int32),
        pltpu.VMEM((VPW, F), jnp.float32),
        pltpu.VMEM_SHARED((NP, F // 2), jnp.int32),
        pltpu.SemaphoreType.DMA,
        pltpu.SemaphoreType.DMA,
        pltpu.SemaphoreType.DMA,
        pltpu.SemaphoreType.DMA,
    ],
)(_sc_interp_body)


def _fold_body(s_ref, wt_ref, b_ref, o_ref):
    s = s_ref[...]
    y0 = jnp.dot(s, wt_ref[0], preferred_element_type=jnp.float32) + b_ref[0]
    y1 = jnp.dot(s, wt_ref[1], preferred_element_type=jnp.float32) + b_ref[1]
    o_ref[...] = jnp.maximum(y0, 0.0) + jnp.maximum(y1, 0.0)


def kernel(signal, bary_coordinates, template_weights, bias):
    idx = bary_coordinates[..., 0].astype(jnp.int32).reshape(N, K)
    w = bary_coordinates[..., 1].reshape(N, K)
    idx_p = jnp.pad(idx, ((0, NP - N), (0, KP - K)))
    w_f = jnp.pad(w, ((0, NP - N), (0, KP - K)))
    w_bf = w_f.astype(jnp.bfloat16)
    w_p = jax.lax.bitcast_convert_type(
        jnp.stack([w_bf, w_bf], axis=-1), jnp.int32)
    signal_bf = jnp.pad(signal, ((0, NP - N), (0, 0))).astype(jnp.bfloat16)
    signal_p = jax.lax.bitcast_convert_type(
        signal_bf.reshape(NP, F // 2, 2), jnp.int32)

    s = _sc_interp(signal_p, idx_p, w_p)

    perm = [32 * h + 2 * k + r for h in (0, 1) for r in (0, 1)
            for k in range(16)]
    wt = jnp.transpose(template_weights, (0, 2, 1))[:, perm, :]
    bias_p = jnp.pad(bias, ((0, 6), (0, 0)))

    bn = NP // 8
    out = pl.pallas_call(
        _fold_body,
        grid=(8,),
        in_specs=[
            pl.BlockSpec((bn, F), lambda i: (i, 0)),
            pl.BlockSpec((2, F, F), lambda i: (0, 0, 0)),
            pl.BlockSpec((8, F), lambda i: (0, 0)),
        ],
        out_specs=pl.BlockSpec((bn, F), lambda i: (i, 0)),
        out_shape=jax.ShapeDtypeStruct((NP, F), jnp.float32),
    )(s, wt, bias_p)
    return out[:N]

# --- scband reference (transcript-rebuilt; emitter-appended) ---
"""Pipeline reference for scband-conv-intrinsic-lite-26499948216342 (READ-ONLY COPY).

The authoritative reference and input builder live on the scoring server;
editing this copy changes nothing except your own understanding.
"""

import jax, jax.numpy as jnp
import numpy as np

N_VERTICES = 10000
N_RADIAL = 5
N_ANGULAR = 8
FEAT_DIM = 64
AMT_TEMPLATES = 2
OUTPUT_DIM = 64


def setup_inputs(seed: int = 0) -> dict:
    key = jax.random.key(seed)
    k1, k2, k3, k4, k5 = jax.random.split(key, 5)
    signal = jax.random.normal(k1, (N_VERTICES, FEAT_DIM), dtype=jnp.float32)
    # barycentric coordinates tensor: channel 0 holds vertex indices (stored as float),
    # channel 1 holds barycentric interpolation weights (normalized to sum to 1 over the 3 triangle verts)
    idx = jax.random.randint(k2, (N_VERTICES, N_RADIAL, N_ANGULAR, 3), 0, N_VERTICES)
    w = jax.random.uniform(k3, (N_VERTICES, N_RADIAL, N_ANGULAR, 3), dtype=jnp.float32)
    w = w / jnp.sum(w, axis=-1, keepdims=True)
    bary_coordinates = jnp.stack([idx.astype(jnp.float32), w], axis=-1)
    # learned parameters (glorot-like init)
    fan = (AMT_TEMPLATES * OUTPUT_DIM + FEAT_DIM)
    scale = np.sqrt(6.0 / fan).astype(np.float32)
    template_weights = jax.random.uniform(k4, (AMT_TEMPLATES, OUTPUT_DIM, FEAT_DIM), minval=-scale, maxval=scale, dtype=jnp.float32)
    bias = jax.random.uniform(k5, (AMT_TEMPLATES, OUTPUT_DIM), minval=-0.05, maxval=0.05, dtype=jnp.float32)
    return {"signal": signal, "bary_coordinates": bary_coordinates, "template_weights": template_weights, "bias": bias}


def reference(signal, bary_coordinates, template_weights, bias):
    N = signal.shape[0]
    R = bary_coordinates.shape[1]
    A = bary_coordinates.shape[2]
    F = signal.shape[1]
    # ---- patch operator (include_prior=False) ----
    idx = bary_coordinates[:, :, :, :, 0].astype(jnp.int32)            # (N, R, A, 3)
    gathered = jnp.take(signal, idx.reshape(-1), axis=0)               # (N*R*A*3, F)
    gathered = gathered.reshape(N, R, A, 3, F)
    weights = bary_coordinates[:, :, :, :, 1][..., None]               # (N, R, A, 3, 1)
    interp = jnp.sum(weights * gathered, axis=-2)                      # (N, R, A, F)
    # ---- fold (splits=1) ----
    x = interp.reshape(N, R * A, F)                                    # (N, RA, F)
    x = jnp.transpose(x, (0, 2, 1))                                    # (N, F, RA)
    x = x[:, None, :, :]                                               # (N, 1, F, RA)
    y = jnp.matmul(template_weights, x)                                # (T,O,F)@(N,1,F,RA) -> (N,T,O,RA)
    z = jax.nn.relu(jnp.sum(y, axis=-1) + bias)                        # (N, T, O)
    out = jnp.sum(z, axis=1)                                           # (N, O)
    return out

if __name__ == "__main__":
    import jax
    _d = setup_inputs()
    print(jax.jit(kernel)(*tuple(_d.values())))

</pallas_src>

<mosaic_0001>
#map = affine_map<(d0, d1) -> (0, 0)>
module attributes {stable_mosaic.version = 14 : i64} {
  func.func @_sc_interp_body(%arg0: i32, %arg1: i32, %arg2: memref<10240x32xi32, #tpu.memory_space<hbm>>, %arg3: memref<10240x128xi32, #tpu.memory_space<hbm>>, %arg4: memref<10240x128xi32, #tpu.memory_space<hbm>>, %arg5: memref<10240x64xf32, #tpu.memory_space<hbm>>, %arg6: memref<80x128xi32, #tpu.memory_space<vmem>>, %arg7: memref<80x128xi32, #tpu.memory_space<vmem>>, %arg8: memref<4x128x32xi32, #tpu.memory_space<vmem>>, %arg9: memref<320x64xf32, #tpu.memory_space<vmem>>, %arg10: memref<10240x32xi32, #tpu.memory_space<vmem_shared>>, %arg11: memref<!tpu.dma_semaphore, #tpu.memory_space<semaphore_mem>>, %arg12: memref<!tpu.dma_semaphore, #tpu.memory_space<semaphore_mem>>, %arg13: memref<!tpu.dma_semaphore, #tpu.memory_space<semaphore_mem>>, %arg14: memref<!tpu.dma_semaphore, #tpu.memory_space<semaphore_mem>>) attributes {dimension_semantics = [#tpu.dimension_semantics<core_parallel>, #tpu.dimension_semantics<subcore_parallel>], iteration_bounds = array<i64: 2, 16>, scalar_prefetch = 0 : i64, scratch_operands = 9 : i64, tpu.core_type = #tpu.core_type<sc_vector_subcore>, window_params = [{transform_indices = #map}, {transform_indices = #map}, {transform_indices = #map}, {transform_indices = #map}]} {
    %mul3A = arith.constant 2 : i32
    %mul3A_0 = arith.muli %arg1, %mul3A : i32
    %add3A = arith.addi %mul3A_0, %arg0 : i32
    %mul3A_1 = arith.constant 320 : i32
    %mul3A_2 = arith.muli %add3A, %mul3A_1 : i32
    %mul3A_3 = arith.constant 640 : i32
    %mul3A_4 = arith.muli %arg1, %mul3A_3 : i32
    %mul3A_5 = arith.constant 640 : i32
    %mul3A_6 = arith.muli %arg1, %mul3A_5 : i32
    "tpu.region"() ({
      %run_scoped3A = tpu.sem_alloc : memref<!tpu.dma_semaphore, #tpu.memory_space<semaphore_mem>>
      %dma_start3A = arith.constant 0 : i32
      %dma_start3A_12 = tpu.memref_slice %arg10[%mul3A_6, %dma_start3A] : memref<10240x32xi32, #tpu.memory_space<vmem_shared>> -> memref<640x32xi32, #tpu.memory_space<vmem_shared>>
      %dma_start3A_13 = arith.constant 0 : i32
      %dma_start3A_14 = tpu.memref_slice %arg2[%mul3A_4, %dma_start3A_13] : memref<10240x32xi32, #tpu.memory_space<hbm>> -> memref<640x32xi32, #tpu.memory_space<hbm>>
      tpu.enqueue_dma source(%dma_start3A_14 : memref<640x32xi32, #tpu.memory_space<hbm>>) target(%dma_start3A_12 : memref<640x32xi32, #tpu.memory_space<vmem_shared>>) target_semaphore(%run_scoped3A : memref<!tpu.dma_semaphore, #tpu.memory_space<semaphore_mem>>)
      %dma_wait3A = arith.constant 0 : i32
      %dma_wait3A_15 = tpu.memref_slice %arg10[%mul3A_6, %dma_wait3A] : memref<10240x32xi32, #tpu.memory_space<vmem_shared>> -> memref<640x32xi32, #tpu.memory_space<vmem_shared>>
      %dma_wait3A_16 = arith.constant 0 : i32
      %dma_wait3A_17 = tpu.memref_slice %arg2[%mul3A_4, %dma_wait3A_16] : memref<10240x32xi32, #tpu.memory_space<hbm>> -> memref<640x32xi32, #tpu.memory_space<hbm>>
      tpu.wait_dma2 semaphore(%run_scoped3A : memref<!tpu.dma_semaphore, #tpu.memory_space<semaphore_mem>>) src(%dma_wait3A_17 : memref<640x32xi32, #tpu.memory_space<hbm>>) dst(%dma_wait3A_15 : memref<640x32xi32, #tpu.memory_space<vmem_shared>>)
      tpu.yield
    }) : () -> ()
    %barrier3A = arith.constant 0 : index
    tpu.barrier barrier_id(%barrier3A)
    %scan3A = arith.constant 0 : i32
    %scan3A_7 = arith.constant 0 : i32
    %scan3A_8 = arith.constant 4 : i32
    %scan3A_9 = arith.addi %scan3A_7, %scan3A_8 : i32
    %scan3A_10 = arith.constant 1 : i32
    scf.for %scan3A_12 = %scan3A_7 to %scan3A_9 step %scan3A_10  : i32 {
      %mul3A_13 = arith.constant 80 : i32
      %mul3A_14 = arith.muli %scan3A_12, %mul3A_13 : i32
      %add3A_15 = arith.addi %mul3A_2, %mul3A_14 : i32
      "tpu.region"() ({
        %run_scoped3A = tpu.sem_alloc : memref<!tpu.dma_semaphore, #tpu.memory_space<semaphore_mem>>
        %dma_start3A_70 = arith.constant 0 : i32
        %dma_start3A_71 = tpu.memref_slice %arg3[%add3A_15, %dma_start3A_70] : memref<10240x128xi32, #tpu.memory_space<hbm>> -> memref<80x128xi32, #tpu.memory_space<hbm>>
        %dma_start3A_72 = arith.constant 0 : i32
        %dma_start3A_73 = tpu.memref_slice %arg3[%add3A_15, %dma_start3A_72] : memref<10240x128xi32, #tpu.memory_space<hbm>> -> memref<80x128xi32, #tpu.memory_space<hbm>>
        tpu.enqueue_dma source(%dma_start3A_73 : memref<80x128xi32, #tpu.memory_space<hbm>>) target(%arg6 : memref<80x128xi32, #tpu.memory_space<vmem>>) target_semaphore(%run_scoped3A : memref<!tpu.dma_semaphore, #tpu.memory_space<semaphore_mem>>)
        %dma_wait3A = arith.constant 0 : i32
        %dma_wait3A_74 = tpu.memref_slice %arg3[%add3A_15, %dma_wait3A] : memref<10240x128xi32, #tpu.memory_space<hbm>> -> memref<80x128xi32, #tpu.memory_space<hbm>>
        %dma_wait3A_75 = arith.constant 0 : i32
        %dma_wait3A_76 = tpu.memref_slice %arg3[%add3A_15, %dma_wait3A_75] : memref<10240x128xi32, #tpu.memory_space<hbm>> -> memref<80x128xi32, #tpu.memory_space<hbm>>
        tpu.wait_dma2 semaphore(%run_scoped3A : memref<!tpu.dma_semaphore, #tpu.memory_space<semaphore_mem>>) src(%dma_wait3A_76 : memref<80x128xi32, #tpu.memory_space<hbm>>) dst(%arg6 : memref<80x128xi32, #tpu.memory_space<vmem>>)
        tpu.yield
      }) : () -> ()
      %add3A_16 = arith.addi %mul3A_2, %mul3A_14 : i32
      "tpu.region"() ({
        %run_scoped3A = tpu.sem_alloc : memref<!tpu.dma_semaphore, #tpu.memory_space<semaphore_mem>>
        %dma_start3A_70 = arith.constant 0 : i32
        %dma_start3A_71 = tpu.memref_slice %arg4[%add3A_16, %dma_start3A_70] : memref<10240x128xi32, #tpu.memory_space<hbm>> -> memref<80x128xi32, #tpu.memory_space<hbm>>
        %dma_start3A_72 = arith.constant 0 : i32
        %dma_start3A_73 = tpu.memref_slice %arg4[%add3A_16, %dma_start3A_72] : memref<10240x128xi32, #tpu.memory_space<hbm>> -> memref<80x128xi32, #tpu.memory_space<hbm>>
        tpu.enqueue_dma source(%dma_start3A_73 : memref<80x128xi32, #tpu.memory_space<hbm>>) target(%arg7 : memref<80x128xi32, #tpu.memory_space<vmem>>) target_semaphore(%run_scoped3A : memref<!tpu.dma_semaphore, #tpu.memory_space<semaphore_mem>>)
        %dma_wait3A = arith.constant 0 : i32
        %dma_wait3A_74 = tpu.memref_slice %arg4[%add3A_16, %dma_wait3A] : memref<10240x128xi32, #tpu.memory_space<hbm>> -> memref<80x128xi32, #tpu.memory_space<hbm>>
        %dma_wait3A_75 = arith.constant 0 : i32
        %dma_wait3A_76 = tpu.memref_slice %arg4[%add3A_16, %dma_wait3A_75] : memref<10240x128xi32, #tpu.memory_space<hbm>> -> memref<80x128xi32, #tpu.memory_space<hbm>>
        tpu.wait_dma2 semaphore(%run_scoped3A : memref<!tpu.dma_semaphore, #tpu.memory_space<semaphore_mem>>) src(%dma_wait3A_76 : memref<80x128xi32, #tpu.memory_space<hbm>>) dst(%arg7 : memref<80x128xi32, #tpu.memory_space<vmem>>)
        tpu.yield
      }) : () -> ()
      %dma_start3A = arith.constant 0 : i32
      %dma_start3A_17 = arith.constant 0 : i32
      %dma_start3A_18 = arith.constant 0 : i32
      %dma_start3A_19 = arith.constant 0 : i32
      %dma_start3A_20 = tpu.memref_slice %arg8[%dma_start3A_17, %dma_start3A_18, %dma_start3A_19] : memref<4x128x32xi32, #tpu.memory_space<vmem>> -> memref<1x128x32xi32, #tpu.memory_space<vmem>>
      %dma_start3A_21 = tpu.memref_squeeze %dma_start3A_20 : memref<1x128x32xi32, #tpu.memory_space<vmem>> -> memref<128x32xi32, #tpu.memory_space<vmem>>
      %dma_start3A_22 = arith.constant 0 : i32
      %dma_start3A_23 = tpu.memref_slice %arg6[%dma_start3A, %dma_start3A_22] : memref<80x128xi32, #tpu.memory_space<vmem>> -> memref<1x128xi32, #tpu.memory_space<vmem>>
      %dma_start3A_24 = tpu.memref_squeeze %dma_start3A_23 : memref<1x128xi32, #tpu.memory_space<vmem>> -> memref<128xi32, #tpu.memory_space<vmem>>
      %dma_start3A_25 = arith.constant 0 : i32
      %dma_start3A_26 = arith.constant 0 : i32
      %dma_start3A_27 = tpu.memref_slice %arg10[%dma_start3A_25, %dma_start3A_26] : memref<10240x32xi32, #tpu.memory_space<vmem_shared>> -> memref<10240x32xi32, #tpu.memory_space<vmem_shared>>
      tpu.enqueue_indirect_dma source(%dma_start3A_27 : memref<10240x32xi32, #tpu.memory_space<vmem_shared>>) target(%dma_start3A_21 : memref<128x32xi32, #tpu.memory_space<vmem>>) offsets(%dma_start3A_24 : memref<128xi32, #tpu.memory_space<vmem>>) semaphore(%arg11 : memref<!tpu.dma_semaphore, #tpu.memory_space<semaphore_mem>>)
      %dma_start3A_28 = arith.constant 1 : i32
      %dma_start3A_29 = arith.constant 1 : i32
      %dma_start3A_30 = arith.constant 0 : i32
      %dma_start3A_31 = arith.constant 0 : i32
      %dma_start3A_32 = tpu.memref_slice %arg8[%dma_start3A_29, %dma_start3A_30, %dma_start3A_31] : memref<4x128x32xi32, #tpu.memory_space<vmem>> -> memref<1x128x32xi32, #tpu.memory_space<vmem>>
      %dma_start3A_33 = tpu.memref_squeeze %dma_start3A_32 : memref<1x128x32xi32, #tpu.memory_space<vmem>> -> memref<128x32xi32, #tpu.memory_space<vmem>>
      %dma_start3A_34 = arith.constant 0 : i32
      %dma_start3A_35 = tpu.memref_slice %arg6[%dma_start3A_28, %dma_start3A_34] : memref<80x128xi32, #tpu.memory_space<vmem>> -> memref<1x128xi32, #tpu.memory_space<vmem>>
      %dma_start3A_36 = tpu.memref_squeeze %dma_start3A_35 : memref<1x128xi32, #tpu.memory_space<vmem>> -> memref<128xi32, #tpu.memory_space<vmem>>
      %dma_start3A_37 = arith.constant 0 : i32
      %dma_start3A_38 = arith.constant 0 : i32
      %dma_start3A_39 = tpu.memref_slice %arg10[%dma_start3A_37, %dma_start3A_38] : memref<10240x32xi32, #tpu.memory_space<vmem_shared>> -> memref<10240x32xi32, #tpu.memory_space<vmem_shared>>
      tpu.enqueue_indirect_dma source(%dma_start3A_39 : memref<10240x32xi32, #tpu.memory_space<vmem_shared>>) target(%dma_start3A_33 : memref<128x32xi32, #tpu.memory_space<vmem>>) offsets(%dma_start3A_36 : memref<128xi32, #tpu.memory_space<vmem>>) semaphore(%arg12 : memref<!tpu.dma_semaphore, #tpu.memory_space<semaphore_mem>>)
      %dma_start3A_40 = arith.constant 2 : i32
      %dma_start3A_41 = arith.constant 2 : i32
      %dma_start3A_42 = arith.constant 0 : i32
      %dma_start3A_43 = arith.constant 0 : i32
      %dma_start3A_44 = tpu.memref_slice %arg8[%dma_start3A_41, %dma_start3A_42, %dma_start3A_43] : memref<4x128x32xi32, #tpu.memory_space<vmem>> -> memref<1x128x32xi32, #tpu.memory_space<vmem>>
      %dma_start3A_45 = tpu.memref_squeeze %dma_start3A_44 : memref<1x128x32xi32, #tpu.memory_space<vmem>> -> memref<128x32xi32, #tpu.memory_space<vmem>>
      %dma_start3A_46 = arith.constant 0 : i32
      %dma_start3A_47 = tpu.memref_slice %arg6[%dma_start3A_40, %dma_start3A_46] : memref<80x128xi32, #tpu.memory_space<vmem>> -> memref<1x128xi32, #tpu.memory_space<vmem>>
      %dma_start3A_48 = tpu.memref_squeeze %dma_start3A_47 : memref<1x128xi32, #tpu.memory_space<vmem>> -> memref<128xi32, #tpu.memory_space<vmem>>
      %dma_start3A_49 = arith.constant 0 : i32
      %dma_start3A_50 = arith.constant 0 : i32
      %dma_start3A_51 = tpu.memref_slice %arg10[%dma_start3A_49, %dma_start3A_50] : memref<10240x32xi32, #tpu.memory_space<vmem_shared>> -> memref<10240x32xi32, #tpu.memory_space<vmem_shared>>
      tpu.enqueue_indirect_dma source(%dma_start3A_51 : memref<10240x32xi32, #tpu.memory_space<vmem_shared>>) target(%dma_start3A_45 : memref<128x32xi32, #tpu.memory_space<vmem>>) offsets(%dma_start3A_48 : memref<128xi32, #tpu.memory_space<vmem>>) semaphore(%arg13 : memref<!tpu.dma_semaphore, #tpu.memory_space<semaphore_mem>>)
      %dma_start3A_52 = arith.constant 3 : i32
      %dma_start3A_53 = arith.constant 3 : i32
      %dma_start3A_54 = arith.constant 0 : i32
      %dma_start3A_55 = arith.constant 0 : i32
      %dma_start3A_56 = tpu.memref_slice %arg8[%dma_start3A_53, %dma_start3A_54, %dma_start3A_55] : memref<4x128x32xi32, #tpu.memory_space<vmem>> -> memref<1x128x32xi32, #tpu.memory_space<vmem>>
      %dma_start3A_57 = tpu.memref_squeeze %dma_start3A_56 : memref<1x128x32xi32, #tpu.memory_space<vmem>> -> memref<128x32xi32, #tpu.memory_space<vmem>>
      %dma_start3A_58 = arith.constant 0 : i32
      %dma_start3A_59 = tpu.memref_slice %arg6[%dma_start3A_52, %dma_start3A_58] : memref<80x128xi32, #tpu.memory_space<vmem>> -> memref<1x128xi32, #tpu.memory_space<vmem>>
      %dma_start3A_60 = tpu.memref_squeeze %dma_start3A_59 : memref<1x128xi32, #tpu.memory_space<vmem>> -> memref<128xi32, #tpu.memory_space<vmem>>
      %dma_start3A_61 = arith.constant 0 : i32
      %dma_start3A_62 = arith.constant 0 : i32
      %dma_start3A_63 = tpu.memref_slice %arg10[%dma_start3A_61, %dma_start3A_62] : memref<10240x32xi32, #tpu.memory_space<vmem_shared>> -> memref<10240x32xi32, #tpu.memory_space<vmem_shared>>
      tpu.enqueue_indirect_dma source(%dma_start3A_63 : memref<10240x32xi32, #tpu.memory_space<vmem_shared>>) target(%dma_start3A_57 : memref<128x32xi32, #tpu.memory_space<vmem>>) offsets(%dma_start3A_60 : memref<128xi32, #tpu.memory_space<vmem>>) semaphore(%arg14 : memref<!tpu.dma_semaphore, #tpu.memory_space<semaphore_mem>>)
      %scan3A_64 = arith.constant 0 : i32
      %scan3A_65 = arith.constant 0 : i32
      %scan3A_66 = arith.constant 80 : i32
      %scan3A_67 = arith.addi %scan3A_65, %scan3A_66 : i32
      %scan3A_68 = arith.constant 1 : i32
      scf.for %scan3A_70 = %scan3A_65 to %scan3A_67 step %scan3A_68  : i32 {
        %and3A = arith.constant 3 : i32
        %and3A_71 = arith.andi %scan3A_70, %and3A : i32
        %eq3A = arith.constant 0 : i32
        %eq3A_72 = arith.cmpi eq, %and3A_71, %eq3A : i32
        %convert_element_type3A = arith.extui %eq3A_72 : i1 to i32
        %cond3A = arith.constant 0 : i32
        %cond3A_73 = arith.cmpi ne, %convert_element_type3A, %cond3A : i32
        scf.if %cond3A_73 {
          %dma_wait3A = arith.constant 0 : i32
          %dma_wait3A_165 = arith.constant 0 : i32
          %dma_wait3A_166 = arith.constant 0 : i32
          %dma_wait3A_167 = tpu.memref_slice %arg8[%dma_wait3A, %dma_wait3A_165, %dma_wait3A_166] : memref<4x128x32xi32, #tpu.memory_space<vmem>> -> memref<1x128x32xi32, #tpu.memory_space<vmem>>
          %dma_wait3A_168 = tpu.memref_squeeze %dma_wait3A_167 : memref<1x128x32xi32, #tpu.memory_space<vmem>> -> memref<128x32xi32, #tpu.memory_space<vmem>>
          %dma_wait3A_169 = arith.constant 0 : i32
          %dma_wait3A_170 = arith.constant 0 : i32
          %dma_wait3A_171 = tpu.memref_slice %arg2[%dma_wait3A_169, %dma_wait3A_170] : memref<10240x32xi32, #tpu.memory_space<hbm>> -> memref<128x32xi32, #tpu.memory_space<hbm>>
          %dma_wait3A_172 = arith.constant 0 : i32
          %dma_wait3A_173 = arith.constant 0 : i32
          %dma_wait3A_174 = tpu.memref_slice %arg8[%dma_wait3A, %dma_wait3A_172, %dma_wait3A_173] : memref<4x128x32xi32, #tpu.memory_space<vmem>> -> memref<1x128x32xi32, #tpu.memory_space<vmem>>
          %dma_wait3A_175 = tpu.memref_squeeze %dma_wait3A_174 : memref<1x128x32xi32, #tpu.memory_space<vmem>> -> memref<128x32xi32, #tpu.memory_space<vmem>>
          %dma_wait3A_176 = arith.constant 0 : i32
          %dma_wait3A_177 = arith.constant 0 : i32
          %dma_wait3A_178 = tpu.memref_slice %arg2[%dma_wait3A_176, %dma_wait3A_177] : memref<10240x32xi32, #tpu.memory_space<hbm>> -> memref<128x32xi32, #tpu.memory_space<hbm>>
          tpu.wait_dma2 semaphore(%arg11 : memref<!tpu.dma_semaphore, #tpu.memory_space<semaphore_mem>>) src(%dma_wait3A_178 : memref<128x32xi32, #tpu.memory_space<hbm>>) dst(%dma_wait3A_175 : memref<128x32xi32, #tpu.memory_space<vmem>>)
        } else {
        }
        %eq3A_74 = arith.constant 1 : i32
        %eq3A_75 = arith.cmpi eq, %and3A_71, %eq3A_74 : i32
        %convert_element_type3A_76 = arith.extui %eq3A_75 : i1 to i32
        %cond3A_77 = arith.constant 0 : i32
        %cond3A_78 = arith.cmpi ne, %convert_element_type3A_76, %cond3A_77 : i32
        scf.if %cond3A_78 {
          %dma_wait3A = arith.constant 1 : i32
          %dma_wait3A_165 = arith.constant 0 : i32
          %dma_wait3A_166 = arith.constant 0 : i32
          %dma_wait3A_167 = tpu.memref_slice %arg8[%dma_wait3A, %dma_wait3A_165, %dma_wait3A_166] : memref<4x128x32xi32, #tpu.memory_space<vmem>> -> memref<1x128x32xi32, #tpu.memory_space<vmem>>
          %dma_wait3A_168 = tpu.memref_squeeze %dma_wait3A_167 : memref<1x128x32xi32, #tpu.memory_space<vmem>> -> memref<128x32xi32, #tpu.memory_space<vmem>>
          %dma_wait3A_169 = arith.constant 0 : i32
          %dma_wait3A_170 = arith.constant 0 : i32
          %dma_wait3A_171 = tpu.memref_slice %arg2[%dma_wait3A_169, %dma_wait3A_170] : memref<10240x32xi32, #tpu.memory_space<hbm>> -> memref<128x32xi32, #tpu.memory_space<hbm>>
          %dma_wait3A_172 = arith.constant 0 : i32
          %dma_wait3A_173 = arith.constant 0 : i32
          %dma_wait3A_174 = tpu.memref_slice %arg8[%dma_wait3A, %dma_wait3A_172, %dma_wait3A_173] : memref<4x128x32xi32, #tpu.memory_space<vmem>> -> memref<1x128x32xi32, #tpu.memory_space<vmem>>
          %dma_wait3A_175 = tpu.memref_squeeze %dma_wait3A_174 : memref<1x128x32xi32, #tpu.memory_space<vmem>> -> memref<128x32xi32, #tpu.memory_space<vmem>>
          %dma_wait3A_176 = arith.constant 0 : i32
          %dma_wait3A_177 = arith.constant 0 : i32
          %dma_wait3A_178 = tpu.memref_slice %arg2[%dma_wait3A_176, %dma_wait3A_177] : memref<10240x32xi32, #tpu.memory_space<hbm>> -> memref<128x32xi32, #tpu.memory_space<hbm>>
          tpu.wait_dma2 semaphore(%arg12 : memref<!tpu.dma_semaphore, #tpu.memory_space<semaphore_mem>>) src(%dma_wait3A_178 : memref<128x32xi32, #tpu.memory_space<hbm>>) dst(%dma_wait3A_175 : memref<128x32xi32, #tpu.memory_space<vmem>>)
        } else {
        }
        %eq3A_79 = arith.constant 2 : i32
        %eq3A_80 = arith.cmpi eq, %and3A_71, %eq3A_79 : i32
        %convert_element_type3A_81 = arith.extui %eq3A_80 : i1 to i32
        %cond3A_82 = arith.constant 0 : i32
        %cond3A_83 = arith.cmpi ne, %convert_element_type3A_81, %cond3A_82 : i32
        scf.if %cond3A_83 {
          %dma_wait3A = arith.constant 2 : i32
          %dma_wait3A_165 = arith.constant 0 : i32
          %dma_wait3A_166 = arith.constant 0 : i32
          %dma_wait3A_167 = tpu.memref_slice %arg8[%dma_wait3A, %dma_wait3A_165, %dma_wait3A_166] : memref<4x128x32xi32, #tpu.memory_space<vmem>> -> memref<1x128x32xi32, #tpu.memory_space<vmem>>
          %dma_wait3A_168 = tpu.memref_squeeze %dma_wait3A_167 : memref<1x128x32xi32, #tpu.memory_space<vmem>> -> memref<128x32xi32, #tpu.memory_space<vmem>>
          %dma_wait3A_169 = arith.constant 0 : i32
          %dma_wait3A_170 = arith.constant 0 : i32
          %dma_wait3A_171 = tpu.memref_slice %arg2[%dma_wait3A_169, %dma_wait3A_170] : memref<10240x32xi32, #tpu.memory_space<hbm>> -> memref<128x32xi32, #tpu.memory_space<hbm>>
          %dma_wait3A_172 = arith.constant 0 : i32
          %dma_wait3A_173 = arith.constant 0 : i32
          %dma_wait3A_174 = tpu.memref_slice %arg8[%dma_wait3A, %dma_wait3A_172, %dma_wait3A_173] : memref<4x128x32xi32, #tpu.memory_space<vmem>> -> memref<1x128x32xi32, #tpu.memory_space<vmem>>
          %dma_wait3A_175 = tpu.memref_squeeze %dma_wait3A_174 : memref<1x128x32xi32, #tpu.memory_space<vmem>> -> memref<128x32xi32, #tpu.memory_space<vmem>>
          %dma_wait3A_176 = arith.constant 0 : i32
          %dma_wait3A_177 = arith.constant 0 : i32
          %dma_wait3A_178 = tpu.memref_slice %arg2[%dma_wait3A_176, %dma_wait3A_177] : memref<10240x32xi32, #tpu.memory_space<hbm>> -> memref<128x32xi32, #tpu.memory_space<hbm>>
          tpu.wait_dma2 semaphore(%arg13 : memref<!tpu.dma_semaphore, #tpu.memory_space<semaphore_mem>>) src(%dma_wait3A_178 : memref<128x32xi32, #tpu.memory_space<hbm>>) dst(%dma_wait3A_175 : memref<128x32xi32, #tpu.memory_space<vmem>>)
        } else {
        }
        %eq3A_84 = arith.constant 3 : i32
        %eq3A_85 = arith.cmpi eq, %and3A_71, %eq3A_84 : i32
        %convert_element_type3A_86 = arith.extui %eq3A_85 : i1 to i32
        %cond3A_87 = arith.constant 0 : i32
        %cond3A_88 = arith.cmpi ne, %convert_element_type3A_86, %cond3A_87 : i32
        scf.if %cond3A_88 {
          %dma_wait3A = arith.constant 3 : i32
          %dma_wait3A_165 = arith.constant 0 : i32
          %dma_wait3A_166 = arith.constant 0 : i32
          %dma_wait3A_167 = tpu.memref_slice %arg8[%dma_wait3A, %dma_wait3A_165, %dma_wait3A_166] : memref<4x128x32xi32, #tpu.memory_space<vmem>> -> memref<1x128x32xi32, #tpu.memory_space<vmem>>
          %dma_wait3A_168 = tpu.memref_squeeze %dma_wait3A_167 : memref<1x128x32xi32, #tpu.memory_space<vmem>> -> memref<128x32xi32, #tpu.memory_space<vmem>>
          %dma_wait3A_169 = arith.constant 0 : i32
          %dma_wait3A_170 = arith.constant 0 : i32
          %dma_wait3A_171 = tpu.memref_slice %arg2[%dma_wait3A_169, %dma_wait3A_170] : memref<10240x32xi32, #tpu.memory_space<hbm>> -> memref<128x32xi32, #tpu.memory_space<hbm>>
          %dma_wait3A_172 = arith.constant 0 : i32
          %dma_wait3A_173 = arith.constant 0 : i32
          %dma_wait3A_174 = tpu.memref_slice %arg8[%dma_wait3A, %dma_wait3A_172, %dma_wait3A_173] : memref<4x128x32xi32, #tpu.memory_space<vmem>> -> memref<1x128x32xi32, #tpu.memory_space<vmem>>
          %dma_wait3A_175 = tpu.memref_squeeze %dma_wait3A_174 : memref<1x128x32xi32, #tpu.memory_space<vmem>> -> memref<128x32xi32, #tpu.memory_space<vmem>>
          %dma_wait3A_176 = arith.constant 0 : i32
          %dma_wait3A_177 = arith.constant 0 : i32
          %dma_wait3A_178 = tpu.memref_slice %arg2[%dma_wait3A_176, %dma_wait3A_177] : memref<10240x32xi32, #tpu.memory_space<hbm>> -> memref<128x32xi32, #tpu.memory_space<hbm>>
          tpu.wait_dma2 semaphore(%arg14 : memref<!tpu.dma_semaphore, #tpu.memory_space<semaphore_mem>>) src(%dma_wait3A_178 : memref<128x32xi32, #tpu.memory_space<hbm>>) dst(%dma_wait3A_175 : memref<128x32xi32, #tpu.memory_space<vmem>>)
        } else {
        }
        %add3A_89 = arith.addi %mul3A_14, %scan3A_70 : i32
        %broadcast_in_dim3A = arith.constant 0.000000e+00 : f32
        %broadcast_in_dim3A_90 = vector.broadcast %broadcast_in_dim3A : f32 to vector<16xf32>
        %broadcast_in_dim3A_91 = arith.constant 0.000000e+00 : f32
        %broadcast_in_dim3A_92 = vector.broadcast %broadcast_in_dim3A_91 : f32 to vector<16xf32>
        %broadcast_in_dim3A_93 = arith.constant 0.000000e+00 : f32
        %broadcast_in_dim3A_94 = vector.broadcast %broadcast_in_dim3A_93 : f32 to vector<16xf32>
        %broadcast_in_dim3A_95 = arith.constant 0.000000e+00 : f32
        %broadcast_in_dim3A_96 = vector.broadcast %broadcast_in_dim3A_95 : f32 to vector<16xf32>
        %broadcast_in_dim3A_97 = arith.constant 0.000000e+00 : f32
        %broadcast_in_dim3A_98 = vector.broadcast %broadcast_in_dim3A_97 : f32 to vector<16xf32>
        %broadcast_in_dim3A_99 = arith.constant 0.000000e+00 : f32
        %broadcast_in_dim3A_100 = vector.broadcast %broadcast_in_dim3A_99 : f32 to vector<16xf32>
        %broadcast_in_dim3A_101 = arith.constant 0.000000e+00 : f32
        %broadcast_in_dim3A_102 = vector.broadcast %broadcast_in_dim3A_101 : f32 to vector<16xf32>
        %broadcast_in_dim3A_103 = arith.constant 0.000000e+00 : f32
        %broadcast_in_dim3A_104 = vector.broadcast %broadcast_in_dim3A_103 : f32 to vector<16xf32>
        %scan3A_105 = arith.constant 0 : i32
        %scan3A_106 = arith.constant 8 : i32
        %scan3A_107 = arith.addi %scan3A_105, %scan3A_106 : i32
        %scan3A_108 = arith.constant 2 : i32
        %scan3A_109:8 = scf.for %scan3A_165 = %scan3A_105 to %scan3A_107 step %scan3A_108 iter_args(%scan3A_166 = %broadcast_in_dim3A_90, %scan3A_167 = %broadcast_in_dim3A_92, %scan3A_168 = %broadcast_in_dim3A_94, %scan3A_169 = %broadcast_in_dim3A_96, %scan3A_170 = %broadcast_in_dim3A_98, %scan3A_171 = %broadcast_in_dim3A_100, %scan3A_172 = %broadcast_in_dim3A_102, %scan3A_173 = %broadcast_in_dim3A_104) -> (vector<16xf32>, vector<16xf32>, vector<16xf32>, vector<16xf32>, vector<16xf32>, vector<16xf32>, vector<16xf32>, vector<16xf32>)  : i32 {
          %mul3A_174 = arith.constant 16 : i32
          %mul3A_175 = arith.muli %scan3A_165, %mul3A_174 : i32
          %get3A = arith.index_cast %scan3A_70 : i32 to index
          %get3A_176 = arith.index_cast %mul3A_175 : i32 to index
          %get3A_177 = tpu.vector_load %arg7[%get3A, %get3A_176] {strides = array<i32>} : memref<80x128xi32, #tpu.memory_space<vmem>>, vector<16xi32>,
          %slice3A = vector.extract_strided_slice %get3A_177 {offsets = [0], sizes = [1], strides = [1]} : vector<16xi32> to vector<1xi32>
          %squeeze3A = vector.extract %slice3A[0] : i32 from vector<1xi32>
          %broadcast_in_dim3A_178 = vector.broadcast %squeeze3A : i32 to vector<16xi32>
          %bitcast3A = vector.bitcast %broadcast_in_dim3A_178 : vector<16xi32> to vector<32xbf16>
          %add3A_179 = arith.constant 0 : i32
          %add3A_180 = arith.addi %mul3A_175, %add3A_179 : i32
          %get3A_181 = arith.constant 0 : i32
          %get3A_182 = arith.constant 0 : i32
          %get3A_183 = tpu.memref_slice %arg8[%and3A_71, %get3A_181, %get3A_182] : memref<4x128x32xi32, #tpu.memory_space<vmem>> -> memref<1x128x32xi32, #tpu.memory_space<vmem>>
          %get3A_184 = tpu.memref_squeeze %get3A_183 : memref<1x128x32xi32, #tpu.memory_space<vmem>> -> memref<128x32xi32, #tpu.memory_space<vmem>>
          %get3A_185 = arith.index_cast %add3A_180 : i32 to index
          %get3A_186 = arith.constant 0 : index
          %get3A_187 = tpu.vector_load %get3A_184[%get3A_185, %get3A_186] {strides = array<i32>} : memref<128x32xi32, #tpu.memory_space<vmem>>, vector<16xi32>,
          %bitcast3A_188 = vector.bitcast %get3A_187 : vector<16xi32> to vector<32xbf16>
          %mul3A_189 = arith.mulf %bitcast3A_188, %bitcast3A : vector<32xbf16>
          %bitcast3A_190 = vector.bitcast %mul3A_189 : vector<32xbf16> to vector<16xi32>
          %shift_left3A = arith.constant 16 : i32
          %shift_left3A_191 = vector.broadcast %shift_left3A : i32 to vector<16xi32>
          %shift_left3A_192 = arith.shli %bitcast3A_190, %shift_left3A_191 : vector<16xi32>
          %bitcast3A_193 = vector.bitcast %shift_left3A_192 : vector<16xi32> to vector<16xf32>
          %bitcast3A_194 = vector.bitcast %bitcast3A_190 : vector<16xi32> to vector<16xf32>
          %add3A_195 = arith.addf %scan3A_166, %bitcast3A_193 : vector<16xf32>
          %add3A_196 = arith.addf %scan3A_167, %bitcast3A_194 : vector<16xf32>
          %add3A_197 = arith.constant 0 : i32
          %add3A_198 = arith.addi %mul3A_175, %add3A_197 : i32
          %get3A_199 = arith.constant 0 : i32
          %get3A_200 = arith.constant 0 : i32
          %get3A_201 = tpu.memref_slice %arg8[%and3A_71, %get3A_199, %get3A_200] : memref<4x128x32xi32, #tpu.memory_space<vmem>> -> memref<1x128x32xi32, #tpu.memory_space<vmem>>
          %get3A_202 = tpu.memref_squeeze %get3A_201 : memref<1x128x32xi32, #tpu.memory_space<vmem>> -> memref<128x32xi32, #tpu.memory_space<vmem>>
          %get3A_203 = arith.index_cast %add3A_198 : i32 to index
          %get3A_204 = arith.constant 16 : index
          %get3A_205 = tpu.vector_load %get3A_202[%get3A_203, %get3A_204] {strides = array<i32>} : memref<128x32xi32, #tpu.memory_space<vmem>>, vector<16xi32>,
          %bitcast3A_206 = vector.bitcast %get3A_205 : vector<16xi32> to vector<32xbf16>
          %mul3A_207 = arith.mulf %bitcast3A_206, %bitcast3A : vector<32xbf16>
          %bitcast3A_208 = vector.bitcast %mul3A_207 : vector<32xbf16> to vector<16xi32>
          %shift_left3A_209 = arith.constant 16 : i32
          %shift_left3A_210 = vector.broadcast %shift_left3A_209 : i32 to vector<16xi32>
          %shift_left3A_211 = arith.shli %bitcast3A_208, %shift_left3A_210 : vector<16xi32>
          %bitcast3A_212 = vector.bitcast %shift_left3A_211 : vector<16xi32> to vector<16xf32>
          %bitcast3A_213 = vector.bitcast %bitcast3A_208 : vector<16xi32> to vector<16xf32>
          %add3A_214 = arith.addf %scan3A_168, %bitcast3A_212 : vector<16xf32>
          %add3A_215 = arith.addf %scan3A_169, %bitcast3A_213 : vector<16xf32>
          %slice3A_216 = vector.extract_strided_slice %get3A_177 {offsets = [1], sizes = [1], strides = [1]} : vector<16xi32> to vector<1xi32>
          %squeeze3A_217 = vector.extract %slice3A_216[0] : i32 from vector<1xi32>
          %broadcast_in_dim3A_218 = vector.broadcast %squeeze3A_217 : i32 to vector<16xi32>
          %bitcast3A_219 = vector.bitcast %broadcast_in_dim3A_218 : vector<16xi32> to vector<32xbf16>
          %add3A_220 = arith.constant 1 : i32
          %add3A_221 = arith.addi %mul3A_175, %add3A_220 : i32
          %get3A_222 = arith.constant 0 : i32
          %get3A_223 = arith.constant 0 : i32
          %get3A_224 = tpu.memref_slice %arg8[%and3A_71, %get3A_222, %get3A_223] : memref<4x128x32xi32, #tpu.memory_space<vmem>> -> memref<1x128x32xi32, #tpu.memory_space<vmem>>
          %get3A_225 = tpu.memref_squeeze %get3A_224 : memref<1x128x32xi32, #tpu.memory_space<vmem>> -> memref<128x32xi32, #tpu.memory_space<vmem>>
          %get3A_226 = arith.index_cast %add3A_221 : i32 to index
          %get3A_227 = arith.constant 0 : index
          %get3A_228 = tpu.vector_load %get3A_225[%get3A_226, %get3A_227] {strides = array<i32>} : memref<128x32xi32, #tpu.memory_space<vmem>>, vector<16xi32>,
          %bitcast3A_229 = vector.bitcast %get3A_228 : vector<16xi32> to vector<32xbf16>
          %mul3A_230 = arith.mulf %bitcast3A_229, %bitcast3A_219 : vector<32xbf16>
          %bitcast3A_231 = vector.bitcast %mul3A_230 : vector<32xbf16> to vector<16xi32>
          %shift_left3A_232 = arith.constant 16 : i32
          %shift_left3A_233 = vector.broadcast %shift_left3A_232 : i32 to vector<16xi32>
          %shift_left3A_234 = arith.shli %bitcast3A_231, %shift_left3A_233 : vector<16xi32>
          %bitcast3A_235 = vector.bitcast %shift_left3A_234 : vector<16xi32> to vector<16xf32>
          %bitcast3A_236 = vector.bitcast %bitcast3A_231 : vector<16xi32> to vector<16xf32>
          %add3A_237 = arith.addf %scan3A_170, %bitcast3A_235 : vector<16xf32>
          %add3A_238 = arith.addf %scan3A_171, %bitcast3A_236 : vector<16xf32>
          %add3A_239 = arith.constant 1 : i32
          %add3A_240 = arith.addi %mul3A_175, %add3A_239 : i32
          %get3A_241 = arith.constant 0 : i32
          %get3A_242 = arith.constant 0 : i32
          %get3A_243 = tpu.memref_slice %arg8[%and3A_71, %get3A_241, %get3A_242] : memref<4x128x32xi32, #tpu.memory_space<vmem>> -> memref<1x128x32xi32, #tpu.memory_space<vmem>>
          %get3A_244 = tpu.memref_squeeze %get3A_243 : memref<1x128x32xi32, #tpu.memory_space<vmem>> -> memref<128x32xi32, #tpu.memory_space<vmem>>
          %get3A_245 = arith.index_cast %add3A_240 : i32 to index
          %get3A_246 = arith.constant 16 : index
          %get3A_247 = tpu.vector_load %get3A_244[%get3A_245, %get3A_246] {strides = array<i32>} : memref<128x32xi32, #tpu.memory_space<vmem>>, vector<16xi32>,
          %bitcast3A_248 = vector.bitcast %get3A_247 : vector<16xi32> to vector<32xbf16>
          %mul3A_249 = arith.mulf %bitcast3A_248, %bitcast3A_219 : vector<32xbf16>
          %bitcast3A_250 = vector.bitcast %mul3A_249 : vector<32xbf16> to vector<16xi32>
          %shift_left3A_251 = arith.constant 16 : i32
          %shift_left3A_252 = vector.broadcast %shift_left3A_251 : i32 to vector<16xi32>
          %shift_left3A_253 = arith.shli %bitcast3A_250, %shift_left3A_252 : vector<16xi32>
          %bitcast3A_254 = vector.bitcast %shift_left3A_253 : vector<16xi32> to vector<16xf32>
          %bitcast3A_255 = vector.bitcast %bitcast3A_250 : vector<16xi32> to vector<16xf32>
          %add3A_256 = arith.addf %scan3A_172, %bitcast3A_254 : vector<16xf32>
          %add3A_257 = arith.addf %scan3A_173, %bitcast3A_255 : vector<16xf32>
          %slice3A_258 = vector.extract_strided_slice %get3A_177 {offsets = [2], sizes = [1], strides = [1]} : vector<16xi32> to vector<1xi32>
          %squeeze3A_259 = vector.extract %slice3A_258[0] : i32 from vector<1xi32>
          %broadcast_in_dim3A_260 = vector.broadcast %squeeze3A_259 : i32 to vector<16xi32>
          %bitcast3A_261 = vector.bitcast %broadcast_in_dim3A_260 : vector<16xi32> to vector<32xbf16>
          %add3A_262 = arith.constant 2 : i32
          %add3A_263 = arith.addi %mul3A_175, %add3A_262 : i32
          %get3A_264 = arith.constant 0 : i32
          %get3A_265 = arith.constant 0 : i32
          %get3A_266 = tpu.memref_slice %arg8[%and3A_71, %get3A_264, %get3A_265] : memref<4x128x32xi32, #tpu.memory_space<vmem>> -> memref<1x128x32xi32, #tpu.memory_space<vmem>>
          %get3A_267 = tpu.memref_squeeze %get3A_266 : memref<1x128x32xi32, #tpu.memory_space<vmem>> -> memref<128x32xi32, #tpu.memory_space<vmem>>
          %get3A_268 = arith.index_cast %add3A_263 : i32 to index
          %get3A_269 = arith.constant 0 : index
          %get3A_270 = tpu.vector_load %get3A_267[%get3A_268, %get3A_269] {strides = array<i32>} : memref<128x32xi32, #tpu.memory_space<vmem>>, vector<16xi32>,
          %bitcast3A_271 = vector.bitcast %get3A_270 : vector<16xi32> to vector<32xbf16>
          %mul3A_272 = arith.mulf %bitcast3A_271, %bitcast3A_261 : vector<32xbf16>
          %bitcast3A_273 = vector.bitcast %mul3A_272 : vector<32xbf16> to vector<16xi32>
          %shift_left3A_274 = arith.constant 16 : i32
          %shift_left3A_275 = vector.broadcast %shift_left3A_274 : i32 to vector<16xi32>
          %shift_left3A_276 = arith.shli %bitcast3A_273, %shift_left3A_275 : vector<16xi32>
          %bitcast3A_277 = vector.bitcast %shift_left3A_276 : vector<16xi32> to vector<16xf32>
          %bitcast3A_278 = vector.bitcast %bitcast3A_273 : vector<16xi32> to vector<16xf32>
          %add3A_279 = arith.addf %add3A_195, %bitcast3A_277 : vector<16xf32>
          %add3A_280 = arith.addf %add3A_196, %bitcast3A_278 : vector<16xf32>
          %add3A_281 = arith.constant 2 : i32
          %add3A_282 = arith.addi %mul3A_175, %add3A_281 : i32
          %get3A_283 = arith.constant 0 : i32
          %get3A_284 = arith.constant 0 : i32
          %get3A_285 = tpu.memref_slice %arg8[%and3A_71, %get3A_283, %get3A_284] : memref<4x128x32xi32, #tpu.memory_space<vmem>> -> memref<1x128x32xi32, #tpu.memory_space<vmem>>
          %get3A_286 = tpu.memref_squeeze %get3A_285 : memref<1x128x32xi32, #tpu.memory_space<vmem>> -> memref<128x32xi32, #tpu.memory_space<vmem>>
          %get3A_287 = arith.index_cast %add3A_282 : i32 to index
          %get3A_288 = arith.constant 16 : index
          %get3A_289 = tpu.vector_load %get3A_286[%get3A_287, %get3A_288] {strides = array<i32>} : memref<128x32xi32, #tpu.memory_space<vmem>>, vector<16xi32>,
          %bitcast3A_290 = vector.bitcast %get3A_289 : vector<16xi32> to vector<32xbf16>
          %mul3A_291 = arith.mulf %bitcast3A_290, %bitcast3A_261 : vector<32xbf16>
          %bitcast3A_292 = vector.bitcast %mul3A_291 : vector<32xbf16> to vector<16xi32>
          %shift_left3A_293 = arith.constant 16 : i32
          %shift_left3A_294 = vector.broadcast %shift_left3A_293 : i32 to vector<16xi32>
          %shift_left3A_295 = arith.shli %bitcast3A_292, %shift_left3A_294 : vector<16xi32>
          %bitcast3A_296 = vector.bitcast %shift_left3A_295 : vector<16xi32> to vector<16xf32>
          %bitcast3A_297 = vector.bitcast %bitcast3A_292 : vector<16xi32> to vector<16xf32>
          %add3A_298 = arith.addf %add3A_214, %bitcast3A_296 : vector<16xf32>
          %add3A_299 = arith.addf %add3A_215, %bitcast3A_297 : vector<16xf32>
          %slice3A_300 = vector.extract_strided_slice %get3A_177 {offsets = [3], sizes = [1], strides = [1]} : vector<16xi32> to vector<1xi32>
          %squeeze3A_301 = vector.extract %slice3A_300[0] : i32 from vector<1xi32>
          %broadcast_in_dim3A_302 = vector.broadcast %squeeze3A_301 : i32 to vector<16xi32>
          %bitcast3A_303 = vector.bitcast %broadcast_in_dim3A_302 : vector<16xi32> to vector<32xbf16>
          %add3A_304 = arith.constant 3 : i32
          %add3A_305 = arith.addi %mul3A_175, %add3A_304 : i32
          %get3A_306 = arith.constant 0 : i32
          %get3A_307 = arith.constant 0 : i32
          %get3A_308 = tpu.memref_slice %arg8[%and3A_71, %get3A_306, %get3A_307] : memref<4x128x32xi32, #tpu.memory_space<vmem>> -> memref<1x128x32xi32, #tpu.memory_space<vmem>>
          %get3A_309 = tpu.memref_squeeze %get3A_308 : memref<1x128x32xi32, #tpu.memory_space<vmem>> -> memref<128x32xi32, #tpu.memory_space<vmem>>
          %get3A_310 = arith.index_cast %add3A_305 : i32 to index
          %get3A_311 = arith.constant 0 : index
          %get3A_312 = tpu.vector_load %get3A_309[%get3A_310, %get3A_311] {strides = array<i32>} : memref<128x32xi32, #tpu.memory_space<vmem>>, vector<16xi32>,
          %bitcast3A_313 = vector.bitcast %get3A_312 : vector<16xi32> to vector<32xbf16>
          %mul3A_314 = arith.mulf %bitcast3A_313, %bitcast3A_303 : vector<32xbf16>
          %bitcast3A_315 = vector.bitcast %mul3A_314 : vector<32xbf16> to vector<16xi32>
          %shift_left3A_316 = arith.constant 16 : i32
          %shift_left3A_317 = vector.broadcast %shift_left3A_316 : i32 to vector<16xi32>
          %shift_left3A_318 = arith.shli %bitcast3A_315, %shift_left3A_317 : vector<16xi32>
          %bitcast3A_319 = vector.bitcast %shift_left3A_318 : vector<16xi32> to vector<16xf32>
          %bitcast3A_320 = vector.bitcast %bitcast3A_315 : vector<16xi32> to vector<16xf32>
          %add3A_321 = arith.addf %add3A_237, %bitcast3A_319 : vector<16xf32>
          %add3A_322 = arith.addf %add3A_238, %bitcast3A_320 : vector<16xf32>
          %add3A_323 = arith.constant 3 : i32
          %add3A_324 = arith.addi %mul3A_175, %add3A_323 : i32
          %get3A_325 = arith.constant 0 : i32
          %get3A_326 = arith.constant 0 : i32
          %get3A_327 = tpu.memref_slice %arg8[%and3A_71, %get3A_325, %get3A_326] : memref<4x128x32xi32, #tpu.memory_space<vmem>> -> memref<1x128x32xi32, #tpu.memory_space<vmem>>
          %get3A_328 = tpu.memref_squeeze %get3A_327 : memref<1x128x32xi32, #tpu.memory_space<vmem>> -> memref<128x32xi32, #tpu.memory_space<vmem>>
          %get3A_329 = arith.index_cast %add3A_324 : i32 to index
          %get3A_330 = arith.constant 16 : index
          %get3A_331 = tpu.vector_load %get3A_328[%get3A_329, %get3A_330] {strides = array<i32>} : memref<128x32xi32, #tpu.memory_space<vmem>>, vector<16xi32>,
          %bitcast3A_332 = vector.bitcast %get3A_331 : vector<16xi32> to vector<32xbf16>
          %mul3A_333 = arith.mulf %bitcast3A_332, %bitcast3A_303 : vector<32xbf16>
          %bitcast3A_334 = vector.bitcast %mul3A_333 : vector<32xbf16> to vector<16xi32>
          %shift_left3A_335 = arith.constant 16 : i32
          %shift_left3A_336 = vector.broadcast %shift_left3A_335 : i32 to vector<16xi32>
          %shift_left3A_337 = arith.shli %bitcast3A_334, %shift_left3A_336 : vector<16xi32>
          %bitcast3A_338 = vector.bitcast %shift_left3A_337 : vector<16xi32> to vector<16xf32>
          %bitcast3A_339 = vector.bitcast %bitcast3A_334 : vector<16xi32> to vector<16xf32>
          %add3A_340 = arith.addf %add3A_256, %bitcast3A_338 : vector<16xf32>
          %add3A_341 = arith.addf %add3A_257, %bitcast3A_339 : vector<16xf32>
          %slice3A_342 = vector.extract_strided_slice %get3A_177 {offsets = [4], sizes = [1], strides = [1]} : vector<16xi32> to vector<1xi32>
          %squeeze3A_343 = vector.extract %slice3A_342[0] : i32 from vector<1xi32>
          %broadcast_in_dim3A_344 = vector.broadcast %squeeze3A_343 : i32 to vector<16xi32>
          %bitcast3A_345 = vector.bitcast %broadcast_in_dim3A_344 : vector<16xi32> to vector<32xbf16>
          %add3A_346 = arith.constant 4 : i32
          %add3A_347 = arith.addi %mul3A_175, %add3A_346 : i32
          %get3A_348 = arith.constant 0 : i32
          %get3A_349 = arith.constant 0 : i32
          %get3A_350 = tpu.memref_slice %arg8[%and3A_71, %get3A_348, %get3A_349] : memref<4x128x32xi32, #tpu.memory_space<vmem>> -> memref<1x128x32xi32, #tpu.memory_space<vmem>>
          %get3A_351 = tpu.memref_squeeze %get3A_350 : memref<1x128x32xi32, #tpu.memory_space<vmem>> -> memref<128x32xi32, #tpu.memory_space<vmem>>
          %get3A_352 = arith.index_cast %add3A_347 : i32 to index
          %get3A_353 = arith.constant 0 : index
          %get3A_354 = tpu.vector_load %get3A_351[%get3A_352, %get3A_353] {strides = array<i32>} : memref<128x32xi32, #tpu.memory_space<vmem>>, vector<16xi32>,
          %bitcast3A_355 = vector.bitcast %get3A_354 : vector<16xi32> to vector<32xbf16>
          %mul3A_356 = arith.mulf %bitcast3A_355, %bitcast3A_345 : vector<32xbf16>
          %bitcast3A_357 = vector.bitcast %mul3A_356 : vector<32xbf16> to vector<16xi32>
          %shift_left3A_358 = arith.constant 16 : i32
          %shift_left3A_359 = vector.broadcast %shift_left3A_358 : i32 to vector<16xi32>
          %shift_left3A_360 = arith.shli %bitcast3A_357, %shift_left3A_359 : vector<16xi32>
          %bitcast3A_361 = vector.bitcast %shift_left3A_360 : vector<16xi32> to vector<16xf32>
          %bitcast3A_362 = vector.bitcast %bitcast3A_357 : vector<16xi32> to vector<16xf32>
          %add3A_363 = arith.addf %add3A_279, %bitcast3A_361 : vector<16xf32>
          %add3A_364 = arith.addf %add3A_280, %bitcast3A_362 : vector<16xf32>
          %add3A_365 = arith.constant 4 : i32
          %add3A_366 = arith.addi %mul3A_175, %add3A_365 : i32
          %get3A_367 = arith.constant 0 : i32
          %get3A_368 = arith.constant 0 : i32
          %get3A_369 = tpu.memref_slice %arg8[%and3A_71, %get3A_367, %get3A_368] : memref<4x128x32xi32, #tpu.memory_space<vmem>> -> memref<1x128x32xi32, #tpu.memory_space<vmem>>
          %get3A_370 = tpu.memref_squeeze %get3A_369 : memref<1x128x32xi32, #tpu.memory_space<vmem>> -> memref<128x32xi32, #tpu.memory_space<vmem>>
          %get3A_371 = arith.index_cast %add3A_366 : i32 to index
          %get3A_372 = arith.constant 16 : index
          %get3A_373 = tpu.vector_load %get3A_370[%get3A_371, %get3A_372] {strides = array<i32>} : memref<128x32xi32, #tpu.memory_space<vmem>>, vector<16xi32>,
          %bitcast3A_374 = vector.bitcast %get3A_373 : vector<16xi32> to vector<32xbf16>
          %mul3A_375 = arith.mulf %bitcast3A_374, %bitcast3A_345 : vector<32xbf16>
          %bitcast3A_376 = vector.bitcast %mul3A_375 : vector<32xbf16> to vector<16xi32>
          %shift_left3A_377 = arith.constant 16 : i32
          %shift_left3A_378 = vector.broadcast %shift_left3A_377 : i32 to vector<16xi32>
          %shift_left3A_379 = arith.shli %bitcast3A_376, %shift_left3A_378 : vector<16xi32>
          %bitcast3A_380 = vector.bitcast %shift_left3A_379 : vector<16xi32> to vector<16xf32>
          %bitcast3A_381 = vector.bitcast %bitcast3A_376 : vector<16xi32> to vector<16xf32>
          %add3A_382 = arith.addf %add3A_298, %bitcast3A_380 : vector<16xf32>
          %add3A_383 = arith.addf %add3A_299, %bitcast3A_381 : vector<16xf32>
          %slice3A_384 = vector.extract_strided_slice %get3A_177 {offsets = [5], sizes = [1], strides = [1]} : vector<16xi32> to vector<1xi32>
          %squeeze3A_385 = vector.extract %slice3A_384[0] : i32 from vector<1xi32>
          %broadcast_in_dim3A_386 = vector.broadcast %squeeze3A_385 : i32 to vector<16xi32>
          %bitcast3A_387 = vector.bitcast %broadcast_in_dim3A_386 : vector<16xi32> to vector<32xbf16>
          %add3A_388 = arith.constant 5 : i32
          %add3A_389 = arith.addi %mul3A_175, %add3A_388 : i32
          %get3A_390 = arith.constant 0 : i32
          %get3A_391 = arith.constant 0 : i32
          %get3A_392 = tpu.memref_slice %arg8[%and3A_71, %get3A_390, %get3A_391] : memref<4x128x32xi32, #tpu.memory_space<vmem>> -> memref<1x128x32xi32, #tpu.memory_space<vmem>>
          %get3A_393 = tpu.memref_squeeze %get3A_392 : memref<1x128x32xi32, #tpu.memory_space<vmem>> -> memref<128x32xi32, #tpu.memory_space<vmem>>
          %get3A_394 = arith.index_cast %add3A_389 : i32 to index
          %get3A_395 = arith.constant 0 : index
          %get3A_396 = tpu.vector_load %get3A_393[%get3A_394, %get3A_395] {strides = array<i32>} : memref<128x32xi32, #tpu.memory_space<vmem>>, vector<16xi32>,
          %bitcast3A_397 = vector.bitcast %get3A_396 : vector<16xi32> to vector<32xbf16>
          %mul3A_398 = arith.mulf %bitcast3A_397, %bitcast3A_387 : vector<32xbf16>
          %bitcast3A_399 = vector.bitcast %mul3A_398 : vector<32xbf16> to vector<16xi32>
          %shift_left3A_400 = arith.constant 16 : i32
          %shift_left3A_401 = vector.broadcast %shift_left3A_400 : i32 to vector<16xi32>
          %shift_left3A_402 = arith.shli %bitcast3A_399, %shift_left3A_401 : vector<16xi32>
          %bitcast3A_403 = vector.bitcast %shift_left3A_402 : vector<16xi32> to vector<16xf32>
          %bitcast3A_404 = vector.bitcast %bitcast3A_399 : vector<16xi32> to vector<16xf32>
          %add3A_405 = arith.addf %add3A_321, %bitcast3A_403 : vector<16xf32>
          %add3A_406 = arith.addf %add3A_322, %bitcast3A_404 : vector<16xf32>
          %add3A_407 = arith.constant 5 : i32
          %add3A_408 = arith.addi %mul3A_175, %add3A_407 : i32
          %get3A_409 = arith.constant 0 : i32
          %get3A_410 = arith.constant 0 : i32
          %get3A_411 = tpu.memref_slice %arg8[%and3A_71, %get3A_409, %get3A_410] : memref<4x128x32xi32, #tpu.memory_space<vmem>> -> memref<1x128x32xi32, #tpu.memory_space<vmem>>
          %get3A_412 = tpu.memref_squeeze %get3A_411 : memref<1x128x32xi32, #tpu.memory_space<vmem>> -> memref<128x32xi32, #tpu.memory_space<vmem>>
          %get3A_413 = arith.index_cast %add3A_408 : i32 to index
          %get3A_414 = arith.constant 16 : index
          %get3A_415 = tpu.vector_load %get3A_412[%get3A_413, %get3A_414] {strides = array<i32>} : memref<128x32xi32, #tpu.memory_space<vmem>>, vector<16xi32>,
          %bitcast3A_416 = vector.bitcast %get3A_415 : vector<16xi32> to vector<32xbf16>
          %mul3A_417 = arith.mulf %bitcast3A_416, %bitcast3A_387 : vector<32xbf16>
          %bitcast3A_418 = vector.bitcast %mul3A_417 : vector<32xbf16> to vector<16xi32>
          %shift_left3A_419 = arith.constant 16 : i32
          %shift_left3A_420 = vector.broadcast %shift_left3A_419 : i32 to vector<16xi32>
          %shift_left3A_421 = arith.shli %bitcast3A_418, %shift_left3A_420 : vector<16xi32>
          %bitcast3A_422 = vector.bitcast %shift_left3A_421 : vector<16xi32> to vector<16xf32>
          %bitcast3A_423 = vector.bitcast %bitcast3A_418 : vector<16xi32> to vector<16xf32>
          %add3A_424 = arith.addf %add3A_340, %bitcast3A_422 : vector<16xf32>
          %add3A_425 = arith.addf %add3A_341, %bitcast3A_423 : vector<16xf32>
          %slice3A_426 = vector.extract_strided_slice %get3A_177 {offsets = [6], sizes = [1], strides = [1]} : vector<16xi32> to vector<1xi32>
          %squeeze3A_427 = vector.extract %slice3A_426[0] : i32 from vector<1xi32>
          %broadcast_in_dim3A_428 = vector.broadcast %squeeze3A_427 : i32 to vector<16xi32>
          %bitcast3A_429 = vector.bitcast %broadcast_in_dim3A_428 : vector<16xi32> to vector<32xbf16>
          %add3A_430 = arith.constant 6 : i32
          %add3A_431 = arith.addi %mul3A_175, %add3A_430 : i32
          %get3A_432 = arith.constant 0 : i32
          %get3A_433 = arith.constant 0 : i32
          %get3A_434 = tpu.memref_slice %arg8[%and3A_71, %get3A_432, %get3A_433] : memref<4x128x32xi32, #tpu.memory_space<vmem>> -> memref<1x128x32xi32, #tpu.memory_space<vmem>>
          %get3A_435 = tpu.memref_squeeze %get3A_434 : memref<1x128x32xi32, #tpu.memory_space<vmem>> -> memref<128x32xi32, #tpu.memory_space<vmem>>
          %get3A_436 = arith.index_cast %add3A_431 : i32 to index
          %get3A_437 = arith.constant 0 : index
          %get3A_438 = tpu.vector_load %get3A_435[%get3A_436, %get3A_437] {strides = array<i32>} : memref<128x32xi32, #tpu.memory_space<vmem>>, vector<16xi32>,
          %bitcast3A_439 = vector.bitcast %get3A_438 : vector<16xi32> to vector<32xbf16>
          %mul3A_440 = arith.mulf %bitcast3A_439, %bitcast3A_429 : vector<32xbf16>
          %bitcast3A_441 = vector.bitcast %mul3A_440 : vector<32xbf16> to vector<16xi32>
          %shift_left3A_442 = arith.constant 16 : i32
          %shift_left3A_443 = vector.broadcast %shift_left3A_442 : i32 to vector<16xi32>
          %shift_left3A_444 = arith.shli %bitcast3A_441, %shift_left3A_443 : vector<16xi32>
          %bitcast3A_445 = vector.bitcast %shift_left3A_444 : vector<16xi32> to vector<16xf32>
          %bitcast3A_446 = vector.bitcast %bitcast3A_441 : vector<16xi32> to vector<16xf32>
          %add3A_447 = arith.addf %add3A_363, %bitcast3A_445 : vector<16xf32>
          %add3A_448 = arith.addf %add3A_364, %bitcast3A_446 : vector<16xf32>
          %add3A_449 = arith.constant 6 : i32
          %add3A_450 = arith.addi %mul3A_175, %add3A_449 : i32
          %get3A_451 = arith.constant 0 : i32
          %get3A_452 = arith.constant 0 : i32
          %get3A_453 = tpu.memref_slice %arg8[%and3A_71, %get3A_451, %get3A_452] : memref<4x128x32xi32, #tpu.memory_space<vmem>> -> memref<1x128x32xi32, #tpu.memory_space<vmem>>
          %get3A_454 = tpu.memref_squeeze %get3A_453 : memref<1x128x32xi32, #tpu.memory_space<vmem>> -> memref<128x32xi32, #tpu.memory_space<vmem>>
          %get3A_455 = arith.index_cast %add3A_450 : i32 to index
          %get3A_456 = arith.constant 16 : index
          %get3A_457 = tpu.vector_load %get3A_454[%get3A_455, %get3A_456] {strides = array<i32>} : memref<128x32xi32, #tpu.memory_space<vmem>>, vector<16xi32>,
          %bitcast3A_458 = vector.bitcast %get3A_457 : vector<16xi32> to vector<32xbf16>
          %mul3A_459 = arith.mulf %bitcast3A_458, %bitcast3A_429 : vector<32xbf16>
          %bitcast3A_460 = vector.bitcast %mul3A_459 : vector<32xbf16> to vector<16xi32>
          %shift_left3A_461 = arith.constant 16 : i32
          %shift_left3A_462 = vector.broadcast %shift_left3A_461 : i32 to vector<16xi32>
          %shift_left3A_463 = arith.shli %bitcast3A_460, %shift_left3A_462 : vector<16xi32>
          %bitcast3A_464 = vector.bitcast %shift_left3A_463 : vector<16xi32> to vector<16xf32>
          %bitcast3A_465 = vector.bitcast %bitcast3A_460 : vector<16xi32> to vector<16xf32>
          %add3A_466 = arith.addf %add3A_382, %bitcast3A_464 : vector<16xf32>
          %add3A_467 = arith.addf %add3A_383, %bitcast3A_465 : vector<16xf32>
          %slice3A_468 = vector.extract_strided_slice %get3A_177 {offsets = [7], sizes = [1], strides = [1]} : vector<16xi32> to vector<1xi32>
          %squeeze3A_469 = vector.extract %slice3A_468[0] : i32 from vector<1xi32>
          %broadcast_in_dim3A_470 = vector.broadcast %squeeze3A_469 : i32 to vector<16xi32>
          %bitcast3A_471 = vector.bitcast %broadcast_in_dim3A_470 : vector<16xi32> to vector<32xbf16>
          %add3A_472 = arith.constant 7 : i32
          %add3A_473 = arith.addi %mul3A_175, %add3A_472 : i32
          %get3A_474 = arith.constant 0 : i32
          %get3A_475 = arith.constant 0 : i32
          %get3A_476 = tpu.memref_slice %arg8[%and3A_71, %get3A_474, %get3A_475] : memref<4x128x32xi32, #tpu.memory_space<vmem>> -> memref<1x128x32xi32, #tpu.memory_space<vmem>>
          %get3A_477 = tpu.memref_squeeze %get3A_476 : memref<1x128x32xi32, #tpu.memory_space<vmem>> -> memref<128x32xi32, #tpu.memory_space<vmem>>
          %get3A_478 = arith.index_cast %add3A_473 : i32 to index
          %get3A_479 = arith.constant 0 : index
          %get3A_480 = tpu.vector_load %get3A_477[%get3A_478, %get3A_479] {strides = array<i32>} : memref<128x32xi32, #tpu.memory_space<vmem>>, vector<16xi32>,
          %bitcast3A_481 = vector.bitcast %get3A_480 : vector<16xi32> to vector<32xbf16>
          %mul3A_482 = arith.mulf %bitcast3A_481, %bitcast3A_471 : vector<32xbf16>
          %bitcast3A_483 = vector.bitcast %mul3A_482 : vector<32xbf16> to vector<16xi32>
          %shift_left3A_484 = arith.constant 16 : i32
          %shift_left3A_485 = vector.broadcast %shift_left3A_484 : i32 to vector<16xi32>
          %shift_left3A_486 = arith.shli %bitcast3A_483, %shift_left3A_485 : vector<16xi32>
          %bitcast3A_487 = vector.bitcast %shift_left3A_486 : vector<16xi32> to vector<16xf32>
          %bitcast3A_488 = vector.bitcast %bitcast3A_483 : vector<16xi32> to vector<16xf32>
          %add3A_489 = arith.addf %add3A_405, %bitcast3A_487 : vector<16xf32>
          %add3A_490 = arith.addf %add3A_406, %bitcast3A_488 : vector<16xf32>
          %add3A_491 = arith.constant 7 : i32
          %add3A_492 = arith.addi %mul3A_175, %add3A_491 : i32
          %get3A_493 = arith.constant 0 : i32
          %get3A_494 = arith.constant 0 : i32
          %get3A_495 = tpu.memref_slice %arg8[%and3A_71, %get3A_493, %get3A_494] : memref<4x128x32xi32, #tpu.memory_space<vmem>> -> memref<1x128x32xi32, #tpu.memory_space<vmem>>
          %get3A_496 = tpu.memref_squeeze %get3A_495 : memref<1x128x32xi32, #tpu.memory_space<vmem>> -> memref<128x32xi32, #tpu.memory_space<vmem>>
          %get3A_497 = arith.index_cast %add3A_492 : i32 to index
          %get3A_498 = arith.constant 16 : index
          %get3A_499 = tpu.vector_load %get3A_496[%get3A_497, %get3A_498] {strides = array<i32>} : memref<128x32xi32, #tpu.memory_space<vmem>>, vector<16xi32>,
          %bitcast3A_500 = vector.bitcast %get3A_499 : vector<16xi32> to vector<32xbf16>
          %mul3A_501 = arith.mulf %bitcast3A_500, %bitcast3A_471 : vector<32xbf16>
          %bitcast3A_502 = vector.bitcast %mul3A_501 : vector<32xbf16> to vector<16xi32>
          %shift_left3A_503 = arith.constant 16 : i32
          %shift_left3A_504 = vector.broadcast %shift_left3A_503 : i32 to vector<16xi32>
          %shift_left3A_505 = arith.shli %bitcast3A_502, %shift_left3A_504 : vector<16xi32>
          %bitcast3A_506 = vector.bitcast %shift_left3A_505 : vector<16xi32> to vector<16xf32>
          %bitcast3A_507 = vector.bitcast %bitcast3A_502 : vector<16xi32> to vector<16xf32>
          %add3A_508 = arith.addf %add3A_424, %bitcast3A_506 : vector<16xf32>
          %add3A_509 = arith.addf %add3A_425, %bitcast3A_507 : vector<16xf32>
          %slice3A_510 = vector.extract_strided_slice %get3A_177 {offsets = [8], sizes = [1], strides = [1]} : vector<16xi32> to vector<1xi32>
          %squeeze3A_511 = vector.extract %slice3A_510[0] : i32 from vector<1xi32>
          %broadcast_in_dim3A_512 = vector.broadcast %squeeze3A_511 : i32 to vector<16xi32>
          %bitcast3A_513 = vector.bitcast %broadcast_in_dim3A_512 : vector<16xi32> to vector<32xbf16>
          %add3A_514 = arith.constant 8 : i32
          %add3A_515 = arith.addi %mul3A_175, %add3A_514 : i32
          %get3A_516 = arith.constant 0 : i32
          %get3A_517 = arith.constant 0 : i32
          %get3A_518 = tpu.memref_slice %arg8[%and3A_71, %get3A_516, %get3A_517] : memref<4x128x32xi32, #tpu.memory_space<vmem>> -> memref<1x128x32xi32, #tpu.memory_space<vmem>>
          %get3A_519 = tpu.memref_squeeze %get3A_518 : memref<1x128x32xi32, #tpu.memory_space<vmem>> -> memref<128x32xi32, #tpu.memory_space<vmem>>
          %get3A_520 = arith.index_cast %add3A_515 : i32 to index
          %get3A_521 = arith.constant 0 : index
          %get3A_522 = tpu.vector_load %get3A_519[%get3A_520, %get3A_521] {strides = array<i32>} : memref<128x32xi32, #tpu.memory_space<vmem>>, vector<16xi32>,
          %bitcast3A_523 = vector.bitcast %get3A_522 : vector<16xi32> to vector<32xbf16>
          %mul3A_524 = arith.mulf %bitcast3A_523, %bitcast3A_513 : vector<32xbf16>
          %bitcast3A_525 = vector.bitcast %mul3A_524 : vector<32xbf16> to vector<16xi32>
          %shift_left3A_526 = arith.constant 16 : i32
          %shift_left3A_527 = vector.broadcast %shift_left3A_526 : i32 to vector<16xi32>
          %shift_left3A_528 = arith.shli %bitcast3A_525, %shift_left3A_527 : vector<16xi32>
          %bitcast3A_529 = vector.bitcast %shift_left3A_528 : vector<16xi32> to vector<16xf32>
          %bitcast3A_530 = vector.bitcast %bitcast3A_525 : vector<16xi32> to vector<16xf32>
          %add3A_531 = arith.addf %add3A_447, %bitcast3A_529 : vector<16xf32>
          %add3A_532 = arith.addf %add3A_448, %bitcast3A_530 : vector<16xf32>
          %add3A_533 = arith.constant 8 : i32
          %add3A_534 = arith.addi %mul3A_175, %add3A_533 : i32
          %get3A_535 = arith.constant 0 : i32
          %get3A_536 = arith.constant 0 : i32
          %get3A_537 = tpu.memref_slice %arg8[%and3A_71, %get3A_535, %get3A_536] : memref<4x128x32xi32, #tpu.memory_space<vmem>> -> memref<1x128x32xi32, #tpu.memory_space<vmem>>
          %get3A_538 = tpu.memref_squeeze %get3A_537 : memref<1x128x32xi32, #tpu.memory_space<vmem>> -> memref<128x32xi32, #tpu.memory_space<vmem>>
          %get3A_539 = arith.index_cast %add3A_534 : i32 to index
          %get3A_540 = arith.constant 16 : index
          %get3A_541 = tpu.vector_load %get3A_538[%get3A_539, %get3A_540] {strides = array<i32>} : memref<128x32xi32, #tpu.memory_space<vmem>>, vector<16xi32>,
          %bitcast3A_542 = vector.bitcast %get3A_541 : vector<16xi32> to vector<32xbf16>
          %mul3A_543 = arith.mulf %bitcast3A_542, %bitcast3A_513 : vector<32xbf16>
          %bitcast3A_544 = vector.bitcast %mul3A_543 : vector<32xbf16> to vector<16xi32>
          %shift_left3A_545 = arith.constant 16 : i32
          %shift_left3A_546 = vector.broadcast %shift_left3A_545 : i32 to vector<16xi32>
          %shift_left3A_547 = arith.shli %bitcast3A_544, %shift_left3A_546 : vector<16xi32>
          %bitcast3A_548 = vector.bitcast %shift_left3A_547 : vector<16xi32> to vector<16xf32>
          %bitcast3A_549 = vector.bitcast %bitcast3A_544 : vector<16xi32> to vector<16xf32>
          %add3A_550 = arith.addf %add3A_466, %bitcast3A_548 : vector<16xf32>
          %add3A_551 = arith.addf %add3A_467, %bitcast3A_549 : vector<16xf32>
          %slice3A_552 = vector.extract_strided_slice %get3A_177 {offsets = [9], sizes = [1], strides = [1]} : vector<16xi32> to vector<1xi32>
          %squeeze3A_553 = vector.extract %slice3A_552[0] : i32 from vector<1xi32>
          %broadcast_in_dim3A_554 = vector.broadcast %squeeze3A_553 : i32 to vector<16xi32>
          %bitcast3A_555 = vector.bitcast %broadcast_in_dim3A_554 : vector<16xi32> to vector<32xbf16>
          %add3A_556 = arith.constant 9 : i32
          %add3A_557 = arith.addi %mul3A_175, %add3A_556 : i32
          %get3A_558 = arith.constant 0 : i32
          %get3A_559 = arith.constant 0 : i32
          %get3A_560 = tpu.memref_slice %arg8[%and3A_71, %get3A_558, %get3A_559] : memref<4x128x32xi32, #tpu.memory_space<vmem>> -> memref<1x128x32xi32, #tpu.memory_space<vmem>>
          %get3A_561 = tpu.memref_squeeze %get3A_560 : memref<1x128x32xi32, #tpu.memory_space<vmem>> -> memref<128x32xi32, #tpu.memory_space<vmem>>
          %get3A_562 = arith.index_cast %add3A_557 : i32 to index
          %get3A_563 = arith.constant 0 : index
          %get3A_564 = tpu.vector_load %get3A_561[%get3A_562, %get3A_563] {strides = array<i32>} : memref<128x32xi32, #tpu.memory_space<vmem>>, vector<16xi32>,
          %bitcast3A_565 = vector.bitcast %get3A_564 : vector<16xi32> to vector<32xbf16>
          %mul3A_566 = arith.mulf %bitcast3A_565, %bitcast3A_555 : vector<32xbf16>
          %bitcast3A_567 = vector.bitcast %mul3A_566 : vector<32xbf16> to vector<16xi32>
          %shift_left3A_568 = arith.constant 16 : i32
          %shift_left3A_569 = vector.broadcast %shift_left3A_568 : i32 to vector<16xi32>
          %shift_left3A_570 = arith.shli %bitcast3A_567, %shift_left3A_569 : vector<16xi32>
          %bitcast3A_571 = vector.bitcast %shift_left3A_570 : vector<16xi32> to vector<16xf32>
          %bitcast3A_572 = vector.bitcast %bitcast3A_567 : vector<16xi32> to vector<16xf32>
          %add3A_573 = arith.addf %add3A_489, %bitcast3A_571 : vector<16xf32>
          %add3A_574 = arith.addf %add3A_490, %bitcast3A_572 : vector<16xf32>
          %add3A_575 = arith.constant 9 : i32
          %add3A_576 = arith.addi %mul3A_175, %add3A_575 : i32
          %get3A_577 = arith.constant 0 : i32
          %get3A_578 = arith.constant 0 : i32
          %get3A_579 = tpu.memref_slice %arg8[%and3A_71, %get3A_577, %get3A_578] : memref<4x128x32xi32, #tpu.memory_space<vmem>> -> memref<1x128x32xi32, #tpu.memory_space<vmem>>
          %get3A_580 = tpu.memref_squeeze %get3A_579 : memref<1x128x32xi32, #tpu.memory_space<vmem>> -> memref<128x32xi32, #tpu.memory_space<vmem>>
          %get3A_581 = arith.index_cast %add3A_576 : i32 to index
          %get3A_582 = arith.constant 16 : index
          %get3A_583 = tpu.vector_load %get3A_580[%get3A_581, %get3A_582] {strides = array<i32>} : memref<128x32xi32, #tpu.memory_space<vmem>>, vector<16xi32>,
          %bitcast3A_584 = vector.bitcast %get3A_583 : vector<16xi32> to vector<32xbf16>
          %mul3A_585 = arith.mulf %bitcast3A_584, %bitcast3A_555 : vector<32xbf16>
          %bitcast3A_586 = vector.bitcast %mul3A_585 : vector<32xbf16> to vector<16xi32>
          %shift_left3A_587 = arith.constant 16 : i32
          %shift_left3A_588 = vector.broadcast %shift_left3A_587 : i32 to vector<16xi32>
          %shift_left3A_589 = arith.shli %bitcast3A_586, %shift_left3A_588 : vector<16xi32>
          %bitcast3A_590 = vector.bitcast %shift_left3A_589 : vector<16xi32> to vector<16xf32>
          %bitcast3A_591 = vector.bitcast %bitcast3A_586 : vector<16xi32> to vector<16xf32>
          %add3A_592 = arith.addf %add3A_508, %bitcast3A_590 : vector<16xf32>
          %add3A_593 = arith.addf %add3A_509, %bitcast3A_591 : vector<16xf32>
          %slice3A_594 = vector.extract_strided_slice %get3A_177 {offsets = [10], sizes = [1], strides = [1]} : vector<16xi32> to vector<1xi32>
          %squeeze3A_595 = vector.extract %slice3A_594[0] : i32 from vector<1xi32>
          %broadcast_in_dim3A_596 = vector.broadcast %squeeze3A_595 : i32 to vector<16xi32>
          %bitcast3A_597 = vector.bitcast %broadcast_in_dim3A_596 : vector<16xi32> to vector<32xbf16>
          %add3A_598 = arith.constant 10 : i32
          %add3A_599 = arith.addi %mul3A_175, %add3A_598 : i32
          %get3A_600 = arith.constant 0 : i32
          %get3A_601 = arith.constant 0 : i32
          %get3A_602 = tpu.memref_slice %arg8[%and3A_71, %get3A_600, %get3A_601] : memref<4x128x32xi32, #tpu.memory_space<vmem>> -> memref<1x128x32xi32, #tpu.memory_space<vmem>>
          %get3A_603 = tpu.memref_squeeze %get3A_602 : memref<1x128x32xi32, #tpu.memory_space<vmem>> -> memref<128x32xi32, #tpu.memory_space<vmem>>
          %get3A_604 = arith.index_cast %add3A_599 : i32 to index
          %get3A_605 = arith.constant 0 : index
          %get3A_606 = tpu.vector_load %get3A_603[%get3A_604, %get3A_605] {strides = array<i32>} : memref<128x32xi32, #tpu.memory_space<vmem>>, vector<16xi32>,
          %bitcast3A_607 = vector.bitcast %get3A_606 : vector<16xi32> to vector<32xbf16>
          %mul3A_608 = arith.mulf %bitcast3A_607, %bitcast3A_597 : vector<32xbf16>
          %bitcast3A_609 = vector.bitcast %mul3A_608 : vector<32xbf16> to vector<16xi32>
          %shift_left3A_610 = arith.constant 16 : i32
          %shift_left3A_611 = vector.broadcast %shift_left3A_610 : i32 to vector<16xi32>
          %shift_left3A_612 = arith.shli %bitcast3A_609, %shift_left3A_611 : vector<16xi32>
          %bitcast3A_613 = vector.bitcast %shift_left3A_612 : vector<16xi32> to vector<16xf32>
          %bitcast3A_614 = vector.bitcast %bitcast3A_609 : vector<16xi32> to vector<16xf32>
          %add3A_615 = arith.addf %add3A_531, %bitcast3A_613 : vector<16xf32>
          %add3A_616 = arith.addf %add3A_532, %bitcast3A_614 : vector<16xf32>
          %add3A_617 = arith.constant 10 : i32
          %add3A_618 = arith.addi %mul3A_175, %add3A_617 : i32
          %get3A_619 = arith.constant 0 : i32
          %get3A_620 = arith.constant 0 : i32
          %get3A_621 = tpu.memref_slice %arg8[%and3A_71, %get3A_619, %get3A_620] : memref<4x128x32xi32, #tpu.memory_space<vmem>> -> memref<1x128x32xi32, #tpu.memory_space<vmem>>
          %get3A_622 = tpu.memref_squeeze %get3A_621 : memref<1x128x32xi32, #tpu.memory_space<vmem>> -> memref<128x32xi32, #tpu.memory_space<vmem>>
          %get3A_623 = arith.index_cast %add3A_618 : i32 to index
          %get3A_624 = arith.constant 16 : index
          %get3A_625 = tpu.vector_load %get3A_622[%get3A_623, %get3A_624] {strides = array<i32>} : memref<128x32xi32, #tpu.memory_space<vmem>>, vector<16xi32>,
          %bitcast3A_626 = vector.bitcast %get3A_625 : vector<16xi32> to vector<32xbf16>
          %mul3A_627 = arith.mulf %bitcast3A_626, %bitcast3A_597 : vector<32xbf16>
          %bitcast3A_628 = vector.bitcast %mul3A_627 : vector<32xbf16> to vector<16xi32>
          %shift_left3A_629 = arith.constant 16 : i32
          %shift_left3A_630 = vector.broadcast %shift_left3A_629 : i32 to vector<16xi32>
          %shift_left3A_631 = arith.shli %bitcast3A_628, %shift_left3A_630 : vector<16xi32>
          %bitcast3A_632 = vector.bitcast %shift_left3A_631 : vector<16xi32> to vector<16xf32>
          %bitcast3A_633 = vector.bitcast %bitcast3A_628 : vector<16xi32> to vector<16xf32>
          %add3A_634 = arith.addf %add3A_550, %bitcast3A_632 : vector<16xf32>
          %add3A_635 = arith.addf %add3A_551, %bitcast3A_633 : vector<16xf32>
          %slice3A_636 = vector.extract_strided_slice %get3A_177 {offsets = [11], sizes = [1], strides = [1]} : vector<16xi32> to vector<1xi32>
          %squeeze3A_637 = vector.extract %slice3A_636[0] : i32 from vector<1xi32>
          %broadcast_in_dim3A_638 = vector.broadcast %squeeze3A_637 : i32 to vector<16xi32>
          %bitcast3A_639 = vector.bitcast %broadcast_in_dim3A_638 : vector<16xi32> to vector<32xbf16>
          %add3A_640 = arith.constant 11 : i32
          %add3A_641 = arith.addi %mul3A_175, %add3A_640 : i32
          %get3A_642 = arith.constant 0 : i32
          %get3A_643 = arith.constant 0 : i32
          %get3A_644 = tpu.memref_slice %arg8[%and3A_71, %get3A_642, %get3A_643] : memref<4x128x32xi32, #tpu.memory_space<vmem>> -> memref<1x128x32xi32, #tpu.memory_space<vmem>>
          %get3A_645 = tpu.memref_squeeze %get3A_644 : memref<1x128x32xi32, #tpu.memory_space<vmem>> -> memref<128x32xi32, #tpu.memory_space<vmem>>
          %get3A_646 = arith.index_cast %add3A_641 : i32 to index
          %get3A_647 = arith.constant 0 : index
          %get3A_648 = tpu.vector_load %get3A_645[%get3A_646, %get3A_647] {strides = array<i32>} : memref<128x32xi32, #tpu.memory_space<vmem>>, vector<16xi32>,
          %bitcast3A_649 = vector.bitcast %get3A_648 : vector<16xi32> to vector<32xbf16>
          %mul3A_650 = arith.mulf %bitcast3A_649, %bitcast3A_639 : vector<32xbf16>
          %bitcast3A_651 = vector.bitcast %mul3A_650 : vector<32xbf16> to vector<16xi32>
          %shift_left3A_652 = arith.constant 16 : i32
          %shift_left3A_653 = vector.broadcast %shift_left3A_652 : i32 to vector<16xi32>
          %shift_left3A_654 = arith.shli %bitcast3A_651, %shift_left3A_653 : vector<16xi32>
          %bitcast3A_655 = vector.bitcast %shift_left3A_654 : vector<16xi32> to vector<16xf32>
          %bitcast3A_656 = vector.bitcast %bitcast3A_651 : vector<16xi32> to vector<16xf32>
          %add3A_657 = arith.addf %add3A_573, %bitcast3A_655 : vector<16xf32>
          %add3A_658 = arith.addf %add3A_574, %bitcast3A_656 : vector<16xf32>
          %add3A_659 = arith.constant 11 : i32
          %add3A_660 = arith.addi %mul3A_175, %add3A_659 : i32
          %get3A_661 = arith.constant 0 : i32
          %get3A_662 = arith.constant 0 : i32
          %get3A_663 = tpu.memref_slice %arg8[%and3A_71, %get3A_661, %get3A_662] : memref<4x128x32xi32, #tpu.memory_space<vmem>> -> memref<1x128x32xi32, #tpu.memory_space<vmem>>
          %get3A_664 = tpu.memref_squeeze %get3A_663 : memref<1x128x32xi32, #tpu.memory_space<vmem>> -> memref<128x32xi32, #tpu.memory_space<vmem>>
          %get3A_665 = arith.index_cast %add3A_660 : i32 to index
          %get3A_666 = arith.constant 16 : index
          %get3A_667 = tpu.vector_load %get3A_664[%get3A_665, %get3A_666] {strides = array<i32>} : memref<128x32xi32, #tpu.memory_space<vmem>>, vector<16xi32>,
          %bitcast3A_668 = vector.bitcast %get3A_667 : vector<16xi32> to vector<32xbf16>
          %mul3A_669 = arith.mulf %bitcast3A_668, %bitcast3A_639 : vector<32xbf16>
          %bitcast3A_670 = vector.bitcast %mul3A_669 : vector<32xbf16> to vector<16xi32>
          %shift_left3A_671 = arith.constant 16 : i32
          %shift_left3A_672 = vector.broadcast %shift_left3A_671 : i32 to vector<16xi32>
          %shift_left3A_673 = arith.shli %bitcast3A_670, %shift_left3A_672 : vector<16xi32>
          %bitcast3A_674 = vector.bitcast %shift_left3A_673 : vector<16xi32> to vector<16xf32>
          %bitcast3A_675 = vector.bitcast %bitcast3A_670 : vector<16xi32> to vector<16xf32>
          %add3A_676 = arith.addf %add3A_592, %bitcast3A_674 : vector<16xf32>
          %add3A_677 = arith.addf %add3A_593, %bitcast3A_675 : vector<16xf32>
          %slice3A_678 = vector.extract_strided_slice %get3A_177 {offsets = [12], sizes = [1], strides = [1]} : vector<16xi32> to vector<1xi32>
          %squeeze3A_679 = vector.extract %slice3A_678[0] : i32 from vector<1xi32>
          %broadcast_in_dim3A_680 = vector.broadcast %squeeze3A_679 : i32 to vector<16xi32>
          %bitcast3A_681 = vector.bitcast %broadcast_in_dim3A_680 : vector<16xi32> to vector<32xbf16>
          %add3A_682 = arith.constant 12 : i32
          %add3A_683 = arith.addi %mul3A_175, %add3A_682 : i32
          %get3A_684 = arith.constant 0 : i32
          %get3A_685 = arith.constant 0 : i32
          %get3A_686 = tpu.memref_slice %arg8[%and3A_71, %get3A_684, %get3A_685] : memref<4x128x32xi32, #tpu.memory_space<vmem>> -> memref<1x128x32xi32, #tpu.memory_space<vmem>>
          %get3A_687 = tpu.memref_squeeze %get3A_686 : memref<1x128x32xi32, #tpu.memory_space<vmem>> -> memref<128x32xi32, #tpu.memory_space<vmem>>
          %get3A_688 = arith.index_cast %add3A_683 : i32 to index
          %get3A_689 = arith.constant 0 : index
          %get3A_690 = tpu.vector_load %get3A_687[%get3A_688, %get3A_689] {strides = array<i32>} : memref<128x32xi32, #tpu.memory_space<vmem>>, vector<16xi32>,
          %bitcast3A_691 = vector.bitcast %get3A_690 : vector<16xi32> to vector<32xbf16>
          %mul3A_692 = arith.mulf %bitcast3A_691, %bitcast3A_681 : vector<32xbf16>
          %bitcast3A_693 = vector.bitcast %mul3A_692 : vector<32xbf16> to vector<16xi32>
          %shift_left3A_694 = arith.constant 16 : i32
          %shift_left3A_695 = vector.broadcast %shift_left3A_694 : i32 to vector<16xi32>
          %shift_left3A_696 = arith.shli %bitcast3A_693, %shift_left3A_695 : vector<16xi32>
          %bitcast3A_697 = vector.bitcast %shift_left3A_696 : vector<16xi32> to vector<16xf32>
          %bitcast3A_698 = vector.bitcast %bitcast3A_693 : vector<16xi32> to vector<16xf32>
          %add3A_699 = arith.addf %add3A_615, %bitcast3A_697 : vector<16xf32>
          %add3A_700 = arith.addf %add3A_616, %bitcast3A_698 : vector<16xf32>
          %add3A_701 = arith.constant 12 : i32
          %add3A_702 = arith.addi %mul3A_175, %add3A_701 : i32
          %get3A_703 = arith.constant 0 : i32
          %get3A_704 = arith.constant 0 : i32
          %get3A_705 = tpu.memref_slice %arg8[%and3A_71, %get3A_703, %get3A_704] : memref<4x128x32xi32, #tpu.memory_space<vmem>> -> memref<1x128x32xi32, #tpu.memory_space<vmem>>
          %get3A_706 = tpu.memref_squeeze %get3A_705 : memref<1x128x32xi32, #tpu.memory_space<vmem>> -> memref<128x32xi32, #tpu.memory_space<vmem>>
          %get3A_707 = arith.index_cast %add3A_702 : i32 to index
          %get3A_708 = arith.constant 16 : index
          %get3A_709 = tpu.vector_load %get3A_706[%get3A_707, %get3A_708] {strides = array<i32>} : memref<128x32xi32, #tpu.memory_space<vmem>>, vector<16xi32>,
          %bitcast3A_710 = vector.bitcast %get3A_709 : vector<16xi32> to vector<32xbf16>
          %mul3A_711 = arith.mulf %bitcast3A_710, %bitcast3A_681 : vector<32xbf16>
          %bitcast3A_712 = vector.bitcast %mul3A_711 : vector<32xbf16> to vector<16xi32>
          %shift_left3A_713 = arith.constant 16 : i32
          %shift_left3A_714 = vector.broadcast %shift_left3A_713 : i32 to vector<16xi32>
          %shift_left3A_715 = arith.shli %bitcast3A_712, %shift_left3A_714 : vector<16xi32>
          %bitcast3A_716 = vector.bitcast %shift_left3A_715 : vector<16xi32> to vector<16xf32>
          %bitcast3A_717 = vector.bitcast %bitcast3A_712 : vector<16xi32> to vector<16xf32>
          %add3A_718 = arith.addf %add3A_634, %bitcast3A_716 : vector<16xf32>
          %add3A_719 = arith.addf %add3A_635, %bitcast3A_717 : vector<16xf32>
          %slice3A_720 = vector.extract_strided_slice %get3A_177 {offsets = [13], sizes = [1], strides = [1]} : vector<16xi32> to vector<1xi32>
          %squeeze3A_721 = vector.extract %slice3A_720[0] : i32 from vector<1xi32>
          %broadcast_in_dim3A_722 = vector.broadcast %squeeze3A_721 : i32 to vector<16xi32>
          %bitcast3A_723 = vector.bitcast %broadcast_in_dim3A_722 : vector<16xi32> to vector<32xbf16>
          %add3A_724 = arith.constant 13 : i32
          %add3A_725 = arith.addi %mul3A_175, %add3A_724 : i32
          %get3A_726 = arith.constant 0 : i32
          %get3A_727 = arith.constant 0 : i32
          %get3A_728 = tpu.memref_slice %arg8[%and3A_71, %get3A_726, %get3A_727] : memref<4x128x32xi32, #tpu.memory_space<vmem>> -> memref<1x128x32xi32, #tpu.memory_space<vmem>>
          %get3A_729 = tpu.memref_squeeze %get3A_728 : memref<1x128x32xi32, #tpu.memory_space<vmem>> -> memref<128x32xi32, #tpu.memory_space<vmem>>
          %get3A_730 = arith.index_cast %add3A_725 : i32 to index
          %get3A_731 = arith.constant 0 : index
          %get3A_732 = tpu.vector_load %get3A_729[%get3A_730, %get3A_731] {strides = array<i32>} : memref<128x32xi32, #tpu.memory_space<vmem>>, vector<16xi32>,
          %bitcast3A_733 = vector.bitcast %get3A_732 : vector<16xi32> to vector<32xbf16>
          %mul3A_734 = arith.mulf %bitcast3A_733, %bitcast3A_723 : vector<32xbf16>
          %bitcast3A_735 = vector.bitcast %mul3A_734 : vector<32xbf16> to vector<16xi32>
          %shift_left3A_736 = arith.constant 16 : i32
          %shift_left3A_737 = vector.broadcast %shift_left3A_736 : i32 to vector<16xi32>
          %shift_left3A_738 = arith.shli %bitcast3A_735, %shift_left3A_737 : vector<16xi32>
          %bitcast3A_739 = vector.bitcast %shift_left3A_738 : vector<16xi32> to vector<16xf32>
          %bitcast3A_740 = vector.bitcast %bitcast3A_735 : vector<16xi32> to vector<16xf32>
          %add3A_741 = arith.addf %add3A_657, %bitcast3A_739 : vector<16xf32>
          %add3A_742 = arith.addf %add3A_658, %bitcast3A_740 : vector<16xf32>
          %add3A_743 = arith.constant 13 : i32
          %add3A_744 = arith.addi %mul3A_175, %add3A_743 : i32
          %get3A_745 = arith.constant 0 : i32
          %get3A_746 = arith.constant 0 : i32
          %get3A_747 = tpu.memref_slice %arg8[%and3A_71, %get3A_745, %get3A_746] : memref<4x128x32xi32, #tpu.memory_space<vmem>> -> memref<1x128x32xi32, #tpu.memory_space<vmem>>
          %get3A_748 = tpu.memref_squeeze %get3A_747 : memref<1x128x32xi32, #tpu.memory_space<vmem>> -> memref<128x32xi32, #tpu.memory_space<vmem>>
          %get3A_749 = arith.index_cast %add3A_744 : i32 to index
          %get3A_750 = arith.constant 16 : index
          %get3A_751 = tpu.vector_load %get3A_748[%get3A_749, %get3A_750] {strides = array<i32>} : memref<128x32xi32, #tpu.memory_space<vmem>>, vector<16xi32>,
          %bitcast3A_752 = vector.bitcast %get3A_751 : vector<16xi32> to vector<32xbf16>
          %mul3A_753 = arith.mulf %bitcast3A_752, %bitcast3A_723 : vector<32xbf16>
          %bitcast3A_754 = vector.bitcast %mul3A_753 : vector<32xbf16> to vector<16xi32>
          %shift_left3A_755 = arith.constant 16 : i32
          %shift_left3A_756 = vector.broadcast %shift_left3A_755 : i32 to vector<16xi32>
          %shift_left3A_757 = arith.shli %bitcast3A_754, %shift_left3A_756 : vector<16xi32>
          %bitcast3A_758 = vector.bitcast %shift_left3A_757 : vector<16xi32> to vector<16xf32>
          %bitcast3A_759 = vector.bitcast %bitcast3A_754 : vector<16xi32> to vector<16xf32>
          %add3A_760 = arith.addf %add3A_676, %bitcast3A_758 : vector<16xf32>
          %add3A_761 = arith.addf %add3A_677, %bitcast3A_759 : vector<16xf32>
          %slice3A_762 = vector.extract_strided_slice %get3A_177 {offsets = [14], sizes = [1], strides = [1]} : vector<16xi32> to vector<1xi32>
          %squeeze3A_763 = vector.extract %slice3A_762[0] : i32 from vector<1xi32>
          %broadcast_in_dim3A_764 = vector.broadcast %squeeze3A_763 : i32 to vector<16xi32>
          %bitcast3A_765 = vector.bitcast %broadcast_in_dim3A_764 : vector<16xi32> to vector<32xbf16>
          %add3A_766 = arith.constant 14 : i32
          %add3A_767 = arith.addi %mul3A_175, %add3A_766 : i32
          %get3A_768 = arith.constant 0 : i32
          %get3A_769 = arith.constant 0 : i32
          %get3A_770 = tpu.memref_slice %arg8[%and3A_71, %get3A_768, %get3A_769] : memref<4x128x32xi32, #tpu.memory_space<vmem>> -> memref<1x128x32xi32, #tpu.memory_space<vmem>>
          %get3A_771 = tpu.memref_squeeze %get3A_770 : memref<1x128x32xi32, #tpu.memory_space<vmem>> -> memref<128x32xi32, #tpu.memory_space<vmem>>
          %get3A_772 = arith.index_cast %add3A_767 : i32 to index
          %get3A_773 = arith.constant 0 : index
          %get3A_774 = tpu.vector_load %get3A_771[%get3A_772, %get3A_773] {strides = array<i32>} : memref<128x32xi32, #tpu.memory_space<vmem>>, vector<16xi32>,
          %bitcast3A_775 = vector.bitcast %get3A_774 : vector<16xi32> to vector<32xbf16>
          %mul3A_776 = arith.mulf %bitcast3A_775, %bitcast3A_765 : vector<32xbf16>
          %bitcast3A_777 = vector.bitcast %mul3A_776 : vector<32xbf16> to vector<16xi32>
          %shift_left3A_778 = arith.constant 16 : i32
          %shift_left3A_779 = vector.broadcast %shift_left3A_778 : i32 to vector<16xi32>
          %shift_left3A_780 = arith.shli %bitcast3A_777, %shift_left3A_779 : vector<16xi32>
          %bitcast3A_781 = vector.bitcast %shift_left3A_780 : vector<16xi32> to vector<16xf32>
          %bitcast3A_782 = vector.bitcast %bitcast3A_777 : vector<16xi32> to vector<16xf32>
          %add3A_783 = arith.addf %add3A_699, %bitcast3A_781 : vector<16xf32>
          %add3A_784 = arith.addf %add3A_700, %bitcast3A_782 : vector<16xf32>
          %add3A_785 = arith.constant 14 : i32
          %add3A_786 = arith.addi %mul3A_175, %add3A_785 : i32
          %get3A_787 = arith.constant 0 : i32
          %get3A_788 = arith.constant 0 : i32
          %get3A_789 = tpu.memref_slice %arg8[%and3A_71, %get3A_787, %get3A_788] : memref<4x128x32xi32, #tpu.memory_space<vmem>> -> memref<1x128x32xi32, #tpu.memory_space<vmem>>
          %get3A_790 = tpu.memref_squeeze %get3A_789 : memref<1x128x32xi32, #tpu.memory_space<vmem>> -> memref<128x32xi32, #tpu.memory_space<vmem>>
          %get3A_791 = arith.index_cast %add3A_786 : i32 to index
          %get3A_792 = arith.constant 16 : index
          %get3A_793 = tpu.vector_load %get3A_790[%get3A_791, %get3A_792] {strides = array<i32>} : memref<128x32xi32, #tpu.memory_space<vmem>>, vector<16xi32>,
          %bitcast3A_794 = vector.bitcast %get3A_793 : vector<16xi32> to vector<32xbf16>
          %mul3A_795 = arith.mulf %bitcast3A_794, %bitcast3A_765 : vector<32xbf16>
          %bitcast3A_796 = vector.bitcast %mul3A_795 : vector<32xbf16> to vector<16xi32>
          %shift_left3A_797 = arith.constant 16 : i32
          %shift_left3A_798 = vector.broadcast %shift_left3A_797 : i32 to vector<16xi32>
          %shift_left3A_799 = arith.shli %bitcast3A_796, %shift_left3A_798 : vector<16xi32>
          %bitcast3A_800 = vector.bitcast %shift_left3A_799 : vector<16xi32> to vector<16xf32>
          %bitcast3A_801 = vector.bitcast %bitcast3A_796 : vector<16xi32> to vector<16xf32>
          %add3A_802 = arith.addf %add3A_718, %bitcast3A_800 : vector<16xf32>
          %add3A_803 = arith.addf %add3A_719, %bitcast3A_801 : vector<16xf32>
          %slice3A_804 = vector.extract_strided_slice %get3A_177 {offsets = [15], sizes = [1], strides = [1]} : vector<16xi32> to vector<1xi32>
          %squeeze3A_805 = vector.extract %slice3A_804[0] : i32 from vector<1xi32>
          %broadcast_in_dim3A_806 = vector.broadcast %squeeze3A_805 : i32 to vector<16xi32>
          %bitcast3A_807 = vector.bitcast %broadcast_in_dim3A_806 : vector<16xi32> to vector<32xbf16>
          %add3A_808 = arith.constant 15 : i32
          %add3A_809 = arith.addi %mul3A_175, %add3A_808 : i32
          %get3A_810 = arith.constant 0 : i32
          %get3A_811 = arith.constant 0 : i32
          %get3A_812 = tpu.memref_slice %arg8[%and3A_71, %get3A_810, %get3A_811] : memref<4x128x32xi32, #tpu.memory_space<vmem>> -> memref<1x128x32xi32, #tpu.memory_space<vmem>>
          %get3A_813 = tpu.memref_squeeze %get3A_812 : memref<1x128x32xi32, #tpu.memory_space<vmem>> -> memref<128x32xi32, #tpu.memory_space<vmem>>
          %get3A_814 = arith.index_cast %add3A_809 : i32 to index
          %get3A_815 = arith.constant 0 : index
          %get3A_816 = tpu.vector_load %get3A_813[%get3A_814, %get3A_815] {strides = array<i32>} : memref<128x32xi32, #tpu.memory_space<vmem>>, vector<16xi32>,
          %bitcast3A_817 = vector.bitcast %get3A_816 : vector<16xi32> to vector<32xbf16>
          %mul3A_818 = arith.mulf %bitcast3A_817, %bitcast3A_807 : vector<32xbf16>
          %bitcast3A_819 = vector.bitcast %mul3A_818 : vector<32xbf16> to vector<16xi32>
          %shift_left3A_820 = arith.constant 16 : i32
          %shift_left3A_821 = vector.broadcast %shift_left3A_820 : i32 to vector<16xi32>
          %shift_left3A_822 = arith.shli %bitcast3A_819, %shift_left3A_821 : vector<16xi32>
          %bitcast3A_823 = vector.bitcast %shift_left3A_822 : vector<16xi32> to vector<16xf32>
          %bitcast3A_824 = vector.bitcast %bitcast3A_819 : vector<16xi32> to vector<16xf32>
          %add3A_825 = arith.addf %add3A_741, %bitcast3A_823 : vector<16xf32>
          %add3A_826 = arith.addf %add3A_742, %bitcast3A_824 : vector<16xf32>
          %add3A_827 = arith.constant 15 : i32
          %add3A_828 = arith.addi %mul3A_175, %add3A_827 : i32
          %get3A_829 = arith.constant 0 : i32
          %get3A_830 = arith.constant 0 : i32
          %get3A_831 = tpu.memref_slice %arg8[%and3A_71, %get3A_829, %get3A_830] : memref<4x128x32xi32, #tpu.memory_space<vmem>> -> memref<1x128x32xi32, #tpu.memory_space<vmem>>
          %get3A_832 = tpu.memref_squeeze %get3A_831 : memref<1x128x32xi32, #tpu.memory_space<vmem>> -> memref<128x32xi32, #tpu.memory_space<vmem>>
          %get3A_833 = arith.index_cast %add3A_828 : i32 to index
          %get3A_834 = arith.constant 16 : index
          %get3A_835 = tpu.vector_load %get3A_832[%get3A_833, %get3A_834] {strides = array<i32>} : memref<128x32xi32, #tpu.memory_space<vmem>>, vector<16xi32>,
          %bitcast3A_836 = vector.bitcast %get3A_835 : vector<16xi32> to vector<32xbf16>
          %mul3A_837 = arith.mulf %bitcast3A_836, %bitcast3A_807 : vector<32xbf16>
          %bitcast3A_838 = vector.bitcast %mul3A_837 : vector<32xbf16> to vector<16xi32>
          %shift_left3A_839 = arith.constant 16 : i32
          %shift_left3A_840 = vector.broadcast %shift_left3A_839 : i32 to vector<16xi32>
          %shift_left3A_841 = arith.shli %bitcast3A_838, %shift_left3A_840 : vector<16xi32>
          %bitcast3A_842 = vector.bitcast %shift_left3A_841 : vector<16xi32> to vector<16xf32>
          %bitcast3A_843 = vector.bitcast %bitcast3A_838 : vector<16xi32> to vector<16xf32>
          %add3A_844 = arith.addf %add3A_760, %bitcast3A_842 : vector<16xf32>
          %add3A_845 = arith.addf %add3A_761, %bitcast3A_843 : vector<16xf32>
          %scan3A_846 = arith.constant 1 : i32
          %scan3A_847 = arith.addi %scan3A_165, %scan3A_846 : i32
          %mul3A_848 = arith.constant 16 : i32
          %mul3A_849 = arith.muli %scan3A_847, %mul3A_848 : i32
          %get3A_850 = arith.index_cast %scan3A_70 : i32 to index
          %get3A_851 = arith.index_cast %mul3A_849 : i32 to index
          %get3A_852 = tpu.vector_load %arg7[%get3A_850, %get3A_851] {strides = array<i32>} : memref<80x128xi32, #tpu.memory_space<vmem>>, vector<16xi32>,
          %slice3A_853 = vector.extract_strided_slice %get3A_852 {offsets = [0], sizes = [1], strides = [1]} : vector<16xi32> to vector<1xi32>
          %squeeze3A_854 = vector.extract %slice3A_853[0] : i32 from vector<1xi32>
          %broadcast_in_dim3A_855 = vector.broadcast %squeeze3A_854 : i32 to vector<16xi32>
          %bitcast3A_856 = vector.bitcast %broadcast_in_dim3A_855 : vector<16xi32> to vector<32xbf16>
          %add3A_857 = arith.constant 0 : i32
          %add3A_858 = arith.addi %mul3A_849, %add3A_857 : i32
          %get3A_859 = arith.constant 0 : i32
          %get3A_860 = arith.constant 0 : i32
          %get3A_861 = tpu.memref_slice %arg8[%and3A_71, %get3A_859, %get3A_860] : memref<4x128x32xi32, #tpu.memory_space<vmem>> -> memref<1x128x32xi32, #tpu.memory_space<vmem>>
          %get3A_862 = tpu.memref_squeeze %get3A_861 : memref<1x128x32xi32, #tpu.memory_space<vmem>> -> memref<128x32xi32, #tpu.memory_space<vmem>>
          %get3A_863 = arith.index_cast %add3A_858 : i32 to index
          %get3A_864 = arith.constant 0 : index
          %get3A_865 = tpu.vector_load %get3A_862[%get3A_863, %get3A_864] {strides = array<i32>} : memref<128x32xi32, #tpu.memory_space<vmem>>, vector<16xi32>,
          %bitcast3A_866 = vector.bitcast %get3A_865 : vector<16xi32> to vector<32xbf16>
          %mul3A_867 = arith.mulf %bitcast3A_866, %bitcast3A_856 : vector<32xbf16>
          %bitcast3A_868 = vector.bitcast %mul3A_867 : vector<32xbf16> to vector<16xi32>
          %shift_left3A_869 = arith.constant 16 : i32
          %shift_left3A_870 = vector.broadcast %shift_left3A_869 : i32 to vector<16xi32>
          %shift_left3A_871 = arith.shli %bitcast3A_868, %shift_left3A_870 : vector<16xi32>
          %bitcast3A_872 = vector.bitcast %shift_left3A_871 : vector<16xi32> to vector<16xf32>
          %bitcast3A_873 = vector.bitcast %bitcast3A_868 : vector<16xi32> to vector<16xf32>
          %add3A_874 = arith.addf %add3A_783, %bitcast3A_872 : vector<16xf32>
          %add3A_875 = arith.addf %add3A_784, %bitcast3A_873 : vector<16xf32>
          %add3A_876 = arith.constant 0 : i32
          %add3A_877 = arith.addi %mul3A_849, %add3A_876 : i32
          %get3A_878 = arith.constant 0 : i32
          %get3A_879 = arith.constant 0 : i32
          %get3A_880 = tpu.memref_slice %arg8[%and3A_71, %get3A_878, %get3A_879] : memref<4x128x32xi32, #tpu.memory_space<vmem>> -> memref<1x128x32xi32, #tpu.memory_space<vmem>>
          %get3A_881 = tpu.memref_squeeze %get3A_880 : memref<1x128x32xi32, #tpu.memory_space<vmem>> -> memref<128x32xi32, #tpu.memory_space<vmem>>
          %get3A_882 = arith.index_cast %add3A_877 : i32 to index
          %get3A_883 = arith.constant 16 : index
          %get3A_884 = tpu.vector_load %get3A_881[%get3A_882, %get3A_883] {strides = array<i32>} : memref<128x32xi32, #tpu.memory_space<vmem>>, vector<16xi32>,
          %bitcast3A_885 = vector.bitcast %get3A_884 : vector<16xi32> to vector<32xbf16>
          %mul3A_886 = arith.mulf %bitcast3A_885, %bitcast3A_856 : vector<32xbf16>
          %bitcast3A_887 = vector.bitcast %mul3A_886 : vector<32xbf16> to vector<16xi32>
          %shift_left3A_888 = arith.constant 16 : i32
          %shift_left3A_889 = vector.broadcast %shift_left3A_888 : i32 to vector<16xi32>
          %shift_left3A_890 = arith.shli %bitcast3A_887, %shift_left3A_889 : vector<16xi32>
          %bitcast3A_891 = vector.bitcast %shift_left3A_890 : vector<16xi32> to vector<16xf32>
          %bitcast3A_892 = vector.bitcast %bitcast3A_887 : vector<16xi32> to vector<16xf32>
          %add3A_893 = arith.addf %add3A_802, %bitcast3A_891 : vector<16xf32>
          %add3A_894 = arith.addf %add3A_803, %bitcast3A_892 : vector<16xf32>
          %slice3A_895 = vector.extract_strided_slice %get3A_852 {offsets = [1], sizes = [1], strides = [1]} : vector<16xi32> to vector<1xi32>
          %squeeze3A_896 = vector.extract %slice3A_895[0] : i32 from vector<1xi32>
          %broadcast_in_dim3A_897 = vector.broadcast %squeeze3A_896 : i32 to vector<16xi32>
          %bitcast3A_898 = vector.bitcast %broadcast_in_dim3A_897 : vector<16xi32> to vector<32xbf16>
          %add3A_899 = arith.constant 1 : i32
          %add3A_900 = arith.addi %mul3A_849, %add3A_899 : i32
          %get3A_901 = arith.constant 0 : i32
          %get3A_902 = arith.constant 0 : i32
          %get3A_903 = tpu.memref_slice %arg8[%and3A_71, %get3A_901, %get3A_902] : memref<4x128x32xi32, #tpu.memory_space<vmem>> -> memref<1x128x32xi32, #tpu.memory_space<vmem>>
          %get3A_904 = tpu.memref_squeeze %get3A_903 : memref<1x128x32xi32, #tpu.memory_space<vmem>> -> memref<128x32xi32, #tpu.memory_space<vmem>>
          %get3A_905 = arith.index_cast %add3A_900 : i32 to index
          %get3A_906 = arith.constant 0 : index
          %get3A_907 = tpu.vector_load %get3A_904[%get3A_905, %get3A_906] {strides = array<i32>} : memref<128x32xi32, #tpu.memory_space<vmem>>, vector<16xi32>,
          %bitcast3A_908 = vector.bitcast %get3A_907 : vector<16xi32> to vector<32xbf16>
          %mul3A_909 = arith.mulf %bitcast3A_908, %bitcast3A_898 : vector<32xbf16>
          %bitcast3A_910 = vector.bitcast %mul3A_909 : vector<32xbf16> to vector<16xi32>
          %shift_left3A_911 = arith.constant 16 : i32
          %shift_left3A_912 = vector.broadcast %shift_left3A_911 : i32 to vector<16xi32>
          %shift_left3A_913 = arith.shli %bitcast3A_910, %shift_left3A_912 : vector<16xi32>
          %bitcast3A_914 = vector.bitcast %shift_left3A_913 : vector<16xi32> to vector<16xf32>
          %bitcast3A_915 = vector.bitcast %bitcast3A_910 : vector<16xi32> to vector<16xf32>
          %add3A_916 = arith.addf %add3A_825, %bitcast3A_914 : vector<16xf32>
          %add3A_917 = arith.addf %add3A_826, %bitcast3A_915 : vector<16xf32>
          %add3A_918 = arith.constant 1 : i32
          %add3A_919 = arith.addi %mul3A_849, %add3A_918 : i32
          %get3A_920 = arith.constant 0 : i32
          %get3A_921 = arith.constant 0 : i32
          %get3A_922 = tpu.memref_slice %arg8[%and3A_71, %get3A_920, %get3A_921] : memref<4x128x32xi32, #tpu.memory_space<vmem>> -> memref<1x128x32xi32, #tpu.memory_space<vmem>>
          %get3A_923 = tpu.memref_squeeze %get3A_922 : memref<1x128x32xi32, #tpu.memory_space<vmem>> -> memref<128x32xi32, #tpu.memory_space<vmem>>
          %get3A_924 = arith.index_cast %add3A_919 : i32 to index
          %get3A_925 = arith.constant 16 : index
          %get3A_926 = tpu.vector_load %get3A_923[%get3A_924, %get3A_925] {strides = array<i32>} : memref<128x32xi32, #tpu.memory_space<vmem>>, vector<16xi32>,
          %bitcast3A_927 = vector.bitcast %get3A_926 : vector<16xi32> to vector<32xbf16>
          %mul3A_928 = arith.mulf %bitcast3A_927, %bitcast3A_898 : vector<32xbf16>
          %bitcast3A_929 = vector.bitcast %mul3A_928 : vector<32xbf16> to vector<16xi32>
          %shift_left3A_930 = arith.constant 16 : i32
          %shift_left3A_931 = vector.broadcast %shift_left3A_930 : i32 to vector<16xi32>
          %shift_left3A_932 = arith.shli %bitcast3A_929, %shift_left3A_931 : vector<16xi32>
          %bitcast3A_933 = vector.bitcast %shift_left3A_932 : vector<16xi32> to vector<16xf32>
          %bitcast3A_934 = vector.bitcast %bitcast3A_929 : vector<16xi32> to vector<16xf32>
          %add3A_935 = arith.addf %add3A_844, %bitcast3A_933 : vector<16xf32>
          %add3A_936 = arith.addf %add3A_845, %bitcast3A_934 : vector<16xf32>
          %slice3A_937 = vector.extract_strided_slice %get3A_852 {offsets = [2], sizes = [1], strides = [1]} : vector<16xi32> to vector<1xi32>
          %squeeze3A_938 = vector.extract %slice3A_937[0] : i32 from vector<1xi32>
          %broadcast_in_dim3A_939 = vector.broadcast %squeeze3A_938 : i32 to vector<16xi32>
          %bitcast3A_940 = vector.bitcast %broadcast_in_dim3A_939 : vector<16xi32> to vector<32xbf16>
          %add3A_941 = arith.constant 2 : i32
          %add3A_942 = arith.addi %mul3A_849, %add3A_941 : i32
          %get3A_943 = arith.constant 0 : i32
          %get3A_944 = arith.constant 0 : i32
          %get3A_945 = tpu.memref_slice %arg8[%and3A_71, %get3A_943, %get3A_944] : memref<4x128x32xi32, #tpu.memory_space<vmem>> -> memref<1x128x32xi32, #tpu.memory_space<vmem>>
          %get3A_946 = tpu.memref_squeeze %get3A_945 : memref<1x128x32xi32, #tpu.memory_space<vmem>> -> memref<128x32xi32, #tpu.memory_space<vmem>>
          %get3A_947 = arith.index_cast %add3A_942 : i32 to index
          %get3A_948 = arith.constant 0 : index
          %get3A_949 = tpu.vector_load %get3A_946[%get3A_947, %get3A_948] {strides = array<i32>} : memref<128x32xi32, #tpu.memory_space<vmem>>, vector<16xi32>,
          %bitcast3A_950 = vector.bitcast %get3A_949 : vector<16xi32> to vector<32xbf16>
          %mul3A_951 = arith.mulf %bitcast3A_950, %bitcast3A_940 : vector<32xbf16>
          %bitcast3A_952 = vector.bitcast %mul3A_951 : vector<32xbf16> to vector<16xi32>
          %shift_left3A_953 = arith.constant 16 : i32
          %shift_left3A_954 = vector.broadcast %shift_left3A_953 : i32 to vector<16xi32>
          %shift_left3A_955 = arith.shli %bitcast3A_952, %shift_left3A_954 : vector<16xi32>
          %bitcast3A_956 = vector.bitcast %shift_left3A_955 : vector<16xi32> to vector<16xf32>
          %bitcast3A_957 = vector.bitcast %bitcast3A_952 : vector<16xi32> to vector<16xf32>
          %add3A_958 = arith.addf %add3A_874, %bitcast3A_956 : vector<16xf32>
          %add3A_959 = arith.addf %add3A_875, %bitcast3A_957 : vector<16xf32>
          %add3A_960 = arith.constant 2 : i32
          %add3A_961 = arith.addi %mul3A_849, %add3A_960 : i32
          %get3A_962 = arith.constant 0 : i32
          %get3A_963 = arith.constant 0 : i32
          %get3A_964 = tpu.memref_slice %arg8[%and3A_71, %get3A_962, %get3A_963] : memref<4x128x32xi32, #tpu.memory_space<vmem>> -> memref<1x128x32xi32, #tpu.memory_space<vmem>>
          %get3A_965 = tpu.memref_squeeze %get3A_964 : memref<1x128x32xi32, #tpu.memory_space<vmem>> -> memref<128x32xi32, #tpu.memory_space<vmem>>
          %get3A_966 = arith.index_cast %add3A_961 : i32 to index
          %get3A_967 = arith.constant 16 : index
          %get3A_968 = tpu.vector_load %get3A_965[%get3A_966, %get3A_967] {strides = array<i32>} : memref<128x32xi32, #tpu.memory_space<vmem>>, vector<16xi32>,
          %bitcast3A_969 = vector.bitcast %get3A_968 : vector<16xi32> to vector<32xbf16>
          %mul3A_970 = arith.mulf %bitcast3A_969, %bitcast3A_940 : vector<32xbf16>
          %bitcast3A_971 = vector.bitcast %mul3A_970 : vector<32xbf16> to vector<16xi32>
          %shift_left3A_972 = arith.constant 16 : i32
          %shift_left3A_973 = vector.broadcast %shift_left3A_972 : i32 to vector<16xi32>
          %shift_left3A_974 = arith.shli %bitcast3A_971, %shift_left3A_973 : vector<16xi32>
          %bitcast3A_975 = vector.bitcast %shift_left3A_974 : vector<16xi32> to vector<16xf32>
          %bitcast3A_976 = vector.bitcast %bitcast3A_971 : vector<16xi32> to vector<16xf32>
          %add3A_977 = arith.addf %add3A_893, %bitcast3A_975 : vector<16xf32>
          %add3A_978 = arith.addf %add3A_894, %bitcast3A_976 : vector<16xf32>
          %slice3A_979 = vector.extract_strided_slice %get3A_852 {offsets = [3], sizes = [1], strides = [1]} : vector<16xi32> to vector<1xi32>
          %squeeze3A_980 = vector.extract %slice3A_979[0] : i32 from vector<1xi32>
          %broadcast_in_dim3A_981 = vector.broadcast %squeeze3A_980 : i32 to vector<16xi32>
          %bitcast3A_982 = vector.bitcast %broadcast_in_dim3A_981 : vector<16xi32> to vector<32xbf16>
          %add3A_983 = arith.constant 3 : i32
          %add3A_984 = arith.addi %mul3A_849, %add3A_983 : i32
          %get3A_985 = arith.constant 0 : i32
          %get3A_986 = arith.constant 0 : i32
          %get3A_987 = tpu.memref_slice %arg8[%and3A_71, %get3A_985, %get3A_986] : memref<4x128x32xi32, #tpu.memory_space<vmem>> -> memref<1x128x32xi32, #tpu.memory_space<vmem>>
          %get3A_988 = tpu.memref_squeeze %get3A_987 : memref<1x128x32xi32, #tpu.memory_space<vmem>> -> memref<128x32xi32, #tpu.memory_space<vmem>>
          %get3A_989 = arith.index_cast %add3A_984 : i32 to index
          %get3A_990 = arith.constant 0 : index
          %get3A_991 = tpu.vector_load %get3A_988[%get3A_989, %get3A_990] {strides = array<i32>} : memref<128x32xi32, #tpu.memory_space<vmem>>, vector<16xi32>,
          %bitcast3A_992 = vector.bitcast %get3A_991 : vector<16xi32> to vector<32xbf16>
          %mul3A_993 = arith.mulf %bitcast3A_992, %bitcast3A_982 : vector<32xbf16>
          %bitcast3A_994 = vector.bitcast %mul3A_993 : vector<32xbf16> to vector<16xi32>
          %shift_left3A_995 = arith.constant 16 : i32
          %shift_left3A_996 = vector.broadcast %shift_left3A_995 : i32 to vector<16xi32>
          %shift_left3A_997 = arith.shli %bitcast3A_994, %shift_left3A_996 : vector<16xi32>
          %bitcast3A_998 = vector.bitcast %shift_left3A_997 : vector<16xi32> to vector<16xf32>
          %bitcast3A_999 = vector.bitcast %bitcast3A_994 : vector<16xi32> to vector<16xf32>
          %add3A_1000 = arith.addf %add3A_916, %bitcast3A_998 : vector<16xf32>
          %add3A_1001 = arith.addf %add3A_917, %bitcast3A_999 : vector<16xf32>
          %add3A_1002 = arith.constant 3 : i32
          %add3A_1003 = arith.addi %mul3A_849, %add3A_1002 : i32
          %get3A_1004 = arith.constant 0 : i32
          %get3A_1005 = arith.constant 0 : i32
          %get3A_1006 = tpu.memref_slice %arg8[%and3A_71, %get3A_1004, %get3A_1005] : memref<4x128x32xi32, #tpu.memory_space<vmem>> -> memref<1x128x32xi32, #tpu.memory_space<vmem>>
          %get3A_1007 = tpu.memref_squeeze %get3A_1006 : memref<1x128x32xi32, #tpu.memory_space<vmem>> -> memref<128x32xi32, #tpu.memory_space<vmem>>
          %get3A_1008 = arith.index_cast %add3A_1003 : i32 to index
          %get3A_1009 = arith.constant 16 : index
          %get3A_1010 = tpu.vector_load %get3A_1007[%get3A_1008, %get3A_1009] {strides = array<i32>} : memref<128x32xi32, #tpu.memory_space<vmem>>, vector<16xi32>,
          %bitcast3A_1011 = vector.bitcast %get3A_1010 : vector<16xi32> to vector<32xbf16>
          %mul3A_1012 = arith.mulf %bitcast3A_1011, %bitcast3A_982 : vector<32xbf16>
          %bitcast3A_1013 = vector.bitcast %mul3A_1012 : vector<32xbf16> to vector<16xi32>
          %shift_left3A_1014 = arith.constant 16 : i32
          %shift_left3A_1015 = vector.broadcast %shift_left3A_1014 : i32 to vector<16xi32>
          %shift_left3A_1016 = arith.shli %bitcast3A_1013, %shift_left3A_1015 : vector<16xi32>
          %bitcast3A_1017 = vector.bitcast %shift_left3A_1016 : vector<16xi32> to vector<16xf32>
          %bitcast3A_1018 = vector.bitcast %bitcast3A_1013 : vector<16xi32> to vector<16xf32>
          %add3A_1019 = arith.addf %add3A_935, %bitcast3A_1017 : vector<16xf32>
          %add3A_1020 = arith.addf %add3A_936, %bitcast3A_1018 : vector<16xf32>
          %slice3A_1021 = vector.extract_strided_slice %get3A_852 {offsets = [4], sizes = [1], strides = [1]} : vector<16xi32> to vector<1xi32>
          %squeeze3A_1022 = vector.extract %slice3A_1021[0] : i32 from vector<1xi32>
          %broadcast_in_dim3A_1023 = vector.broadcast %squeeze3A_1022 : i32 to vector<16xi32>
          %bitcast3A_1024 = vector.bitcast %broadcast_in_dim3A_1023 : vector<16xi32> to vector<32xbf16>
          %add3A_1025 = arith.constant 4 : i32
          %add3A_1026 = arith.addi %mul3A_849, %add3A_1025 : i32
          %get3A_1027 = arith.constant 0 : i32
          %get3A_1028 = arith.constant 0 : i32
          %get3A_1029 = tpu.memref_slice %arg8[%and3A_71, %get3A_1027, %get3A_1028] : memref<4x128x32xi32, #tpu.memory_space<vmem>> -> memref<1x128x32xi32, #tpu.memory_space<vmem>>
          %get3A_1030 = tpu.memref_squeeze %get3A_1029 : memref<1x128x32xi32, #tpu.memory_space<vmem>> -> memref<128x32xi32, #tpu.memory_space<vmem>>
          %get3A_1031 = arith.index_cast %add3A_1026 : i32 to index
          %get3A_1032 = arith.constant 0 : index
          %get3A_1033 = tpu.vector_load %get3A_1030[%get3A_1031, %get3A_1032] {strides = array<i32>} : memref<128x32xi32, #tpu.memory_space<vmem>>, vector<16xi32>,
          %bitcast3A_1034 = vector.bitcast %get3A_1033 : vector<16xi32> to vector<32xbf16>
          %mul3A_1035 = arith.mulf %bitcast3A_1034, %bitcast3A_1024 : vector<32xbf16>
          %bitcast3A_1036 = vector.bitcast %mul3A_1035 : vector<32xbf16> to vector<16xi32>
          %shift_left3A_1037 = arith.constant 16 : i32
          %shift_left3A_1038 = vector.broadcast %shift_left3A_1037 : i32 to vector<16xi32>
          %shift_left3A_1039 = arith.shli %bitcast3A_1036, %shift_left3A_1038 : vector<16xi32>
          %bitcast3A_1040 = vector.bitcast %shift_left3A_1039 : vector<16xi32> to vector<16xf32>
          %bitcast3A_1041 = vector.bitcast %bitcast3A_1036 : vector<16xi32> to vector<16xf32>
          %add3A_1042 = arith.addf %add3A_958, %bitcast3A_1040 : vector<16xf32>
          %add3A_1043 = arith.addf %add3A_959, %bitcast3A_1041 : vector<16xf32>
          %add3A_1044 = arith.constant 4 : i32
          %add3A_1045 = arith.addi %mul3A_849, %add3A_1044 : i32
          %get3A_1046 = arith.constant 0 : i32
          %get3A_1047 = arith.constant 0 : i32
          %get3A_1048 = tpu.memref_slice %arg8[%and3A_71, %get3A_1046, %get3A_1047] : memref<4x128x32xi32, #tpu.memory_space<vmem>> -> memref<1x128x32xi32, #tpu.memory_space<vmem>>
          %get3A_1049 = tpu.memref_squeeze %get3A_1048 : memref<1x128x32xi32, #tpu.memory_space<vmem>> -> memref<128x32xi32, #tpu.memory_space<vmem>>
          %get3A_1050 = arith.index_cast %add3A_1045 : i32 to index
          %get3A_1051 = arith.constant 16 : index
          %get3A_1052 = tpu.vector_load %get3A_1049[%get3A_1050, %get3A_1051] {strides = array<i32>} : memref<128x32xi32, #tpu.memory_space<vmem>>, vector<16xi32>,
          %bitcast3A_1053 = vector.bitcast %get3A_1052 : vector<16xi32> to vector<32xbf16>
          %mul3A_1054 = arith.mulf %bitcast3A_1053, %bitcast3A_1024 : vector<32xbf16>
          %bitcast3A_1055 = vector.bitcast %mul3A_1054 : vector<32xbf16> to vector<16xi32>
          %shift_left3A_1056 = arith.constant 16 : i32
          %shift_left3A_1057 = vector.broadcast %shift_left3A_1056 : i32 to vector<16xi32>
          %shift_left3A_1058 = arith.shli %bitcast3A_1055, %shift_left3A_1057 : vector<16xi32>
          %bitcast3A_1059 = vector.bitcast %shift_left3A_1058 : vector<16xi32> to vector<16xf32>
          %bitcast3A_1060 = vector.bitcast %bitcast3A_1055 : vector<16xi32> to vector<16xf32>
          %add3A_1061 = arith.addf %add3A_977, %bitcast3A_1059 : vector<16xf32>
          %add3A_1062 = arith.addf %add3A_978, %bitcast3A_1060 : vector<16xf32>
          %slice3A_1063 = vector.extract_strided_slice %get3A_852 {offsets = [5], sizes = [1], strides = [1]} : vector<16xi32> to vector<1xi32>
          %squeeze3A_1064 = vector.extract %slice3A_1063[0] : i32 from vector<1xi32>
          %broadcast_in_dim3A_1065 = vector.broadcast %squeeze3A_1064 : i32 to vector<16xi32>
          %bitcast3A_1066 = vector.bitcast %broadcast_in_dim3A_1065 : vector<16xi32> to vector<32xbf16>
          %add3A_1067 = arith.constant 5 : i32
          %add3A_1068 = arith.addi %mul3A_849, %add3A_1067 : i32
          %get3A_1069 = arith.constant 0 : i32
          %get3A_1070 = arith.constant 0 : i32
          %get3A_1071 = tpu.memref_slice %arg8[%and3A_71, %get3A_1069, %get3A_1070] : memref<4x128x32xi32, #tpu.memory_space<vmem>> -> memref<1x128x32xi32, #tpu.memory_space<vmem>>
          %get3A_1072 = tpu.memref_squeeze %get3A_1071 : memref<1x128x32xi32, #tpu.memory_space<vmem>> -> memref<128x32xi32, #tpu.memory_space<vmem>>
          %get3A_1073 = arith.index_cast %add3A_1068 : i32 to index
          %get3A_1074 = arith.constant 0 : index
          %get3A_1075 = tpu.vector_load %get3A_1072[%get3A_1073, %get3A_1074] {strides = array<i32>} : memref<128x32xi32, #tpu.memory_space<vmem>>, vector<16xi32>,
          %bitcast3A_1076 = vector.bitcast %get3A_1075 : vector<16xi32> to vector<32xbf16>
          %mul3A_1077 = arith.mulf %bitcast3A_1076, %bitcast3A_1066 : vector<32xbf16>
          %bitcast3A_1078 = vector.bitcast %mul3A_1077 : vector<32xbf16> to vector<16xi32>
          %shift_left3A_1079 = arith.constant 16 : i32
          %shift_left3A_1080 = vector.broadcast %shift_left3A_1079 : i32 to vector<16xi32>
          %shift_left3A_1081 = arith.shli %bitcast3A_1078, %shift_left3A_1080 : vector<16xi32>
          %bitcast3A_1082 = vector.bitcast %shift_left3A_1081 : vector<16xi32> to vector<16xf32>
          %bitcast3A_1083 = vector.bitcast %bitcast3A_1078 : vector<16xi32> to vector<16xf32>
          %add3A_1084 = arith.addf %add3A_1000, %bitcast3A_1082 : vector<16xf32>
          %add3A_1085 = arith.addf %add3A_1001, %bitcast3A_1083 : vector<16xf32>
          %add3A_1086 = arith.constant 5 : i32
          %add3A_1087 = arith.addi %mul3A_849, %add3A_1086 : i32
          %get3A_1088 = arith.constant 0 : i32
          %get3A_1089 = arith.constant 0 : i32
          %get3A_1090 = tpu.memref_slice %arg8[%and3A_71, %get3A_1088, %get3A_1089] : memref<4x128x32xi32, #tpu.memory_space<vmem>> -> memref<1x128x32xi32, #tpu.memory_space<vmem>>
          %get3A_1091 = tpu.memref_squeeze %get3A_1090 : memref<1x128x32xi32, #tpu.memory_space<vmem>> -> memref<128x32xi32, #tpu.memory_space<vmem>>
          %get3A_1092 = arith.index_cast %add3A_1087 : i32 to index
          %get3A_1093 = arith.constant 16 : index
          %get3A_1094 = tpu.vector_load %get3A_1091[%get3A_1092, %get3A_1093] {strides = array<i32>} : memref<128x32xi32, #tpu.memory_space<vmem>>, vector<16xi32>,
          %bitcast3A_1095 = vector.bitcast %get3A_1094 : vector<16xi32> to vector<32xbf16>
          %mul3A_1096 = arith.mulf %bitcast3A_1095, %bitcast3A_1066 : vector<32xbf16>
          %bitcast3A_1097 = vector.bitcast %mul3A_1096 : vector<32xbf16> to vector<16xi32>
          %shift_left3A_1098 = arith.constant 16 : i32
          %shift_left3A_1099 = vector.broadcast %shift_left3A_1098 : i32 to vector<16xi32>
          %shift_left3A_1100 = arith.shli %bitcast3A_1097, %shift_left3A_1099 : vector<16xi32>
          %bitcast3A_1101 = vector.bitcast %shift_left3A_1100 : vector<16xi32> to vector<16xf32>
          %bitcast3A_1102 = vector.bitcast %bitcast3A_1097 : vector<16xi32> to vector<16xf32>
          %add3A_1103 = arith.addf %add3A_1019, %bitcast3A_1101 : vector<16xf32>
          %add3A_1104 = arith.addf %add3A_1020, %bitcast3A_1102 : vector<16xf32>
          %slice3A_1105 = vector.extract_strided_slice %get3A_852 {offsets = [6], sizes = [1], strides = [1]} : vector<16xi32> to vector<1xi32>
          %squeeze3A_1106 = vector.extract %slice3A_1105[0] : i32 from vector<1xi32>
          %broadcast_in_dim3A_1107 = vector.broadcast %squeeze3A_1106 : i32 to vector<16xi32>
          %bitcast3A_1108 = vector.bitcast %broadcast_in_dim3A_1107 : vector<16xi32> to vector<32xbf16>
          %add3A_1109 = arith.constant 6 : i32
          %add3A_1110 = arith.addi %mul3A_849, %add3A_1109 : i32
          %get3A_1111 = arith.constant 0 : i32
          %get3A_1112 = arith.constant 0 : i32
          %get3A_1113 = tpu.memref_slice %arg8[%and3A_71, %get3A_1111, %get3A_1112] : memref<4x128x32xi32, #tpu.memory_space<vmem>> -> memref<1x128x32xi32, #tpu.memory_space<vmem>>
          %get3A_1114 = tpu.memref_squeeze %get3A_1113 : memref<1x128x32xi32, #tpu.memory_space<vmem>> -> memref<128x32xi32, #tpu.memory_space<vmem>>
          %get3A_1115 = arith.index_cast %add3A_1110 : i32 to index
          %get3A_1116 = arith.constant 0 : index
          %get3A_1117 = tpu.vector_load %get3A_1114[%get3A_1115, %get3A_1116] {strides = array<i32>} : memref<128x32xi32, #tpu.memory_space<vmem>>, vector<16xi32>,
          %bitcast3A_1118 = vector.bitcast %get3A_1117 : vector<16xi32> to vector<32xbf16>
          %mul3A_1119 = arith.mulf %bitcast3A_1118, %bitcast3A_1108 : vector<32xbf16>
          %bitcast3A_1120 = vector.bitcast %mul3A_1119 : vector<32xbf16> to vector<16xi32>
          %shift_left3A_1121 = arith.constant 16 : i32
          %shift_left3A_1122 = vector.broadcast %shift_left3A_1121 : i32 to vector<16xi32>
          %shift_left3A_1123 = arith.shli %bitcast3A_1120, %shift_left3A_1122 : vector<16xi32>
          %bitcast3A_1124 = vector.bitcast %shift_left3A_1123 : vector<16xi32> to vector<16xf32>
          %bitcast3A_1125 = vector.bitcast %bitcast3A_1120 : vector<16xi32> to vector<16xf32>
          %add3A_1126 = arith.addf %add3A_1042, %bitcast3A_1124 : vector<16xf32>
          %add3A_1127 = arith.addf %add3A_1043, %bitcast3A_1125 : vector<16xf32>
          %add3A_1128 = arith.constant 6 : i32
          %add3A_1129 = arith.addi %mul3A_849, %add3A_1128 : i32
          %get3A_1130 = arith.constant 0 : i32
          %get3A_1131 = arith.constant 0 : i32
          %get3A_1132 = tpu.memref_slice %arg8[%and3A_71, %get3A_1130, %get3A_1131] : memref<4x128x32xi32, #tpu.memory_space<vmem>> -> memref<1x128x32xi32, #tpu.memory_space<vmem>>
          %get3A_1133 = tpu.memref_squeeze %get3A_1132 : memref<1x128x32xi32, #tpu.memory_space<vmem>> -> memref<128x32xi32, #tpu.memory_space<vmem>>
          %get3A_1134 = arith.index_cast %add3A_1129 : i32 to index
          %get3A_1135 = arith.constant 16 : index
          %get3A_1136 = tpu.vector_load %get3A_1133[%get3A_1134, %get3A_1135] {strides = array<i32>} : memref<128x32xi32, #tpu.memory_space<vmem>>, vector<16xi32>,
          %bitcast3A_1137 = vector.bitcast %get3A_1136 : vector<16xi32> to vector<32xbf16>
          %mul3A_1138 = arith.mulf %bitcast3A_1137, %bitcast3A_1108 : vector<32xbf16>
          %bitcast3A_1139 = vector.bitcast %mul3A_1138 : vector<32xbf16> to vector<16xi32>
          %shift_left3A_1140 = arith.constant 16 : i32
          %shift_left3A_1141 = vector.broadcast %shift_left3A_1140 : i32 to vector<16xi32>
          %shift_left3A_1142 = arith.shli %bitcast3A_1139, %shift_left3A_1141 : vector<16xi32>
          %bitcast3A_1143 = vector.bitcast %shift_left3A_1142 : vector<16xi32> to vector<16xf32>
          %bitcast3A_1144 = vector.bitcast %bitcast3A_1139 : vector<16xi32> to vector<16xf32>
          %add3A_1145 = arith.addf %add3A_1061, %bitcast3A_1143 : vector<16xf32>
          %add3A_1146 = arith.addf %add3A_1062, %bitcast3A_1144 : vector<16xf32>
          %slice3A_1147 = vector.extract_strided_slice %get3A_852 {offsets = [7], sizes = [1], strides = [1]} : vector<16xi32> to vector<1xi32>
          %squeeze3A_1148 = vector.extract %slice3A_1147[0] : i32 from vector<1xi32>
          %broadcast_in_dim3A_1149 = vector.broadcast %squeeze3A_1148 : i32 to vector<16xi32>
          %bitcast3A_1150 = vector.bitcast %broadcast_in_dim3A_1149 : vector<16xi32> to vector<32xbf16>
          %add3A_1151 = arith.constant 7 : i32
          %add3A_1152 = arith.addi %mul3A_849, %add3A_1151 : i32
          %get3A_1153 = arith.constant 0 : i32
          %get3A_1154 = arith.constant 0 : i32
          %get3A_1155 = tpu.memref_slice %arg8[%and3A_71, %get3A_1153, %get3A_1154] : memref<4x128x32xi32, #tpu.memory_space<vmem>> -> memref<1x128x32xi32, #tpu.memory_space<vmem>>
          %get3A_1156 = tpu.memref_squeeze %get3A_1155 : memref<1x128x32xi32, #tpu.memory_space<vmem>> -> memref<128x32xi32, #tpu.memory_space<vmem>>
          %get3A_1157 = arith.index_cast %add3A_1152 : i32 to index
          %get3A_1158 = arith.constant 0 : index
          %get3A_1159 = tpu.vector_load %get3A_1156[%get3A_1157, %get3A_1158] {strides = array<i32>} : memref<128x32xi32, #tpu.memory_space<vmem>>, vector<16xi32>,
          %bitcast3A_1160 = vector.bitcast %get3A_1159 : vector<16xi32> to vector<32xbf16>
          %mul3A_1161 = arith.mulf %bitcast3A_1160, %bitcast3A_1150 : vector<32xbf16>
          %bitcast3A_1162 = vector.bitcast %mul3A_1161 : vector<32xbf16> to vector<16xi32>
          %shift_left3A_1163 = arith.constant 16 : i32
          %shift_left3A_1164 = vector.broadcast %shift_left3A_1163 : i32 to vector<16xi32>
          %shift_left3A_1165 = arith.shli %bitcast3A_1162, %shift_left3A_1164 : vector<16xi32>
          %bitcast3A_1166 = vector.bitcast %shift_left3A_1165 : vector<16xi32> to vector<16xf32>
          %bitcast3A_1167 = vector.bitcast %bitcast3A_1162 : vector<16xi32> to vector<16xf32>
          %add3A_1168 = arith.addf %add3A_1084, %bitcast3A_1166 : vector<16xf32>
          %add3A_1169 = arith.addf %add3A_1085, %bitcast3A_1167 : vector<16xf32>
          %add3A_1170 = arith.constant 7 : i32
          %add3A_1171 = arith.addi %mul3A_849, %add3A_1170 : i32
          %get3A_1172 = arith.constant 0 : i32
          %get3A_1173 = arith.constant 0 : i32
          %get3A_1174 = tpu.memref_slice %arg8[%and3A_71, %get3A_1172, %get3A_1173] : memref<4x128x32xi32, #tpu.memory_space<vmem>> -> memref<1x128x32xi32, #tpu.memory_space<vmem>>
          %get3A_1175 = tpu.memref_squeeze %get3A_1174 : memref<1x128x32xi32, #tpu.memory_space<vmem>> -> memref<128x32xi32, #tpu.memory_space<vmem>>
          %get3A_1176 = arith.index_cast %add3A_1171 : i32 to index
          %get3A_1177 = arith.constant 16 : index
          %get3A_1178 = tpu.vector_load %get3A_1175[%get3A_1176, %get3A_1177] {strides = array<i32>} : memref<128x32xi32, #tpu.memory_space<vmem>>, vector<16xi32>,
          %bitcast3A_1179 = vector.bitcast %get3A_1178 : vector<16xi32> to vector<32xbf16>
          %mul3A_1180 = arith.mulf %bitcast3A_1179, %bitcast3A_1150 : vector<32xbf16>
          %bitcast3A_1181 = vector.bitcast %mul3A_1180 : vector<32xbf16> to vector<16xi32>
          %shift_left3A_1182 = arith.constant 16 : i32
          %shift_left3A_1183 = vector.broadcast %shift_left3A_1182 : i32 to vector<16xi32>
          %shift_left3A_1184 = arith.shli %bitcast3A_1181, %shift_left3A_1183 : vector<16xi32>
          %bitcast3A_1185 = vector.bitcast %shift_left3A_1184 : vector<16xi32> to vector<16xf32>
          %bitcast3A_1186 = vector.bitcast %bitcast3A_1181 : vector<16xi32> to vector<16xf32>
          %add3A_1187 = arith.addf %add3A_1103, %bitcast3A_1185 : vector<16xf32>
          %add3A_1188 = arith.addf %add3A_1104, %bitcast3A_1186 : vector<16xf32>
          %slice3A_1189 = vector.extract_strided_slice %get3A_852 {offsets = [8], sizes = [1], strides = [1]} : vector<16xi32> to vector<1xi32>
          %squeeze3A_1190 = vector.extract %slice3A_1189[0] : i32 from vector<1xi32>
          %broadcast_in_dim3A_1191 = vector.broadcast %squeeze3A_1190 : i32 to vector<16xi32>
          %bitcast3A_1192 = vector.bitcast %broadcast_in_dim3A_1191 : vector<16xi32> to vector<32xbf16>
          %add3A_1193 = arith.constant 8 : i32
          %add3A_1194 = arith.addi %mul3A_849, %add3A_1193 : i32
          %get3A_1195 = arith.constant 0 : i32
          %get3A_1196 = arith.constant 0 : i32
          %get3A_1197 = tpu.memref_slice %arg8[%and3A_71, %get3A_1195, %get3A_1196] : memref<4x128x32xi32, #tpu.memory_space<vmem>> -> memref<1x128x32xi32, #tpu.memory_space<vmem>>
          %get3A_1198 = tpu.memref_squeeze %get3A_1197 : memref<1x128x32xi32, #tpu.memory_space<vmem>> -> memref<128x32xi32, #tpu.memory_space<vmem>>
          %get3A_1199 = arith.index_cast %add3A_1194 : i32 to index
          %get3A_1200 = arith.constant 0 : index
          %get3A_1201 = tpu.vector_load %get3A_1198[%get3A_1199, %get3A_1200] {strides = array<i32>} : memref<128x32xi32, #tpu.memory_space<vmem>>, vector<16xi32>,
          %bitcast3A_1202 = vector.bitcast %get3A_1201 : vector<16xi32> to vector<32xbf16>
          %mul3A_1203 = arith.mulf %bitcast3A_1202, %bitcast3A_1192 : vector<32xbf16>
          %bitcast3A_1204 = vector.bitcast %mul3A_1203 : vector<32xbf16> to vector<16xi32>
          %shift_left3A_1205 = arith.constant 16 : i32
          %shift_left3A_1206 = vector.broadcast %shift_left3A_1205 : i32 to vector<16xi32>
          %shift_left3A_1207 = arith.shli %bitcast3A_1204, %shift_left3A_1206 : vector<16xi32>
          %bitcast3A_1208 = vector.bitcast %shift_left3A_1207 : vector<16xi32> to vector<16xf32>
          %bitcast3A_1209 = vector.bitcast %bitcast3A_1204 : vector<16xi32> to vector<16xf32>
          %add3A_1210 = arith.addf %add3A_1126, %bitcast3A_1208 : vector<16xf32>
          %add3A_1211 = arith.addf %add3A_1127, %bitcast3A_1209 : vector<16xf32>
          %add3A_1212 = arith.constant 8 : i32
          %add3A_1213 = arith.addi %mul3A_849, %add3A_1212 : i32
          %get3A_1214 = arith.constant 0 : i32
          %get3A_1215 = arith.constant 0 : i32
          %get3A_1216 = tpu.memref_slice %arg8[%and3A_71, %get3A_1214, %get3A_1215] : memref<4x128x32xi32, #tpu.memory_space<vmem>> -> memref<1x128x32xi32, #tpu.memory_space<vmem>>
          %get3A_1217 = tpu.memref_squeeze %get3A_1216 : memref<1x128x32xi32, #tpu.memory_space<vmem>> -> memref<128x32xi32, #tpu.memory_space<vmem>>
          %get3A_1218 = arith.index_cast %add3A_1213 : i32 to index
          %get3A_1219 = arith.constant 16 : index
          %get3A_1220 = tpu.vector_load %get3A_1217[%get3A_1218, %get3A_1219] {strides = array<i32>} : memref<128x32xi32, #tpu.memory_space<vmem>>, vector<16xi32>,
          %bitcast3A_1221 = vector.bitcast %get3A_1220 : vector<16xi32> to vector<32xbf16>
          %mul3A_1222 = arith.mulf %bitcast3A_1221, %bitcast3A_1192 : vector<32xbf16>
          %bitcast3A_1223 = vector.bitcast %mul3A_1222 : vector<32xbf16> to vector<16xi32>
          %shift_left3A_1224 = arith.constant 16 : i32
          %shift_left3A_1225 = vector.broadcast %shift_left3A_1224 : i32 to vector<16xi32>
          %shift_left3A_1226 = arith.shli %bitcast3A_1223, %shift_left3A_1225 : vector<16xi32>
          %bitcast3A_1227 = vector.bitcast %shift_left3A_1226 : vector<16xi32> to vector<16xf32>
          %bitcast3A_1228 = vector.bitcast %bitcast3A_1223 : vector<16xi32> to vector<16xf32>
          %add3A_1229 = arith.addf %add3A_1145, %bitcast3A_1227 : vector<16xf32>
          %add3A_1230 = arith.addf %add3A_1146, %bitcast3A_1228 : vector<16xf32>
          %slice3A_1231 = vector.extract_strided_slice %get3A_852 {offsets = [9], sizes = [1], strides = [1]} : vector<16xi32> to vector<1xi32>
          %squeeze3A_1232 = vector.extract %slice3A_1231[0] : i32 from vector<1xi32>
          %broadcast_in_dim3A_1233 = vector.broadcast %squeeze3A_1232 : i32 to vector<16xi32>
          %bitcast3A_1234 = vector.bitcast %broadcast_in_dim3A_1233 : vector<16xi32> to vector<32xbf16>
          %add3A_1235 = arith.constant 9 : i32
          %add3A_1236 = arith.addi %mul3A_849, %add3A_1235 : i32
          %get3A_1237 = arith.constant 0 : i32
          %get3A_1238 = arith.constant 0 : i32
          %get3A_1239 = tpu.memref_slice %arg8[%and3A_71, %get3A_1237, %get3A_1238] : memref<4x128x32xi32, #tpu.memory_space<vmem>> -> memref<1x128x32xi32, #tpu.memory_space<vmem>>
          %get3A_1240 = tpu.memref_squeeze %get3A_1239 : memref<1x128x32xi32, #tpu.memory_space<vmem>> -> memref<128x32xi32, #tpu.memory_space<vmem>>
          %get3A_1241 = arith.index_cast %add3A_1236 : i32 to index
          %get3A_1242 = arith.constant 0 : index
          %get3A_1243 = tpu.vector_load %get3A_1240[%get3A_1241, %get3A_1242] {strides = array<i32>} : memref<128x32xi32, #tpu.memory_space<vmem>>, vector<16xi32>,
          %bitcast3A_1244 = vector.bitcast %get3A_1243 : vector<16xi32> to vector<32xbf16>
          %mul3A_1245 = arith.mulf %bitcast3A_1244, %bitcast3A_1234 : vector<32xbf16>
          %bitcast3A_1246 = vector.bitcast %mul3A_1245 : vector<32xbf16> to vector<16xi32>
          %shift_left3A_1247 = arith.constant 16 : i32
          %shift_left3A_1248 = vector.broadcast %shift_left3A_1247 : i32 to vector<16xi32>
          %shift_left3A_1249 = arith.shli %bitcast3A_1246, %shift_left3A_1248 : vector<16xi32>
          %bitcast3A_1250 = vector.bitcast %shift_left3A_1249 : vector<16xi32> to vector<16xf32>
          %bitcast3A_1251 = vector.bitcast %bitcast3A_1246 : vector<16xi32> to vector<16xf32>
          %add3A_1252 = arith.addf %add3A_1168, %bitcast3A_1250 : vector<16xf32>
          %add3A_1253 = arith.addf %add3A_1169, %bitcast3A_1251 : vector<16xf32>
          %add3A_1254 = arith.constant 9 : i32
          %add3A_1255 = arith.addi %mul3A_849, %add3A_1254 : i32
          %get3A_1256 = arith.constant 0 : i32
          %get3A_1257 = arith.constant 0 : i32
          %get3A_1258 = tpu.memref_slice %arg8[%and3A_71, %get3A_1256, %get3A_1257] : memref<4x128x32xi32, #tpu.memory_space<vmem>> -> memref<1x128x32xi32, #tpu.memory_space<vmem>>
          %get3A_1259 = tpu.memref_squeeze %get3A_1258 : memref<1x128x32xi32, #tpu.memory_space<vmem>> -> memref<128x32xi32, #tpu.memory_space<vmem>>
          %get3A_1260 = arith.index_cast %add3A_1255 : i32 to index
          %get3A_1261 = arith.constant 16 : index
          %get3A_1262 = tpu.vector_load %get3A_1259[%get3A_1260, %get3A_1261] {strides = array<i32>} : memref<128x32xi32, #tpu.memory_space<vmem>>, vector<16xi32>,
          %bitcast3A_1263 = vector.bitcast %get3A_1262 : vector<16xi32> to vector<32xbf16>
          %mul3A_1264 = arith.mulf %bitcast3A_1263, %bitcast3A_1234 : vector<32xbf16>
          %bitcast3A_1265 = vector.bitcast %mul3A_1264 : vector<32xbf16> to vector<16xi32>
          %shift_left3A_1266 = arith.constant 16 : i32
          %shift_left3A_1267 = vector.broadcast %shift_left3A_1266 : i32 to vector<16xi32>
          %shift_left3A_1268 = arith.shli %bitcast3A_1265, %shift_left3A_1267 : vector<16xi32>
          %bitcast3A_1269 = vector.bitcast %shift_left3A_1268 : vector<16xi32> to vector<16xf32>
          %bitcast3A_1270 = vector.bitcast %bitcast3A_1265 : vector<16xi32> to vector<16xf32>
          %add3A_1271 = arith.addf %add3A_1187, %bitcast3A_1269 : vector<16xf32>
          %add3A_1272 = arith.addf %add3A_1188, %bitcast3A_1270 : vector<16xf32>
          %slice3A_1273 = vector.extract_strided_slice %get3A_852 {offsets = [10], sizes = [1], strides = [1]} : vector<16xi32> to vector<1xi32>
          %squeeze3A_1274 = vector.extract %slice3A_1273[0] : i32 from vector<1xi32>
          %broadcast_in_dim3A_1275 = vector.broadcast %squeeze3A_1274 : i32 to vector<16xi32>
          %bitcast3A_1276 = vector.bitcast %broadcast_in_dim3A_1275 : vector<16xi32> to vector<32xbf16>
          %add3A_1277 = arith.constant 10 : i32
          %add3A_1278 = arith.addi %mul3A_849, %add3A_1277 : i32
          %get3A_1279 = arith.constant 0 : i32
          %get3A_1280 = arith.constant 0 : i32
          %get3A_1281 = tpu.memref_slice %arg8[%and3A_71, %get3A_1279, %get3A_1280] : memref<4x128x32xi32, #tpu.memory_space<vmem>> -> memref<1x128x32xi32, #tpu.memory_space<vmem>>
          %get3A_1282 = tpu.memref_squeeze %get3A_1281 : memref<1x128x32xi32, #tpu.memory_space<vmem>> -> memref<128x32xi32, #tpu.memory_space<vmem>>
          %get3A_1283 = arith.index_cast %add3A_1278 : i32 to index
          %get3A_1284 = arith.constant 0 : index
          %get3A_1285 = tpu.vector_load %get3A_1282[%get3A_1283, %get3A_1284] {strides = array<i32>} : memref<128x32xi32, #tpu.memory_space<vmem>>, vector<16xi32>,
          %bitcast3A_1286 = vector.bitcast %get3A_1285 : vector<16xi32> to vector<32xbf16>
          %mul3A_1287 = arith.mulf %bitcast3A_1286, %bitcast3A_1276 : vector<32xbf16>
          %bitcast3A_1288 = vector.bitcast %mul3A_1287 : vector<32xbf16> to vector<16xi32>
          %shift_left3A_1289 = arith.constant 16 : i32
          %shift_left3A_1290 = vector.broadcast %shift_left3A_1289 : i32 to vector<16xi32>
          %shift_left3A_1291 = arith.shli %bitcast3A_1288, %shift_left3A_1290 : vector<16xi32>
          %bitcast3A_1292 = vector.bitcast %shift_left3A_1291 : vector<16xi32> to vector<16xf32>
          %bitcast3A_1293 = vector.bitcast %bitcast3A_1288 : vector<16xi32> to vector<16xf32>
          %add3A_1294 = arith.addf %add3A_1210, %bitcast3A_1292 : vector<16xf32>
          %add3A_1295 = arith.addf %add3A_1211, %bitcast3A_1293 : vector<16xf32>
          %add3A_1296 = arith.constant 10 : i32
          %add3A_1297 = arith.addi %mul3A_849, %add3A_1296 : i32
          %get3A_1298 = arith.constant 0 : i32
          %get3A_1299 = arith.constant 0 : i32
          %get3A_1300 = tpu.memref_slice %arg8[%and3A_71, %get3A_1298, %get3A_1299] : memref<4x128x32xi32, #tpu.memory_space<vmem>> -> memref<1x128x32xi32, #tpu.memory_space<vmem>>
          %get3A_1301 = tpu.memref_squeeze %get3A_1300 : memref<1x128x32xi32, #tpu.memory_space<vmem>> -> memref<128x32xi32, #tpu.memory_space<vmem>>
          %get3A_1302 = arith.index_cast %add3A_1297 : i32 to index
          %get3A_1303 = arith.constant 16 : index
          %get3A_1304 = tpu.vector_load %get3A_1301[%get3A_1302, %get3A_1303] {strides = array<i32>} : memref<128x32xi32, #tpu.memory_space<vmem>>, vector<16xi32>,
          %bitcast3A_1305 = vector.bitcast %get3A_1304 : vector<16xi32> to vector<32xbf16>
          %mul3A_1306 = arith.mulf %bitcast3A_1305, %bitcast3A_1276 : vector<32xbf16>
          %bitcast3A_1307 = vector.bitcast %mul3A_1306 : vector<32xbf16> to vector<16xi32>
          %shift_left3A_1308 = arith.constant 16 : i32
          %shift_left3A_1309 = vector.broadcast %shift_left3A_1308 : i32 to vector<16xi32>
          %shift_left3A_1310 = arith.shli %bitcast3A_1307, %shift_left3A_1309 : vector<16xi32>
          %bitcast3A_1311 = vector.bitcast %shift_left3A_1310 : vector<16xi32> to vector<16xf32>
          %bitcast3A_1312 = vector.bitcast %bitcast3A_1307 : vector<16xi32> to vector<16xf32>
          %add3A_1313 = arith.addf %add3A_1229, %bitcast3A_1311 : vector<16xf32>
          %add3A_1314 = arith.addf %add3A_1230, %bitcast3A_1312 : vector<16xf32>
          %slice3A_1315 = vector.extract_strided_slice %get3A_852 {offsets = [11], sizes = [1], strides = [1]} : vector<16xi32> to vector<1xi32>
          %squeeze3A_1316 = vector.extract %slice3A_1315[0] : i32 from vector<1xi32>
          %broadcast_in_dim3A_1317 = vector.broadcast %squeeze3A_1316 : i32 to vector<16xi32>
          %bitcast3A_1318 = vector.bitcast %broadcast_in_dim3A_1317 : vector<16xi32> to vector<32xbf16>
          %add3A_1319 = arith.constant 11 : i32
          %add3A_1320 = arith.addi %mul3A_849, %add3A_1319 : i32
          %get3A_1321 = arith.constant 0 : i32
          %get3A_1322 = arith.constant 0 : i32
          %get3A_1323 = tpu.memref_slice %arg8[%and3A_71, %get3A_1321, %get3A_1322] : memref<4x128x32xi32, #tpu.memory_space<vmem>> -> memref<1x128x32xi32, #tpu.memory_space<vmem>>
          %get3A_1324 = tpu.memref_squeeze %get3A_1323 : memref<1x128x32xi32, #tpu.memory_space<vmem>> -> memref<128x32xi32, #tpu.memory_space<vmem>>
          %get3A_1325 = arith.index_cast %add3A_1320 : i32 to index
          %get3A_1326 = arith.constant 0 : index
          %get3A_1327 = tpu.vector_load %get3A_1324[%get3A_1325, %get3A_1326] {strides = array<i32>} : memref<128x32xi32, #tpu.memory_space<vmem>>, vector<16xi32>,
          %bitcast3A_1328 = vector.bitcast %get3A_1327 : vector<16xi32> to vector<32xbf16>
          %mul3A_1329 = arith.mulf %bitcast3A_1328, %bitcast3A_1318 : vector<32xbf16>
          %bitcast3A_1330 = vector.bitcast %mul3A_1329 : vector<32xbf16> to vector<16xi32>
          %shift_left3A_1331 = arith.constant 16 : i32
          %shift_left3A_1332 = vector.broadcast %shift_left3A_1331 : i32 to vector<16xi32>
          %shift_left3A_1333 = arith.shli %bitcast3A_1330, %shift_left3A_1332 : vector<16xi32>
          %bitcast3A_1334 = vector.bitcast %shift_left3A_1333 : vector<16xi32> to vector<16xf32>
          %bitcast3A_1335 = vector.bitcast %bitcast3A_1330 : vector<16xi32> to vector<16xf32>
          %add3A_1336 = arith.addf %add3A_1252, %bitcast3A_1334 : vector<16xf32>
          %add3A_1337 = arith.addf %add3A_1253, %bitcast3A_1335 : vector<16xf32>
          %add3A_1338 = arith.constant 11 : i32
          %add3A_1339 = arith.addi %mul3A_849, %add3A_1338 : i32
          %get3A_1340 = arith.constant 0 : i32
          %get3A_1341 = arith.constant 0 : i32
          %get3A_1342 = tpu.memref_slice %arg8[%and3A_71, %get3A_1340, %get3A_1341] : memref<4x128x32xi32, #tpu.memory_space<vmem>> -> memref<1x128x32xi32, #tpu.memory_space<vmem>>
          %get3A_1343 = tpu.memref_squeeze %get3A_1342 : memref<1x128x32xi32, #tpu.memory_space<vmem>> -> memref<128x32xi32, #tpu.memory_space<vmem>>
          %get3A_1344 = arith.index_cast %add3A_1339 : i32 to index
          %get3A_1345 = arith.constant 16 : index
          %get3A_1346 = tpu.vector_load %get3A_1343[%get3A_1344, %get3A_1345] {strides = array<i32>} : memref<128x32xi32, #tpu.memory_space<vmem>>, vector<16xi32>,
          %bitcast3A_1347 = vector.bitcast %get3A_1346 : vector<16xi32> to vector<32xbf16>
          %mul3A_1348 = arith.mulf %bitcast3A_1347, %bitcast3A_1318 : vector<32xbf16>
          %bitcast3A_1349 = vector.bitcast %mul3A_1348 : vector<32xbf16> to vector<16xi32>
          %shift_left3A_1350 = arith.constant 16 : i32
          %shift_left3A_1351 = vector.broadcast %shift_left3A_1350 : i32 to vector<16xi32>
          %shift_left3A_1352 = arith.shli %bitcast3A_1349, %shift_left3A_1351 : vector<16xi32>
          %bitcast3A_1353 = vector.bitcast %shift_left3A_1352 : vector<16xi32> to vector<16xf32>
          %bitcast3A_1354 = vector.bitcast %bitcast3A_1349 : vector<16xi32> to vector<16xf32>
          %add3A_1355 = arith.addf %add3A_1271, %bitcast3A_1353 : vector<16xf32>
          %add3A_1356 = arith.addf %add3A_1272, %bitcast3A_1354 : vector<16xf32>
          %slice3A_1357 = vector.extract_strided_slice %get3A_852 {offsets = [12], sizes = [1], strides = [1]} : vector<16xi32> to vector<1xi32>
          %squeeze3A_1358 = vector.extract %slice3A_1357[0] : i32 from vector<1xi32>
          %broadcast_in_dim3A_1359 = vector.broadcast %squeeze3A_1358 : i32 to vector<16xi32>
          %bitcast3A_1360 = vector.bitcast %broadcast_in_dim3A_1359 : vector<16xi32> to vector<32xbf16>
          %add3A_1361 = arith.constant 12 : i32
          %add3A_1362 = arith.addi %mul3A_849, %add3A_1361 : i32
          %get3A_1363 = arith.constant 0 : i32
          %get3A_1364 = arith.constant 0 : i32
          %get3A_1365 = tpu.memref_slice %arg8[%and3A_71, %get3A_1363, %get3A_1364] : memref<4x128x32xi32, #tpu.memory_space<vmem>> -> memref<1x128x32xi32, #tpu.memory_space<vmem>>
          %get3A_1366 = tpu.memref_squeeze %get3A_1365 : memref<1x128x32xi32, #tpu.memory_space<vmem>> -> memref<128x32xi32, #tpu.memory_space<vmem>>
          %get3A_1367 = arith.index_cast %add3A_1362 : i32 to index
          %get3A_1368 = arith.constant 0 : index
          %get3A_1369 = tpu.vector_load %get3A_1366[%get3A_1367, %get3A_1368] {strides = array<i32>} : memref<128x32xi32, #tpu.memory_space<vmem>>, vector<16xi32>,
          %bitcast3A_1370 = vector.bitcast %get3A_1369 : vector<16xi32> to vector<32xbf16>
          %mul3A_1371 = arith.mulf %bitcast3A_1370, %bitcast3A_1360 : vector<32xbf16>
          %bitcast3A_1372 = vector.bitcast %mul3A_1371 : vector<32xbf16> to vector<16xi32>
          %shift_left3A_1373 = arith.constant 16 : i32
          %shift_left3A_1374 = vector.broadcast %shift_left3A_1373 : i32 to vector<16xi32>
          %shift_left3A_1375 = arith.shli %bitcast3A_1372, %shift_left3A_1374 : vector<16xi32>
          %bitcast3A_1376 = vector.bitcast %shift_left3A_1375 : vector<16xi32> to vector<16xf32>
          %bitcast3A_1377 = vector.bitcast %bitcast3A_1372 : vector<16xi32> to vector<16xf32>
          %add3A_1378 = arith.addf %add3A_1294, %bitcast3A_1376 : vector<16xf32>
          %add3A_1379 = arith.addf %add3A_1295, %bitcast3A_1377 : vector<16xf32>
          %add3A_1380 = arith.constant 12 : i32
          %add3A_1381 = arith.addi %mul3A_849, %add3A_1380 : i32
          %get3A_1382 = arith.constant 0 : i32
          %get3A_1383 = arith.constant 0 : i32
          %get3A_1384 = tpu.memref_slice %arg8[%and3A_71, %get3A_1382, %get3A_1383] : memref<4x128x32xi32, #tpu.memory_space<vmem>> -> memref<1x128x32xi32, #tpu.memory_space<vmem>>
          %get3A_1385 = tpu.memref_squeeze %get3A_1384 : memref<1x128x32xi32, #tpu.memory_space<vmem>> -> memref<128x32xi32, #tpu.memory_space<vmem>>
          %get3A_1386 = arith.index_cast %add3A_1381 : i32 to index
          %get3A_1387 = arith.constant 16 : index
          %get3A_1388 = tpu.vector_load %get3A_1385[%get3A_1386, %get3A_1387] {strides = array<i32>} : memref<128x32xi32, #tpu.memory_space<vmem>>, vector<16xi32>,
          %bitcast3A_1389 = vector.bitcast %get3A_1388 : vector<16xi32> to vector<32xbf16>
          %mul3A_1390 = arith.mulf %bitcast3A_1389, %bitcast3A_1360 : vector<32xbf16>
          %bitcast3A_1391 = vector.bitcast %mul3A_1390 : vector<32xbf16> to vector<16xi32>
          %shift_left3A_1392 = arith.constant 16 : i32
          %shift_left3A_1393 = vector.broadcast %shift_left3A_1392 : i32 to vector<16xi32>
          %shift_left3A_1394 = arith.shli %bitcast3A_1391, %shift_left3A_1393 : vector<16xi32>
          %bitcast3A_1395 = vector.bitcast %shift_left3A_1394 : vector<16xi32> to vector<16xf32>
          %bitcast3A_1396 = vector.bitcast %bitcast3A_1391 : vector<16xi32> to vector<16xf32>
          %add3A_1397 = arith.addf %add3A_1313, %bitcast3A_1395 : vector<16xf32>
          %add3A_1398 = arith.addf %add3A_1314, %bitcast3A_1396 : vector<16xf32>
          %slice3A_1399 = vector.extract_strided_slice %get3A_852 {offsets = [13], sizes = [1], strides = [1]} : vector<16xi32> to vector<1xi32>
          %squeeze3A_1400 = vector.extract %slice3A_1399[0] : i32 from vector<1xi32>
          %broadcast_in_dim3A_1401 = vector.broadcast %squeeze3A_1400 : i32 to vector<16xi32>
          %bitcast3A_1402 = vector.bitcast %broadcast_in_dim3A_1401 : vector<16xi32> to vector<32xbf16>
          %add3A_1403 = arith.constant 13 : i32
          %add3A_1404 = arith.addi %mul3A_849, %add3A_1403 : i32
          %get3A_1405 = arith.constant 0 : i32
          %get3A_1406 = arith.constant 0 : i32
          %get3A_1407 = tpu.memref_slice %arg8[%and3A_71, %get3A_1405, %get3A_1406] : memref<4x128x32xi32, #tpu.memory_space<vmem>> -> memref<1x128x32xi32, #tpu.memory_space<vmem>>
          %get3A_1408 = tpu.memref_squeeze %get3A_1407 : memref<1x128x32xi32, #tpu.memory_space<vmem>> -> memref<128x32xi32, #tpu.memory_space<vmem>>
          %get3A_1409 = arith.index_cast %add3A_1404 : i32 to index
          %get3A_1410 = arith.constant 0 : index
          %get3A_1411 = tpu.vector_load %get3A_1408[%get3A_1409, %get3A_1410] {strides = array<i32>} : memref<128x32xi32, #tpu.memory_space<vmem>>, vector<16xi32>,
          %bitcast3A_1412 = vector.bitcast %get3A_1411 : vector<16xi32> to vector<32xbf16>
          %mul3A_1413 = arith.mulf %bitcast3A_1412, %bitcast3A_1402 : vector<32xbf16>
          %bitcast3A_1414 = vector.bitcast %mul3A_1413 : vector<32xbf16> to vector<16xi32>
          %shift_left3A_1415 = arith.constant 16 : i32
          %shift_left3A_1416 = vector.broadcast %shift_left3A_1415 : i32 to vector<16xi32>
          %shift_left3A_1417 = arith.shli %bitcast3A_1414, %shift_left3A_1416 : vector<16xi32>
          %bitcast3A_1418 = vector.bitcast %shift_left3A_1417 : vector<16xi32> to vector<16xf32>
          %bitcast3A_1419 = vector.bitcast %bitcast3A_1414 : vector<16xi32> to vector<16xf32>
          %add3A_1420 = arith.addf %add3A_1336, %bitcast3A_1418 : vector<16xf32>
          %add3A_1421 = arith.addf %add3A_1337, %bitcast3A_1419 : vector<16xf32>
          %add3A_1422 = arith.constant 13 : i32
          %add3A_1423 = arith.addi %mul3A_849, %add3A_1422 : i32
          %get3A_1424 = arith.constant 0 : i32
          %get3A_1425 = arith.constant 0 : i32
          %get3A_1426 = tpu.memref_slice %arg8[%and3A_71, %get3A_1424, %get3A_1425] : memref<4x128x32xi32, #tpu.memory_space<vmem>> -> memref<1x128x32xi32, #tpu.memory_space<vmem>>
          %get3A_1427 = tpu.memref_squeeze %get3A_1426 : memref<1x128x32xi32, #tpu.memory_space<vmem>> -> memref<128x32xi32, #tpu.memory_space<vmem>>
          %get3A_1428 = arith.index_cast %add3A_1423 : i32 to index
          %get3A_1429 = arith.constant 16 : index
          %get3A_1430 = tpu.vector_load %get3A_1427[%get3A_1428, %get3A_1429] {strides = array<i32>} : memref<128x32xi32, #tpu.memory_space<vmem>>, vector<16xi32>,
          %bitcast3A_1431 = vector.bitcast %get3A_1430 : vector<16xi32> to vector<32xbf16>
          %mul3A_1432 = arith.mulf %bitcast3A_1431, %bitcast3A_1402 : vector<32xbf16>
          %bitcast3A_1433 = vector.bitcast %mul3A_1432 : vector<32xbf16> to vector<16xi32>
          %shift_left3A_1434 = arith.constant 16 : i32
          %shift_left3A_1435 = vector.broadcast %shift_left3A_1434 : i32 to vector<16xi32>
          %shift_left3A_1436 = arith.shli %bitcast3A_1433, %shift_left3A_1435 : vector<16xi32>
          %bitcast3A_1437 = vector.bitcast %shift_left3A_1436 : vector<16xi32> to vector<16xf32>
          %bitcast3A_1438 = vector.bitcast %bitcast3A_1433 : vector<16xi32> to vector<16xf32>
          %add3A_1439 = arith.addf %add3A_1355, %bitcast3A_1437 : vector<16xf32>
          %add3A_1440 = arith.addf %add3A_1356, %bitcast3A_1438 : vector<16xf32>
          %slice3A_1441 = vector.extract_strided_slice %get3A_852 {offsets = [14], sizes = [1], strides = [1]} : vector<16xi32> to vector<1xi32>
          %squeeze3A_1442 = vector.extract %slice3A_1441[0] : i32 from vector<1xi32>
          %broadcast_in_dim3A_1443 = vector.broadcast %squeeze3A_1442 : i32 to vector<16xi32>
          %bitcast3A_1444 = vector.bitcast %broadcast_in_dim3A_1443 : vector<16xi32> to vector<32xbf16>
          %add3A_1445 = arith.constant 14 : i32
          %add3A_1446 = arith.addi %mul3A_849, %add3A_1445 : i32
          %get3A_1447 = arith.constant 0 : i32
          %get3A_1448 = arith.constant 0 : i32
          %get3A_1449 = tpu.memref_slice %arg8[%and3A_71, %get3A_1447, %get3A_1448] : memref<4x128x32xi32, #tpu.memory_space<vmem>> -> memref<1x128x32xi32, #tpu.memory_space<vmem>>
          %get3A_1450 = tpu.memref_squeeze %get3A_1449 : memref<1x128x32xi32, #tpu.memory_space<vmem>> -> memref<128x32xi32, #tpu.memory_space<vmem>>
          %get3A_1451 = arith.index_cast %add3A_1446 : i32 to index
          %get3A_1452 = arith.constant 0 : index
          %get3A_1453 = tpu.vector_load %get3A_1450[%get3A_1451, %get3A_1452] {strides = array<i32>} : memref<128x32xi32, #tpu.memory_space<vmem>>, vector<16xi32>,
          %bitcast3A_1454 = vector.bitcast %get3A_1453 : vector<16xi32> to vector<32xbf16>
          %mul3A_1455 = arith.mulf %bitcast3A_1454, %bitcast3A_1444 : vector<32xbf16>
          %bitcast3A_1456 = vector.bitcast %mul3A_1455 : vector<32xbf16> to vector<16xi32>
          %shift_left3A_1457 = arith.constant 16 : i32
          %shift_left3A_1458 = vector.broadcast %shift_left3A_1457 : i32 to vector<16xi32>
          %shift_left3A_1459 = arith.shli %bitcast3A_1456, %shift_left3A_1458 : vector<16xi32>
          %bitcast3A_1460 = vector.bitcast %shift_left3A_1459 : vector<16xi32> to vector<16xf32>
          %bitcast3A_1461 = vector.bitcast %bitcast3A_1456 : vector<16xi32> to vector<16xf32>
          %add3A_1462 = arith.addf %add3A_1378, %bitcast3A_1460 : vector<16xf32>
          %add3A_1463 = arith.addf %add3A_1379, %bitcast3A_1461 : vector<16xf32>
          %add3A_1464 = arith.constant 14 : i32
          %add3A_1465 = arith.addi %mul3A_849, %add3A_1464 : i32
          %get3A_1466 = arith.constant 0 : i32
          %get3A_1467 = arith.constant 0 : i32
          %get3A_1468 = tpu.memref_slice %arg8[%and3A_71, %get3A_1466, %get3A_1467] : memref<4x128x32xi32, #tpu.memory_space<vmem>> -> memref<1x128x32xi32, #tpu.memory_space<vmem>>
          %get3A_1469 = tpu.memref_squeeze %get3A_1468 : memref<1x128x32xi32, #tpu.memory_space<vmem>> -> memref<128x32xi32, #tpu.memory_space<vmem>>
          %get3A_1470 = arith.index_cast %add3A_1465 : i32 to index
          %get3A_1471 = arith.constant 16 : index
          %get3A_1472 = tpu.vector_load %get3A_1469[%get3A_1470, %get3A_1471] {strides = array<i32>} : memref<128x32xi32, #tpu.memory_space<vmem>>, vector<16xi32>,
          %bitcast3A_1473 = vector.bitcast %get3A_1472 : vector<16xi32> to vector<32xbf16>
          %mul3A_1474 = arith.mulf %bitcast3A_1473, %bitcast3A_1444 : vector<32xbf16>
          %bitcast3A_1475 = vector.bitcast %mul3A_1474 : vector<32xbf16> to vector<16xi32>
          %shift_left3A_1476 = arith.constant 16 : i32
          %shift_left3A_1477 = vector.broadcast %shift_left3A_1476 : i32 to vector<16xi32>
          %shift_left3A_1478 = arith.shli %bitcast3A_1475, %shift_left3A_1477 : vector<16xi32>
          %bitcast3A_1479 = vector.bitcast %shift_left3A_1478 : vector<16xi32> to vector<16xf32>
          %bitcast3A_1480 = vector.bitcast %bitcast3A_1475 : vector<16xi32> to vector<16xf32>
          %add3A_1481 = arith.addf %add3A_1397, %bitcast3A_1479 : vector<16xf32>
          %add3A_1482 = arith.addf %add3A_1398, %bitcast3A_1480 : vector<16xf32>
          %slice3A_1483 = vector.extract_strided_slice %get3A_852 {offsets = [15], sizes = [1], strides = [1]} : vector<16xi32> to vector<1xi32>
          %squeeze3A_1484 = vector.extract %slice3A_1483[0] : i32 from vector<1xi32>
          %broadcast_in_dim3A_1485 = vector.broadcast %squeeze3A_1484 : i32 to vector<16xi32>
          %bitcast3A_1486 = vector.bitcast %broadcast_in_dim3A_1485 : vector<16xi32> to vector<32xbf16>
          %add3A_1487 = arith.constant 15 : i32
          %add3A_1488 = arith.addi %mul3A_849, %add3A_1487 : i32
          %get3A_1489 = arith.constant 0 : i32
          %get3A_1490 = arith.constant 0 : i32
          %get3A_1491 = tpu.memref_slice %arg8[%and3A_71, %get3A_1489, %get3A_1490] : memref<4x128x32xi32, #tpu.memory_space<vmem>> -> memref<1x128x32xi32, #tpu.memory_space<vmem>>
          %get3A_1492 = tpu.memref_squeeze %get3A_1491 : memref<1x128x32xi32, #tpu.memory_space<vmem>> -> memref<128x32xi32, #tpu.memory_space<vmem>>
          %get3A_1493 = arith.index_cast %add3A_1488 : i32 to index
          %get3A_1494 = arith.constant 0 : index
          %get3A_1495 = tpu.vector_load %get3A_1492[%get3A_1493, %get3A_1494] {strides = array<i32>} : memref<128x32xi32, #tpu.memory_space<vmem>>, vector<16xi32>,
          %bitcast3A_1496 = vector.bitcast %get3A_1495 : vector<16xi32> to vector<32xbf16>
          %mul3A_1497 = arith.mulf %bitcast3A_1496, %bitcast3A_1486 : vector<32xbf16>
          %bitcast3A_1498 = vector.bitcast %mul3A_1497 : vector<32xbf16> to vector<16xi32>
          %shift_left3A_1499 = arith.constant 16 : i32
          %shift_left3A_1500 = vector.broadcast %shift_left3A_1499 : i32 to vector<16xi32>
          %shift_left3A_1501 = arith.shli %bitcast3A_1498, %shift_left3A_1500 : vector<16xi32>
          %bitcast3A_1502 = vector.bitcast %shift_left3A_1501 : vector<16xi32> to vector<16xf32>
          %bitcast3A_1503 = vector.bitcast %bitcast3A_1498 : vector<16xi32> to vector<16xf32>
          %add3A_1504 = arith.addf %add3A_1420, %bitcast3A_1502 : vector<16xf32>
          %add3A_1505 = arith.addf %add3A_1421, %bitcast3A_1503 : vector<16xf32>
          %add3A_1506 = arith.constant 15 : i32
          %add3A_1507 = arith.addi %mul3A_849, %add3A_1506 : i32
          %get3A_1508 = arith.constant 0 : i32
          %get3A_1509 = arith.constant 0 : i32
          %get3A_1510 = tpu.memref_slice %arg8[%and3A_71, %get3A_1508, %get3A_1509] : memref<4x128x32xi32, #tpu.memory_space<vmem>> -> memref<1x128x32xi32, #tpu.memory_space<vmem>>
          %get3A_1511 = tpu.memref_squeeze %get3A_1510 : memref<1x128x32xi32, #tpu.memory_space<vmem>> -> memref<128x32xi32, #tpu.memory_space<vmem>>
          %get3A_1512 = arith.index_cast %add3A_1507 : i32 to index
          %get3A_1513 = arith.constant 16 : index
          %get3A_1514 = tpu.vector_load %get3A_1511[%get3A_1512, %get3A_1513] {strides = array<i32>} : memref<128x32xi32, #tpu.memory_space<vmem>>, vector<16xi32>,
          %bitcast3A_1515 = vector.bitcast %get3A_1514 : vector<16xi32> to vector<32xbf16>
          %mul3A_1516 = arith.mulf %bitcast3A_1515, %bitcast3A_1486 : vector<32xbf16>
          %bitcast3A_1517 = vector.bitcast %mul3A_1516 : vector<32xbf16> to vector<16xi32>
          %shift_left3A_1518 = arith.constant 16 : i32
          %shift_left3A_1519 = vector.broadcast %shift_left3A_1518 : i32 to vector<16xi32>
          %shift_left3A_1520 = arith.shli %bitcast3A_1517, %shift_left3A_1519 : vector<16xi32>
          %bitcast3A_1521 = vector.bitcast %shift_left3A_1520 : vector<16xi32> to vector<16xf32>
          %bitcast3A_1522 = vector.bitcast %bitcast3A_1517 : vector<16xi32> to vector<16xf32>
          %add3A_1523 = arith.addf %add3A_1439, %bitcast3A_1521 : vector<16xf32>
          %add3A_1524 = arith.addf %add3A_1440, %bitcast3A_1522 : vector<16xf32>
          scf.yield %add3A_1462, %add3A_1463, %add3A_1481, %add3A_1482, %add3A_1504, %add3A_1505, %add3A_1523, %add3A_1524 : vector<16xf32>, vector<16xf32>, vector<16xf32>, vector<16xf32>, vector<16xf32>, vector<16xf32>, vector<16xf32>, vector<16xf32>
        }
        %scan3A_110 = arith.constant 8 : i32
        %add3A_111 = arith.addf %scan3A_109#0, %scan3A_109#4 : vector<16xf32>
        %swap3A = arith.index_cast %add3A_89 : i32 to index
        %swap3A_112 = arith.constant 0 : index
        %swap3A_113 = tpu.vector_load %arg9[%swap3A, %swap3A_112] {strides = array<i32>} : memref<320x64xf32, #tpu.memory_space<vmem>>, vector<16xf32>,
        tpu.vector_store %arg9[%swap3A, %swap3A_112], %add3A_111 {strides = array<i32>} : memref<320x64xf32, #tpu.memory_space<vmem>>, vector<16xf32>,
        %add3A_114 = arith.addf %scan3A_109#1, %scan3A_109#5 : vector<16xf32>
        %swap3A_115 = arith.index_cast %add3A_89 : i32 to index
        %swap3A_116 = arith.constant 16 : index
        %swap3A_117 = tpu.vector_load %arg9[%swap3A_115, %swap3A_116] {strides = array<i32>} : memref<320x64xf32, #tpu.memory_space<vmem>>, vector<16xf32>,
        tpu.vector_store %arg9[%swap3A_115, %swap3A_116], %add3A_114 {strides = array<i32>} : memref<320x64xf32, #tpu.memory_space<vmem>>, vector<16xf32>,
        %add3A_118 = arith.addf %scan3A_109#2, %scan3A_109#6 : vector<16xf32>
        %swap3A_119 = arith.index_cast %add3A_89 : i32 to index
        %swap3A_120 = arith.constant 32 : index
        %swap3A_121 = tpu.vector_load %arg9[%swap3A_119, %swap3A_120] {strides = array<i32>} : memref<320x64xf32, #tpu.memory_space<vmem>>, vector<16xf32>,
        tpu.vector_store %arg9[%swap3A_119, %swap3A_120], %add3A_118 {strides = array<i32>} : memref<320x64xf32, #tpu.memory_space<vmem>>, vector<16xf32>,
        %add3A_122 = arith.addf %scan3A_109#3, %scan3A_109#7 : vector<16xf32>
        %swap3A_123 = arith.index_cast %add3A_89 : i32 to index
        %swap3A_124 = arith.constant 48 : index
        %swap3A_125 = tpu.vector_load %arg9[%swap3A_123, %swap3A_124] {strides = array<i32>} : memref<320x64xf32, #tpu.memory_space<vmem>>, vector<16xf32>,
        tpu.vector_store %arg9[%swap3A_123, %swap3A_124], %add3A_122 {strides = array<i32>} : memref<320x64xf32, #tpu.memory_space<vmem>>, vector<16xf32>,
        %add3A_126 = arith.constant 4 : i32
        %add3A_127 = arith.addi %scan3A_70, %add3A_126 : i32
        %lt3A = arith.constant 80 : i32
        %lt3A_128 = arith.cmpi slt, %add3A_127, %lt3A : i32
        %eq3A_129 = arith.constant 0 : i32
        %eq3A_130 = arith.cmpi eq, %and3A_71, %eq3A_129 : i32
        %and3A_131 = arith.andi %lt3A_128, %eq3A_130 : i1
        %convert_element_type3A_132 = arith.extui %and3A_131 : i1 to i32
        %cond3A_133 = arith.constant 0 : i32
        %cond3A_134 = arith.cmpi ne, %convert_element_type3A_132, %cond3A_133 : i32
        scf.if %cond3A_134 {
          %add3A_165 = arith.constant 4 : i32
          %add3A_166 = arith.addi %scan3A_70, %add3A_165 : i32
          %dma_start3A_167 = arith.constant 0 : i32
          %dma_start3A_168 = arith.constant 0 : i32
          %dma_start3A_169 = arith.constant 0 : i32
          %dma_start3A_170 = tpu.memref_slice %arg8[%dma_start3A_167, %dma_start3A_168, %dma_start3A_169] : memref<4x128x32xi32, #tpu.memory_space<vmem>> -> memref<1x128x32xi32, #tpu.memory_space<vmem>>
          %dma_start3A_171 = tpu.memref_squeeze %dma_start3A_170 : memref<1x128x32xi32, #tpu.memory_space<vmem>> -> memref<128x32xi32, #tpu.memory_space<vmem>>
          %dma_start3A_172 = arith.constant 0 : i32
          %dma_start3A_173 = tpu.memref_slice %arg6[%add3A_166, %dma_start3A_172] : memref<80x128xi32, #tpu.memory_space<vmem>> -> memref<1x128xi32, #tpu.memory_space<vmem>>
          %dma_start3A_174 = tpu.memref_squeeze %dma_start3A_173 : memref<1x128xi32, #tpu.memory_space<vmem>> -> memref<128xi32, #tpu.memory_space<vmem>>
          %dma_start3A_175 = arith.constant 0 : i32
          %dma_start3A_176 = arith.constant 0 : i32
          %dma_start3A_177 = tpu.memref_slice %arg10[%dma_start3A_175, %dma_start3A_176] : memref<10240x32xi32, #tpu.memory_space<vmem_shared>> -> memref<10240x32xi32, #tpu.memory_space<vmem_shared>>
          tpu.enqueue_indirect_dma source(%dma_start3A_177 : memref<10240x32xi32, #tpu.memory_space<vmem_shared>>) target(%dma_start3A_171 : memref<128x32xi32, #tpu.memory_space<vmem>>) offsets(%dma_start3A_174 : memref<128xi32, #tpu.memory_space<vmem>>) semaphore(%arg11 : memref<!tpu.dma_semaphore, #tpu.memory_space<semaphore_mem>>)
        } else {
        }
        %add3A_135 = arith.constant 4 : i32
        %add3A_136 = arith.addi %scan3A_70, %add3A_135 : i32
        %lt3A_137 = arith.constant 80 : i32
        %lt3A_138 = arith.cmpi slt, %add3A_136, %lt3A_137 : i32
        %eq3A_139 = arith.constant 1 : i32
        %eq3A_140 = arith.cmpi eq, %and3A_71, %eq3A_139 : i32
        %and3A_141 = arith.andi %lt3A_138, %eq3A_140 : i1
        %convert_element_type3A_142 = arith.extui %and3A_141 : i1 to i32
        %cond3A_143 = arith.constant 0 : i32
        %cond3A_144 = arith.cmpi ne, %convert_element_type3A_142, %cond3A_143 : i32
        scf.if %cond3A_144 {
          %add3A_165 = arith.constant 4 : i32
          %add3A_166 = arith.addi %scan3A_70, %add3A_165 : i32
          %dma_start3A_167 = arith.constant 1 : i32
          %dma_start3A_168 = arith.constant 0 : i32
          %dma_start3A_169 = arith.constant 0 : i32
          %dma_start3A_170 = tpu.memref_slice %arg8[%dma_start3A_167, %dma_start3A_168, %dma_start3A_169] : memref<4x128x32xi32, #tpu.memory_space<vmem>> -> memref<1x128x32xi32, #tpu.memory_space<vmem>>
          %dma_start3A_171 = tpu.memref_squeeze %dma_start3A_170 : memref<1x128x32xi32, #tpu.memory_space<vmem>> -> memref<128x32xi32, #tpu.memory_space<vmem>>
          %dma_start3A_172 = arith.constant 0 : i32
          %dma_start3A_173 = tpu.memref_slice %arg6[%add3A_166, %dma_start3A_172] : memref<80x128xi32, #tpu.memory_space<vmem>> -> memref<1x128xi32, #tpu.memory_space<vmem>>
          %dma_start3A_174 = tpu.memref_squeeze %dma_start3A_173 : memref<1x128xi32, #tpu.memory_space<vmem>> -> memref<128xi32, #tpu.memory_space<vmem>>
          %dma_start3A_175 = arith.constant 0 : i32
          %dma_start3A_176 = arith.constant 0 : i32
          %dma_start3A_177 = tpu.memref_slice %arg10[%dma_start3A_175, %dma_start3A_176] : memref<10240x32xi32, #tpu.memory_space<vmem_shared>> -> memref<10240x32xi32, #tpu.memory_space<vmem_shared>>
          tpu.enqueue_indirect_dma source(%dma_start3A_177 : memref<10240x32xi32, #tpu.memory_space<vmem_shared>>) target(%dma_start3A_171 : memref<128x32xi32, #tpu.memory_space<vmem>>) offsets(%dma_start3A_174 : memref<128xi32, #tpu.memory_space<vmem>>) semaphore(%arg12 : memref<!tpu.dma_semaphore, #tpu.memory_space<semaphore_mem>>)
        } else {
        }
        %add3A_145 = arith.constant 4 : i32
        %add3A_146 = arith.addi %scan3A_70, %add3A_145 : i32
        %lt3A_147 = arith.constant 80 : i32
        %lt3A_148 = arith.cmpi slt, %add3A_146, %lt3A_147 : i32
        %eq3A_149 = arith.constant 2 : i32
        %eq3A_150 = arith.cmpi eq, %and3A_71, %eq3A_149 : i32
        %and3A_151 = arith.andi %lt3A_148, %eq3A_150 : i1
        %convert_element_type3A_152 = arith.extui %and3A_151 : i1 to i32
        %cond3A_153 = arith.constant 0 : i32
        %cond3A_154 = arith.cmpi ne, %convert_element_type3A_152, %cond3A_153 : i32
        scf.if %cond3A_154 {
          %add3A_165 = arith.constant 4 : i32
          %add3A_166 = arith.addi %scan3A_70, %add3A_165 : i32
          %dma_start3A_167 = arith.constant 2 : i32
          %dma_start3A_168 = arith.constant 0 : i32
          %dma_start3A_169 = arith.constant 0 : i32
          %dma_start3A_170 = tpu.memref_slice %arg8[%dma_start3A_167, %dma_start3A_168, %dma_start3A_169] : memref<4x128x32xi32, #tpu.memory_space<vmem>> -> memref<1x128x32xi32, #tpu.memory_space<vmem>>
          %dma_start3A_171 = tpu.memref_squeeze %dma_start3A_170 : memref<1x128x32xi32, #tpu.memory_space<vmem>> -> memref<128x32xi32, #tpu.memory_space<vmem>>
          %dma_start3A_172 = arith.constant 0 : i32
          %dma_start3A_173 = tpu.memref_slice %arg6[%add3A_166, %dma_start3A_172] : memref<80x128xi32, #tpu.memory_space<vmem>> -> memref<1x128xi32, #tpu.memory_space<vmem>>
          %dma_start3A_174 = tpu.memref_squeeze %dma_start3A_173 : memref<1x128xi32, #tpu.memory_space<vmem>> -> memref<128xi32, #tpu.memory_space<vmem>>
          %dma_start3A_175 = arith.constant 0 : i32
          %dma_start3A_176 = arith.constant 0 : i32
          %dma_start3A_177 = tpu.memref_slice %arg10[%dma_start3A_175, %dma_start3A_176] : memref<10240x32xi32, #tpu.memory_space<vmem_shared>> -> memref<10240x32xi32, #tpu.memory_space<vmem_shared>>
          tpu.enqueue_indirect_dma source(%dma_start3A_177 : memref<10240x32xi32, #tpu.memory_space<vmem_shared>>) target(%dma_start3A_171 : memref<128x32xi32, #tpu.memory_space<vmem>>) offsets(%dma_start3A_174 : memref<128xi32, #tpu.memory_space<vmem>>) semaphore(%arg13 : memref<!tpu.dma_semaphore, #tpu.memory_space<semaphore_mem>>)
        } else {
        }
        %add3A_155 = arith.constant 4 : i32
        %add3A_156 = arith.addi %scan3A_70, %add3A_155 : i32
        %lt3A_157 = arith.constant 80 : i32
        %lt3A_158 = arith.cmpi slt, %add3A_156, %lt3A_157 : i32
        %eq3A_159 = arith.constant 3 : i32
        %eq3A_160 = arith.cmpi eq, %and3A_71, %eq3A_159 : i32
        %and3A_161 = arith.andi %lt3A_158, %eq3A_160 : i1
        %convert_element_type3A_162 = arith.extui %and3A_161 : i1 to i32
        %cond3A_163 = arith.constant 0 : i32
        %cond3A_164 = arith.cmpi ne, %convert_element_type3A_162, %cond3A_163 : i32
        scf.if %cond3A_164 {
          %add3A_165 = arith.constant 4 : i32
          %add3A_166 = arith.addi %scan3A_70, %add3A_165 : i32
          %dma_start3A_167 = arith.constant 3 : i32
          %dma_start3A_168 = arith.constant 0 : i32
          %dma_start3A_169 = arith.constant 0 : i32
          %dma_start3A_170 = tpu.memref_slice %arg8[%dma_start3A_167, %dma_start3A_168, %dma_start3A_169] : memref<4x128x32xi32, #tpu.memory_space<vmem>> -> memref<1x128x32xi32, #tpu.memory_space<vmem>>
          %dma_start3A_171 = tpu.memref_squeeze %dma_start3A_170 : memref<1x128x32xi32, #tpu.memory_space<vmem>> -> memref<128x32xi32, #tpu.memory_space<vmem>>
          %dma_start3A_172 = arith.constant 0 : i32
          %dma_start3A_173 = tpu.memref_slice %arg6[%add3A_166, %dma_start3A_172] : memref<80x128xi32, #tpu.memory_space<vmem>> -> memref<1x128xi32, #tpu.memory_space<vmem>>
          %dma_start3A_174 = tpu.memref_squeeze %dma_start3A_173 : memref<1x128xi32, #tpu.memory_space<vmem>> -> memref<128xi32, #tpu.memory_space<vmem>>
          %dma_start3A_175 = arith.constant 0 : i32
          %dma_start3A_176 = arith.constant 0 : i32
          %dma_start3A_177 = tpu.memref_slice %arg10[%dma_start3A_175, %dma_start3A_176] : memref<10240x32xi32, #tpu.memory_space<vmem_shared>> -> memref<10240x32xi32, #tpu.memory_space<vmem_shared>>
          tpu.enqueue_indirect_dma source(%dma_start3A_177 : memref<10240x32xi32, #tpu.memory_space<vmem_shared>>) target(%dma_start3A_171 : memref<128x32xi32, #tpu.memory_space<vmem>>) offsets(%dma_start3A_174 : memref<128xi32, #tpu.memory_space<vmem>>) semaphore(%arg14 : memref<!tpu.dma_semaphore, #tpu.memory_space<semaphore_mem>>)
        } else {
        }
      }
      %scan3A_69 = arith.constant 80 : i32
    }
    %scan3A_11 = arith.constant 4 : i32
    "tpu.region"() ({
      %run_scoped3A = tpu.sem_alloc : memref<!tpu.dma_semaphore, #tpu.memory_space<semaphore_mem>>
      %dma_start3A = arith.constant 0 : i32
      %dma_start3A_12 = tpu.memref_slice %arg5[%mul3A_2, %dma_start3A] : memref<10240x64xf32, #tpu.memory_space<hbm>> -> memref<320x64xf32, #tpu.memory_space<hbm>>
      %dma_start3A_13 = arith.constant 0 : i32
      %dma_start3A_14 = tpu.memref_slice %arg5[%mul3A_2, %dma_start3A_13] : memref<10240x64xf32, #tpu.memory_space<hbm>> -> memref<320x64xf32, #tpu.memory_space<hbm>>
      tpu.enqueue_dma source(%arg9 : memref<320x64xf32, #tpu.memory_space<vmem>>) target(%dma_start3A_14 : memref<320x64xf32, #tpu.memory_space<hbm>>) target_semaphore(%run_scoped3A : memref<!tpu.dma_semaphore, #tpu.memory_space<semaphore_mem>>)
      %dma_wait3A = arith.constant 0 : i32
      %dma_wait3A_15 = tpu.memref_slice %arg5[%mul3A_2, %dma_wait3A] : memref<10240x64xf32, #tpu.memory_space<hbm>> -> memref<320x64xf32, #tpu.memory_space<hbm>>
      %dma_wait3A_16 = arith.constant 0 : i32
      %dma_wait3A_17 = tpu.memref_slice %arg5[%mul3A_2, %dma_wait3A_16] : memref<10240x64xf32, #tpu.memory_space<hbm>> -> memref<320x64xf32, #tpu.memory_space<hbm>>
      tpu.wait_dma2 semaphore(%run_scoped3A : memref<!tpu.dma_semaphore, #tpu.memory_space<semaphore_mem>>) src(%arg9 : memref<320x64xf32, #tpu.memory_space<vmem>>) dst(%dma_wait3A_17 : memref<320x64xf32, #tpu.memory_space<hbm>>)
      tpu.yield
    }) : () -> ()
    return
  }
}

module attributes {stable_mosaic.version = 14 : i64} {
  func.func @_fold_body(%arg0: i32, %arg1: memref<1280x64xf32, #tpu.memory_space<vmem>>, %arg2: memref<2x64x64xf32, #tpu.memory_space<vmem>>, %arg3: memref<8x64xf32, #tpu.memory_space<vmem>>, %arg4: memref<1280x64xf32, #tpu.memory_space<vmem>>) attributes {dimension_semantics = [#tpu.dimension_semantics<arbitrary>], iteration_bounds = array<i64: 8>, scalar_prefetch = 0 : i64, scratch_operands = 0 : i64, tpu.core_type = #tpu.core_type<tc>, window_params = [{transform_indices = @transform_0, window_bounds = array<i64: 1280, 64>}, {pipeline_mode = #tpu.pipeline_mode<synchronous>, transform_indices = @transform_1, window_bounds = array<i64: 2, 64, 64>}, {pipeline_mode = #tpu.pipeline_mode<synchronous>, transform_indices = @transform_2, window_bounds = array<i64: 8, 64>}, {transform_indices = @transform_3, window_bounds = array<i64: 1280, 64>}]} {
    %get3A = arith.constant 0 : index
    %get3A_0 = arith.constant 0 : index
    %get3A_1 = vector.load %arg1[%get3A, %get3A_0] : memref<1280x64xf32, #tpu.memory_space<vmem>>, vector<1280x64xf32>
    %get3A_2 = arith.constant 0 : index
    %get3A_3 = arith.constant 0 : index
    %get3A_4 = arith.constant 0 : index
    %get3A_5 = vector.load %arg2[%get3A_2, %get3A_3, %get3A_4] : memref<2x64x64xf32, #tpu.memory_space<vmem>>, vector<1x64x64xf32>
    %get3A_6 = vector.shape_cast %get3A_5 : vector<1x64x64xf32> to vector<64x64xf32>
    %dot_general3A = arith.constant dense<0.000000e+00> : vector<1280x64xf32>
    %dot_general3A_7 = tpu.matmul %get3A_1, %get3A_6, %dot_general3A {dimension_numbers = #tpu.dot_dimension_numbers<[1], [0], [0], [1], [0, 0, 1, 1], [], []>, transpose_lhs_hint = false} : vector<1280x64xf32>, vector<64x64xf32>, vector<1280x64xf32> -> vector<1280x64xf32>
    %get3A_8 = arith.constant 0 : index
    %get3A_9 = arith.constant 0 : index
    %get3A_10 = vector.load %arg3[%get3A_8, %get3A_9] : memref<8x64xf32, #tpu.memory_space<vmem>>, vector<1x64xf32>
    %get3A_11 = vector.shape_cast %get3A_10 : vector<1x64xf32> to vector<64xf32>
    %broadcast_in_dim3A = vector.shape_cast %get3A_11 : vector<64xf32> to vector<1x64xf32>
    %add3A = vector.broadcast %broadcast_in_dim3A : vector<1x64xf32> to vector<1280x64xf32>
    %add3A_12 = arith.addf %dot_general3A_7, %add3A : vector<1280x64xf32>
    %get3A_13 = arith.constant 1 : index
    %get3A_14 = arith.constant 0 : index
    %get3A_15 = arith.constant 0 : index
    %get3A_16 = vector.load %arg2[%get3A_13, %get3A_14, %get3A_15] : memref<2x64x64xf32, #tpu.memory_space<vmem>>, vector<1x64x64xf32>
    %get3A_17 = vector.shape_cast %get3A_16 : vector<1x64x64xf32> to vector<64x64xf32>
    %dot_general3A_18 = arith.constant dense<0.000000e+00> : vector<1280x64xf32>
    %dot_general3A_19 = tpu.matmul %get3A_1, %get3A_17, %dot_general3A_18 {dimension_numbers = #tpu.dot_dimension_numbers<[1], [0], [0], [1], [0, 0, 1, 1], [], []>, transpose_lhs_hint = false} : vector<1280x64xf32>, vector<64x64xf32>, vector<1280x64xf32> -> vector<1280x64xf32>
    %get3A_20 = arith.constant 1 : index
    %get3A_21 = arith.constant 0 : index
    %get3A_22 = vector.load %arg3[%get3A_20, %get3A_21] : memref<8x64xf32, #tpu.memory_space<vmem>>, vector<1x64xf32>
    %get3A_23 = vector.shape_cast %get3A_22 : vector<1x64xf32> to vector<64xf32>
    %broadcast_in_dim3A_24 = vector.shape_cast %get3A_23 : vector<64xf32> to vector<1x64xf32>
    %add3A_25 = vector.broadcast %broadcast_in_dim3A_24 : vector<1x64xf32> to vector<1280x64xf32>
    %add3A_26 = arith.addf %dot_general3A_19, %add3A_25 : vector<1280x64xf32>
    %max3A = arith.constant 0.000000e+00 : f32
    %max3A_27 = vector.broadcast %max3A : f32 to vector<1280x64xf32>
    %max3A_28 = arith.maximumf %add3A_12, %max3A_27 : vector<1280x64xf32>
    %max3A_29 = arith.constant 0.000000e+00 : f32
    %max3A_30 = vector.broadcast %max3A_29 : f32 to vector<1280x64xf32>
    %max3A_31 = arith.maximumf %add3A_26, %max3A_30 : vector<1280x64xf32>
    %add3A_32 = arith.addf %max3A_28, %max3A_31 : vector<1280x64xf32>
    %swap3A = arith.constant 0 : index
    %swap3A_33 = arith.constant 0 : index
    %swap3A_34 = vector.load %arg4[%swap3A, %swap3A_33] : memref<1280x64xf32, #tpu.memory_space<vmem>>, vector<1280x64xf32>
    tpu.vector_store %arg4[%swap3A, %swap3A_33], %add3A_32 {strides = array<i32>} : memref<1280x64xf32, #tpu.memory_space<vmem>>, vector<1280x64xf32>,
    return
  }
  func.func @transform_0(%arg0: i32) -> (i32, i32) {
    %c0_i32 = arith.constant 0 : i32
    %c0_i32_0 = arith.constant 0 : i32
    return %arg0, %c0_i32 : i32, i32
  }
  func.func @transform_1(%arg0: i32) -> (i32, i32, i32) {
    %c0_i32 = arith.constant 0 : i32
    %c0_i32_0 = arith.constant 0 : i32
    %c0_i32_1 = arith.constant 0 : i32
    %c0_i32_2 = arith.constant 0 : i32
    return %c0_i32, %c0_i32_0, %c0_i32_1 : i32, i32, i32
  }
  func.func @transform_2(%arg0: i32) -> (i32, i32) {
    %c0_i32 = arith.constant 0 : i32
    %c0_i32_0 = arith.constant 0 : i32
    %c0_i32_1 = arith.constant 0 : i32
    return %c0_i32, %c0_i32_0 : i32, i32
  }
  func.func @transform_3(%arg0: i32) -> (i32, i32) {
    %c0_i32 = arith.constant 0 : i32
    %c0_i32_0 = arith.constant 0 : i32
    return %arg0, %c0_i32 : i32, i32
  }
}

</mosaic_0001>

<sc_bundles>
// kernel: kernel.4.cloned.1.call-start
scs
__scs_entry_jumppad:
0x0: {  	(pc) =	sbr.rel $0x88, $3  }
0x1: {  	(tag) =	ssettag $0x0;
	lr =	simm.s32 $0x1  }
0x2: {  	[smem:$0x3F9D] =	sst lr;
	_ =	strace $0xD0000000  }
0x3: {  	_ = 	snop  }
0x4: {  	_ = 	snop  }
0x5: {  	_ = 	snop  }
0x6: {  	_ = 	snop  }
0x7: {  	_ = 	snop  }
__scs_overlays_trampoline_lowered:
0x8: {  	[smem:$0x3FAC] =	sst s0  }
0x9: {  	[smem:$0x3FAD] =	sst s1  }
0xa: {  	[smem:$0x3FAE] =	sst s2  }
0xb: {  	[smem:$0x3FAF] =	sst s3  }
0xc: {  	[smem:$0x3FB0] =	sst s4  }
0xd: {  	[smem:$0x3FB1] =	sst s5  }
0xe: {  	[smem:$0x3FB2] =	sst s6  }
0xf: {  	[smem:$0x3FB3] =	sst s7  }
0x10: {  	[smem:$0x3FB4] =	sst s8  }
0x11: {  	[smem:$0x3FB5] =	sst s9;
	s0 =	simm.s32 @!p0 $0x0  }
0x12: {  	s1 =	sld [smem:$0x3F9B];
	s0 =	simm.s32 @p0 $0x1  }
0x13: {  	[smem:$0x3FB6] =	sst s0;
	s0 =	simm.s32 @!p1 $0x0  }
0x14: {  	s2 =	sld [smem:$0x3F9A];
	s0 =	simm.s32 @p1 $0x1  }
0x15: {  	[smem:$0x3FB7] =	sst s0;
	s0 =	simm.s32 @!p2 $0x0  }
0x16: {  	s3 =	sld [smem:$0x3FDB];
	s0 =	simm.s32 @p2 $0x1  }
0x17: {  	s4 =	simm.s32 $0x1BF5;
	[smem:$0x3FB9] =	sst s0  }
0x18: {  	s0 =	sld [smem:$0x3F9C];
	_ =	swait.ge [sflag:s4], $0x0  }
0x19: {  	s7 =	sld [smem:$0x3F9D]  }
0x1a: {  	s8 =	sadd.s32 $0xFFFFE003, lr  }
0x1b: {  	s9 =	sadd.s32 $0xFFFFFEF7, lr;
	s5 =	simm.s32 $0xFFFFFFFF;
	p2 =	slt.u32 s8, $0xFFFFF086  }
0x1c: {  	p1 =	slt.u32 s9, $0xF7A;
	s5 =	simm.s32 @!p2 $0x0  }
0x1d: {  	s5 =	simm.s32 @p1 $0x1;
	p0 =	seq.s32 s7, s2  }
0x1e: {  	s7 =	smul.u32 @!p0 $0xF7A, s2;
	p2 =	seq.s32 @!p0 s5, $0x0  }
0x1f: {  	s9 =	smul.u32 $0xF7A, s1;
	s8 =	simm.s32 @!p0 $0x1BF5;
	p2 =	por !p2, p0  }
0x20: {  	[sflag:s8] =	ssyncset.s32 @!p0 $0xFFFFF086;
	s6 =	sadd.s32 @!p0 s3, s7;
	s7 =	simm.s32 @!p0 $0x108  }
0x21: {  	s3 =	sadd.s32 s3, s9;
	s6 =	sadd.s32 @!p0 $0x88, s6;
	s7 =	simm.s32 @p2 $0x1082  }
0x22: {  	[simem:s7], [sflag:s8] =	dma.local @!p0 [hbm:s6], $0xF7A  }
0x23: {  	s9 =	sor.u32 $0xD0000000, s2;
	s6 =	simm.s32 $0x108;
	_ =	swait.ge @!p0 [sflag:s8], $0x0  }
0x24: {  	s3 =	sadd.s32 $0x88, s3;
	s6 =	simm.s32 @!p1 $0x1082;
	[sflag:s4] =	ssyncset.s32 $0xFFFFF086  }
0x25: {  	[simem:s6], [sflag:s4] =	dma.local [hbm:s3], $0xF7A  }
0x26: {  	[smem:$0x3F9D] =	sst s1;
	(tag) =	ssettag s2;
	_ =	strace s9  }
0x27: {  	s1 =	sld [smem:$0x3FAD]  }
0x28: {  	s2 =	sld [smem:$0x3FAE]  }
0x29: {  	s4 =	sld [smem:$0x3FB0]  }
0x2a: {  	p0 =	seq.s32 s5, $0x0;
	s5 =	sld [smem:$0x3FB1]  }
0x2b: {  	s6 =	sld [smem:$0x3FB2]  }
0x2c: {  	s7 =	sld [smem:$0x3FB3]  }
0x2d: {  	s3 =	simm.s32 $0x108;
	s8 =	sld [smem:$0x3FB4]  }
0x2e: {  	s3 =	simm.s32 @!p0 $0x1082;
	s9 =	sld [smem:$0x3FB5]  }
0x2f: {  	lr =	sadd.s32 s0, s3;
	s0 =	sld [smem:$0x3FAC]  }
0x30: {  	s3 =	sld [smem:$0x3FAF]  }
0x31: {  	[smem:$0x3FB8] =	sst s10  }
0x32: {  	s10 =	sld [smem:$0x3FB6];
	_ =	sdelay $0x3  }
0x33: {  	p0 =	seq.s32 s10, $0x1;
	s10 =	sld [smem:$0x3FB8];
	_ =	sdelay $0x3  }
0x34: {  	[smem:$0x3FB8] =	sst s10  }
0x35: {  	s10 =	sld [smem:$0x3FB7];
	_ =	sdelay $0x3  }
0x36: {  	p1 =	seq.s32 s10, $0x1;
	s10 =	sld [smem:$0x3FB8];
	_ =	sdelay $0x3  }
0x37: {  	[smem:$0x3FB8] =	sst s10  }
0x38: {  	s10 =	sld [smem:$0x3FB9]  }
0x39: {  	_ = 	snop;
	(pc) =	sbr.ind lr, $3  }
0x3a: {  	_ = 	snop  }
0x3b: {  	_ = 	snop  }
0x3c: {  	p2 =	seq.s32 s10, $0x1;
	s10 =	sld [smem:$0x3FB8]  }
0x3d: {  	_ =	shalt  }
0x3e: {  	_ =	shalt  }
0x3f: {  	_ =	shalt  }
0x40: {  	_ =	shalt  }
0x41: {  	_ =	shalt  }
0x42: {  	_ =	shalt  }
0x43: {  	_ =	shalt  }
0x44: {  	_ =	shalt  }
0x45: {  	_ =	shalt  }
0x46: {  	_ =	shalt  }
0x47: {  	_ =	shalt  }
0x48: {  	_ =	shalt  }
0x49: {  	_ =	shalt  }
0x4a: {  	_ =	shalt  }
0x4b: {  	_ =	shalt  }
0x4c: {  	_ =	shalt  }
0x4d: {  	_ =	shalt  }
0x4e: {  	_ =	shalt  }
0x4f: {  	_ =	shalt  }
0x50: {  	_ =	shalt  }
0x51: {  	_ =	shalt  }
0x52: {  	_ =	shalt  }
0x53: {  	_ =	shalt  }
0x54: {  	_ =	shalt  }
0x55: {  	_ =	shalt  }
0x56: {  	_ =	shalt  }
0x57: {  	_ =	shalt  }
0x58: {  	_ =	shalt  }
0x59: {  	_ =	shalt  }
0x5a: {  	_ =	shalt  }
0x5b: {  	_ =	shalt  }
0x5c: {  	_ =	shalt  }
0x5d: {  	_ =	shalt  }
0x5e: {  	_ =	shalt  }
0x5f: {  	_ =	shalt  }
0x60: {  	_ =	shalt  }
0x61: {  	_ =	shalt  }
0x62: {  	_ =	shalt  }
0x63: {  	_ =	shalt  }
0x64: {  	_ =	shalt  }
0x65: {  	_ =	shalt  }
0x66: {  	_ =	shalt  }
0x67: {  	_ =	shalt  }
0x68: {  	_ =	shalt  }
0x69: {  	_ =	shalt  }
0x6a: {  	_ =	shalt  }
0x6b: {  	_ =	shalt  }
0x6c: {  	_ =	shalt  }
0x6d: {  	_ =	shalt  }
0x6e: {  	_ =	shalt  }
0x6f: {  	_ =	shalt  }
0x70: {  	_ =	shalt  }
0x71: {  	_ =	shalt  }
0x72: {  	_ =	shalt  }
0x73: {  	_ =	shalt  }
0x74: {  	_ =	shalt  }
0x75: {  	_ =	shalt  }
0x76: {  	_ =	shalt  }
0x77: {  	_ =	shalt  }
0x78: {  	_ =	shalt  }
0x79: {  	_ =	shalt  }
0x7a: {  	_ =	shalt  }
0x7b: {  	_ =	shalt  }
0x7c: {  	_ =	shalt  }
0x7d: {  	_ =	shalt  }
0x7e: {  	_ =	shalt  }
0x7f: {  	_ =	shalt  }
0x80: {  	_ =	shalt  }
0x81: {  	_ =	shalt  }
0x82: {  	_ =	shalt  }
0x83: {  	_ =	shalt  }
0x84: {  	_ =	shalt  }
0x85: {  	_ =	shalt  }
0x86: {  	_ =	shalt  }
0x87: {  	_ =	shalt  }
.Lfunc_end0:
.L_simem_size_0:
called_computation_lowered:
.L_overlay_start_0:
0x88: {  	s2 =	sld [smem:$0x3FD9]  }
0x89: {  	s3 =	sld [smem:$0x3FFE];
	_ =	sdelay $0x1  }
0x8a: {  	s1 =	srdreg.scid  }
0x8b: {  	s0 =	sand.u32 $0x1, s1  }
0x8c: {  	s17 =	sshll.u32 s0, $0xA;
	s2 =	sadd.s32 s3, s2  }
0x8d: {  	s2 =	sadd.s32 s2, s17  }
0x8e: {  	[smem:$0x3FC4] =	sst s2  }
0x8f: {  	_ = 	snop  }
0x90: {  	s2 =	sld [smem:$0x3FD0];
	(tm) =	ssettm $0x1  }
0x91: {  	s18 =	sld [smem:$0x3FFB];
	_ =	sdelay $0x3  }
0x92: {  	_ =	strace s18  }
0x93: {  	s3 =	sld [smem:$0x3FFC];
	_ =	sdelay $0x3  }
0x94: {  	_ =	strace s3  }
0x95: {  	s3 =	sld [smem:$0x3FFD];
	_ =	sdelay $0x3  }
0x96: {  	_ =	strace s3  }
0x97: {  	_ =	strace $0x8FFFFFFF  }
0x98: {  	s19 =	sld [smem:$0x3FDB];
	_ =	sdelay $0x1  }
0x99: {  	s4 =	simm.s32 $_scs_section_size  }
0x9a: {  	s5 =	simm.s32 $_size__tile_overlayer_lowered;
	s6 =	simm.s32 $_tile_overlayer_lowered  }
0x9b: {  	s22 =	simm.s32 $0x1BFF;
	s21 =	sshll.u32 s6, $0x1;
	s3 =	sadd.s32 s4, s19  }
0x9c: {  	s7 =	simm.s32 $0x0;
	s20 =	sshll.u32 s5, $0x1;
	s5 =	sadd.s32 s21, s3  }
0x9d: {  	[timem:s7], [sflag:s22] =	dma.local [hbm:s5], s20  }
0x9e: {  	_ =	swait.ge [sflag:s22], s20  }
0x9f: {  	s4 =	ssub.s32 $0x0, s20;
	[sflag:s22] =	ssyncset.done $0x0  }
0xa0: {  	[sflag:s22] =	ssyncadd.s32 s4;
	_ =	sdelay $0x1  }
0xa1: {  	s23 =	simm.s32 $0x1B8B  }
0xa2: {  	_ =	swait.ge [sflag:s23], $0x1  }
0xa3: {  	[sflag:s23] =	ssyncset.done $0x0  }
0xa4: {  	s25 =	simm.s32 $0x1B8E;
	s24 =	sld [smem:$0x3FFE];
	[sflag:s23] =	ssyncadd.s32 $0xFFFFFFFF  }
0xa5: {  	s26 =	simm.s32 $execute0_lowered;
	[smem:$0x3FD2] =	sst s25  }
0xa6: {  	s5 =	sshll.u32 s26, $0x1;
	_ =	strace $0x80000046;
	[dreg:$0x1] =	wrdreg $0xFFFFFFFF  }
0xa7: {  	s28 =	simm.s32 $_size_execute0_lowered;
	s3 =	sadd.s32 s3, s5;
	[dreg:$0x0] =	wrdreg $0x0  }
0xa8: {  	s5 =	sshll.u32 s28, $0x1;
	[dreg:$0x2] =	wrdreg s3  }
0xa9: {  	[dreg:$0x3] =	wrdreg s5  }
0xaa: {  	[dreg:$0x4] =	wrdreg $0xC0  }
0xab: {  	_ =	task [dreg:s7], $0x5FFFF  }
0xac: {  	[dreg:$0x1] =	wrdreg $0xFFFFFFFF  }
0xad: {  	[dreg:$0x0] =	wrdreg $0x60  }
0xae: {  	[dreg:$0x2] =	wrdreg s2  }
0xaf: {  	[dreg:$0x3] =	wrdreg s24  }
0xb0: {  	[dreg:$0x4] =	wrdreg $0xE0000  }
0xb1: {  	[dreg:$0x5] =	wrdreg $0x9  }
0xb2: {  	_ =	task.clear_ibuf [dreg:s7], $0x6FFFF;
	_ =	strace $0x90000046  }
0xb3: {  	s29 =	simm.s32 $0x9;
	_ =	strace $0x80000048  }
0xb4: {  	_ =	swait.ge [sflag:s29], $0x1  }
0xb5: {  	[sflag:s29] =	ssyncadd.s32 $0xFFFFFFFF  }
0xb6: {  	_ =	strace $0x90000048  }
0xb7: {  	_ =	sfence  }
0xb8: {  	s30 =	sld [smem:$0x0];
	_ =	sdelay $0x2  }
0xb9: {  	s31 =	sshll.u32 s1, $0xD;
	s1 =	sshrl.u32 s1, $0x2  }
0xba: {  	s3 =	sand.u32 $0x4000, s31;
	s1 =	sadd.s32 s1, s30  }
0xbb: {  	s0 =	sor.u32 s3, s0;
	s1 =	sshll.u32 s1, $0x11  }
0xbc: {  	s0 =	sor.u32 s1, s0  }
0xbd: {  	s0 =	sadd.s32 $0x8F2B, s0  }
0xbe: {  	[sflag:s0] =	ssyncadd.remote.s32 $0x1  }
0xbf: {  	_ =	sfence.sel $0xFFFF  }
0xc0: {  	[dreg:$0x0] =	wrdreg $0xFFFFFFFF;
	(pc) =	sbr.abs _section_cstart, $3  }
0xc1: {  	[dreg:$0x1] =	wrdreg $0xFFFFFFFF  }
0xc2: {  	_ =	task.clear_ibuf [dreg:s7], $0x2FFFF;
	_ =	strace $0x9FFFFFFF  }
0xc3: {  	(tm) =	ssettm $0x7FFFFFFF  }
tec
execute0_lowered:
.L_overlay_start_1:
0x0: {  	(tag) =	ssettag $0x1  }
0x1: {  	s1 =	rddreg [dreg:$0x0]  }
0x2: {  	s2 =	rddreg [dreg:$0x1];
	s4 =	srdreg.scid  }
0x3: {  	s0 =	stileid.u32;
	s3 =	rddreg [dreg:$0x2]  }
0x4: {  	s13 =	simm.s32 $0x2800;
	s14 =	simm.s32 $0x80;
	s15 =	simm.s32 $0x5000  }
0x5: {  	s16 =	simm.s32 $0x6000;
	s17 =	simm.s32 $0x100;
	s18 =	simm.s32 $0x7000  }
0x6: {  	s19 =	simm.s32 $0x180;
	s20 =	simm.s32 $0x8000;
	s21 =	simm.s32 $0x9000  }
0x7: {  	s22 =	simm.s32 $0x0;
	s5 =	sand.u32 $0x1, s4;
	s6 =	sshll.u32 s0, $0x1  }
0x8: {  	s4 =	simm.s32 $0x0;
	s9 =	smul.u32 $0x5000, s0;
	s31 =	sshll.u32 s0, $0x6  }
0x9: {  	s6 =	sor.u32 s5, s6;
	[smem:$0x7FF] =	sst s4;
	s8 =	ssub.s32 $0x2, s5  }
0xa: {  	s5 =	sadd.s32 $0x28000, s2;
	s7 =	smul.u32 $0xA00, s6;
	_ =	strace $0x80000047  }
0xb: {  	s29 =	sshrl.u32 s8, $0x1;
	s6 =	smul.u32 $0x140, s6;
	s30 =	sshrl.u32 s9, $0x3  }
0xc: {  	s12 =	sadd.s32 s9, s3;
	s11 =	ssub.s32 s8, s29;
	s10 =	sadd.s32 s7, s2  }
0xd: {  	s8 =	sor.u32 $0x1C05, s31;
	s7 =	sadd.s32 s1, s30;
	s9 =	sadd.s32 $0x50000, s10  }
0xe: {  	s10 =	smax.u32 s11, $0x1;
	s11 =	sshrl.u32 s12, $0x3;
	s12 =	simm.s32 $0x5  }
.LBB2_1:
0xf: {  	[spmem:s11], [sflag:s8] =	dma.local [hbm:s7], $0xA00  }
0x10: {  	_ =	swait.ge [sflag:s12], $0xA00  }
0x11: {  	[sflag:s12] =	ssyncset.done $0x0  }
0x12: {  	[sflag:s12] =	ssyncadd.s32 $0xFFFFF600  }
0x13: {  	s23 =	simm.s32 $0x0;
	[bflag:$0x0] =	sbarrier.arrive $0xFFFF  }
.LBB2_2:
0x14: {  	s24 =	smul.u32 $0x50, s23;
	_ =	sdelay $0x1  }
0x15: {  	s1 =	sadd.s32 s6, s24  }
0x16: {  	s1 =	sshll.u32 s1, $0x4  }
0x17: {  	s25 =	simm.s32 $0x0;
	s26 =	sadd.s32 s5, s1  }
0x18: {  	[tilespmem:s25], [sflag:$0x5] =	stream.linear.gather [hbm4b:s26+s25], $0x2800, $0x38;
	[tilespmem:$0x13000] =	vst v63  }
0x19: {  	_ =	swait.ge [sflag:s12], $0x2800  }
0x1a: {  	[sflag:s12] =	ssyncset.done $0x0  }
0x1b: {  	s1 =	sadd.s32 s2, s1;
	[sflag:s12] =	ssyncadd.s32 $0xFFFFD800  }
0x1c: {  	[tilespmem:s13], [sflag:$0x5] =	stream.linear.gather [hbm4b:s1+s25], $0x2800, $0x38;
	[tilespmem:$0x13000] =	vst v63  }
0x1d: {  	_ =	swait.ge [sflag:s12], $0x2800  }
0x1e: {  	[sflag:s12] =	ssyncset.done $0x0  }
0x1f: {  	[sflag:s12] =	ssyncadd.s32 $0xFFFFD800  }
0x20: {  	[tilespmem:s15], [sflag:$0x1] =	stream.indirect.gather [spmem:s3], $0x20, s25, s14, $0xb8;
	[tilespmem:$0x13000] =	vst v63  }
0x21: {  	_ = 	snop  }
0x22: {  	[tilespmem:s16], [sflag:$0x2] =	stream.indirect.gather [spmem:s3], $0x20, s14, s14, $0xb8;
	[tilespmem:$0x13000] =	vst v63  }
0x23: {  	_ = 	snop  }
0x24: {  	[tilespmem:s18], [sflag:$0x3] =	stream.indirect.gather [spmem:s3], $0x20, s17, s14, $0xb8;
	[tilespmem:$0x13000] =	vst v63  }
0x25: {  	s28 =	simm.s32 $0x0;
	s1 =	simm.s32 $0x2810  }
0x26: {  	[tilespmem:s20], [sflag:$0x4] =	stream.indirect.gather [spmem:s3], $0x20, s19, s14, $0xb8;
	[tilespmem:$0x13000] =	vst v63  }
.LBB2_3:
0x27: {  	s29 =	sand.u32 $0x3, s28  }
0x28: {  	p0 =	sgt.s32 s29, $0x1  }
.Ltmp0:
0x29: {  	_ = 	snop;
	(pc) =	sbr.rel @p0 .LBB2_5-.Ltmp0, $1  }
0x2a: {  	_ =	sdelay $0x3  }
.Ltmp1:
0x2b: {  	(pc) =	sbr.rel .LBB2_8-.Ltmp1, $4  }
0x2c: {  	p3 =	seq.s32 s29, $0x0;
	p0 =	por $0x0, $0x0  }
0x2d: {  	p2 =	por $0x0, $0x0;
	p1 =	por $0x0, $0x0;
	s30 =	simm.s32 @!p3 $0x2  }
0x2e: {  	p4 =	por @!p3 $0x1, $0x1;
	p5 =	por @!p3 $0x0, $0x0;
	s30 =	simm.s32 @p3 $0x1  }
0x2f: {  	p0 =	por @!p3 p5, p5;
	p2 =	por @!p3 p4, p4;
	p1 =	por @!p3 p5, p5  }
.LBB2_5:
0x30: {  	p0 =	seq.s32 s29, $0x3  }
.Ltmp2:
0x31: {  	_ = 	snop;
	(pc) =	sbr.rel @!p0 .LBB2_6-.Ltmp2, $1  }
0x32: {  	_ =	sdelay $0x3  }
.Ltmp3:
0x33: {  	(pc) =	sbr.rel .LBB2_8-.Ltmp3, $3  }
0x34: {  	_ =	sdelay $0x1  }
0x35: {  	p2 =	por $0x0, $0x0  }
0x36: {  	p0 =	por $0x1, $0x1;
	s30 =	simm.s32 $0x4;
	p1 =	por $0x0, $0x0  }
.LBB2_6:
0x37: {  	p1 =	por $0x1, $0x1  }
0x38: {  	p0 =	por $0x0, $0x0;
	s30 =	simm.s32 $0x3;
	p2 =	por $0x0, $0x0  }
.LBB2_8:
0x39: {  	s26 =	sand.u32 $0x3, s25;
	_ =	swait.ge [sflag:s30], $0x1000  }
0x3a: {  	s26 =	sshll.u32 s26, $0xC;
	[sflag:s30] =	ssyncset.done $0x0  }
0x3b: {  	s26 =	sadd.s32 $0x5200, s26;
	[sflag:s30] =	ssyncadd.s32 $0xFFFFF000  }
0x3c: {  	v0 =	vld [tilespmem:s26+$0x1C0]  }
0x3d: {  	v1 =	vld [tilespmem:s26+$0x1D0]  }
0x3e: {  	v2 =	vld [tilespmem:s26+$0x1E0]  }
0x3f: {  	v3 =	vld [tilespmem:s26+$0x1F0]  }
0x40: {  	v4 =	vld [tilespmem:s26+$0x180]  }
0x41: {  	v5 =	vld [tilespmem:s26+$0x190]  }
0x42: {  	v6 =	vld [tilespmem:s26+$0x1A0]  }
0x43: {  	v7 =	vld [tilespmem:s26+$0x1B0]  }
0x44: {  	v8 =	vld [tilespmem:s26+$0x140]  }
0x45: {  	v9 =	vld [tilespmem:s26+$0x150]  }
0x46: {  	v10 =	vld [tilespmem:s26+$0x160]  }
0x47: {  	v11 =	vld [tilespmem:s26+$0x170]  }
0x48: {  	v14 =	vld [tilespmem:s26+$0x100]  }
0x49: {  	v13 =	vld [tilespmem:s26+$0x110]  }
0x4a: {  	v26 =	vld [tilespmem:s26+$0x120]  }
0x4b: {  	v56 =	vld [tilespmem:s26+$0x130]  }
0x4c: {  	v12 =	vld [tilespmem:s26+$0xC0]  }
0x4d: {  	v16 =	vld [tilespmem:s1+$0x0]  }
0x4e: {  	v34 =	vld [tilespmem:s26+$0xD0]  }
0x4f: {  	v60 =	vld [tilespmem:s26+$0xB0]  }
0x50: {  	v38 =	vld [tilespmem:s1+$0xFFFFFFF0]  }
0x51: {  	v39 =	vld [tilespmem:s26+$0x50]  }
0x52: {  	v41 =	vld [tilespmem:s26+$0x60]  }
0x53: {  	v45 =	vld [tilespmem:s26+$0x70]  }
0x54: {  	v47 =	vld [tilespmem:s26+$0x0]  }
0x55: {  	v51 =	vld [tilespmem:s26+$0x10]  }
0x56: {  	v54 =	vld [tilespmem:s26+$0x20]  }
0x57: {  	v57 =	vld [tilespmem:s26+$0x30]  }
0x58: {  	v25 =	vld [tilespmem:s26+$0xFFFFFFC0];
	v18 =	vbroadcast v16, $0xE  }
0x59: {  	[tilespmem:$0x1FF60] =	vst v12;
	v12 =	vld [tilespmem:s26+$0xE0];
	v19 =	vbroadcast v16, $0xF;
	v27 =	vbroadcast v16, $0xC  }
0x5a: {  	v63 =	vld [tilespmem:s26+$0xFFFFFFD0];
	v28 =	vbroadcast v16, $0xD;
	v29 =	vbroadcast v16, $0xA  }
0x5b: {  	v21 =	vld [tilespmem:s26+$0xFFFFFFE0];
	v30 =	vbroadcast v16, $0xB;
	v0 =	vmul.bf16 v18, v0  }
0x5c: {  	v20 =	vld [tilespmem:s26+$0xFFFFFFF0];
	v32 =	vbroadcast v16, $0x8;
	v33 =	vbroadcast v16, $0x9  }
0x5d: {  	v24 =	vld [tilespmem:s26+$0xFFFFFF80];
	v35 =	vbroadcast v16, $0x6;
	v36 =	vbroadcast v16, $0x7;
	[tilespmem:$0x1FFE0] =	vst v0  }
0x5e: {  	v40 =	vbroadcast v16, $0x4;
	v0 =	vmul.bf16 v18, v1;
	[tilespmem:$0x1FF70] =	vst v12;
	v12 =	vld [tilespmem:s26+$0xF0]  }
0x5f: {  	v17 =	vld [tilespmem:s26+$0xFFFFFF50];
	v42 =	vbroadcast v16, $0x5;
	v43 =	vbroadcast v16, $0x2  }
0x60: {  	v44 =	vbroadcast v16, $0x3;
	v18 =	vld [tilespmem:s26+$0xFFFFFF40];
	[tilespmem:$0x1FFF0] =	vst v0;
	v0 =	vmul.bf16 v19, v2  }
0x61: {  	v23 =	vld [tilespmem:s26+$0xFFFFFF90];
	v46 =	vbroadcast v16, $0x0;
	v48 =	vbroadcast v16, $0x1  }
0x62: {  	v22 =	vld [tilespmem:s26+$0xFFFFFFA0];
	v50 =	vbroadcast v38, $0xF;
	[tilespmem:$0x1FF20] =	vst v0;
	v0 =	vmul.bf16 v19, v3  }
0x63: {  	v52 =	vbroadcast v38, $0xC;
	v55 =	vbroadcast v38, $0xA;
	v16 =	vld [tilespmem:s26+$0xFFFFFF00];
	[tilespmem:$0x1FF80] =	vst v12  }
0x64: {  	v53 =	vbroadcast v38, $0xD;
	v12 =	vld [tilespmem:s26+$0x80];
	[tilespmem:$0x1FF30] =	vst v0;
	v0 =	vmul.bf16 v27, v4  }
0x65: {  	v17 =	vmul.bf16 v55, v17;
	v19 =	vld [tilespmem:s26+$0xFFFFFFB0];
	v18 =	vmul.bf16 v55, v18  }
0x66: {  	v55 =	vld [tilespmem:s26+$0xFFFFFE40];
	v4 =	vmul.bf16 v27, v5;
	[tilespmem:$0x1FFD0] =	vst v0;
	v0 =	vmul.bf16 v28, v6  }
0x67: {  	v5 =	vmul.bf16 v30, v10;
	v6 =	vmul.bf16 v33, v56;
	v56 =	vld [tilespmem:$0x1FF70]  }
0x68: {  	[tilespmem:$0x1FF40] =	vst v0;
	v0 =	vmul.bf16 v28, v7;
	v7 =	vmul.bf16 v33, v26;
	v33 =	vld [tilespmem:$0x1FF60]  }
0x69: {  	v28 =	vmul.bf16 v29, v8;
	v8 =	vmul.bf16 v30, v11;
	[tilespmem:$0x1FF90] =	vst v12;
	v12 =	vld [tilespmem:s26+$0x90]  }
0x6a: {  	v30 =	vmul.bf16 v32, v14;
	v26 =	vld [tilespmem:s26+$0xFFFFFF60];
	[tilespmem:$0x1FF50] =	vst v0;
	v0 =	vmul.bf16 v29, v9  }
0x6b: {  	v29 =	vmul.bf16 v32, v13;
	v32 =	vmul.bf16 v35, v34;
	v34 =	vld [tilespmem:$0x1FF90]  }
0x6c: {  	v11 =	vmul.bf16 v42, v60;
	v13 =	vmul.bf16 v53, v19;
	v19 =	vld [tilespmem:s26+$0xFFFFFEA0]  }
0x6d: {  	v60 =	vmul.bf16 v48, v57;
	v3 =	vmul.bf16 v35, v33;
	v33 =	vld [tilespmem:$0x1FF80]  }
0x6e: {  	v57 =	vmul.bf16 v50, v20;
	v20 =	vmul.bf16 v52, v24;
	[tilespmem:$0x1FFA0] =	vst v12;
	v12 =	vld [tilespmem:s26+$0xA0]  }
0x6f: {  	v52 =	vmul.bf16 v52, v23;
	v23 =	vmul.bf16 v53, v22;
	v53 =	vld [tilespmem:s26+$0xFFFFFEB0]  }
0x70: {  	v49 =	vbroadcast v38, $0xE;
	v15 =	vbroadcast v38, $0xB;
	[tilespmem:$0x1FFC0] =	vst v0;
	v0 =	vld [tilespmem:s26+$0xFFFFFE90]  }
0x71: {  	v58 =	vbroadcast v38, $0x8;
	v59 =	vbroadcast v38, $0x9;
	v35 =	vld [tilespmem:s26+$0xFFFFFF70]  }
0x72: {  	v10 =	vmul.bf16 v36, v56;
	v9 =	vmul.bf16 v36, v33;
	v36 =	vld [tilespmem:$0x1FFA0]  }
0x73: {  	v61 =	vbroadcast v38, $0x6;
	v62 =	vbroadcast v38, $0x7;
	[tilespmem:$0x1FFB0] =	vst v12;
	v12 =	vld [tilespmem:s26+$0x40]  }
0x74: {  	v31 =	vbroadcast v38, $0x4;
	v37 =	vbroadcast v38, $0x5;
	v56 =	vld [tilespmem:$0x1FFB0]  }
0x75: {  	v1 =	vmul.bf16 v40, v34;
	v34 =	vmul.bf16 v48, v54;
	v48 =	vld [tilespmem:s26+$0xFFFFFEE0]  }
0x76: {  	v16 =	vmul.bf16 v58, v16;
	v54 =	vld [tilespmem:s26+$0xFFFFFEF0];
	v2 =	vmul.bf16 v37, v53  }
0x77: {  	v33 =	vmul.bf16 v44, v41;
	v36 =	vmul.bf16 v40, v36;
	v40 =	vld [tilespmem:s26+$0xFFFFFF10]  }
0x78: {  	v27 =	vmul.bf16 v43, v12;
	v43 =	vmul.bf16 v43, v39;
	v39 =	vld [tilespmem:s26+$0xFFFFFF30]  }
0x79: {  	v24 =	vmul.bf16 v15, v35;
	v14 =	vmul.bf16 v42, v56;
	v42 =	vld [tilespmem:s26+$0xFFFFFF20]  }
0x7a: {  	v56 =	vmul.bf16 v44, v45;
	v44 =	vld [tilespmem:s26+$0xFFFFFEC0];
	v45 =	vmul.bf16 v46, v47  }
0x7b: {  	v46 =	vmul.bf16 v46, v51;
	v47 =	vld [tilespmem:s26+$0xFFFFFED0];
	v51 =	vmul.bf16 v49, v25  }
0x7c: {  	v49 =	vmul.bf16 v49, v63;
	v63 =	vmul.bf16 v50, v21;
	v50 =	vld [tilespmem:s26+$0xFFFFFE80]  }
0x7d: {  	v35 =	vmul.bf16 v62, v48;
	v48 =	vld [tilespmem:s26+$0xFFFFFE00];
	v25 =	vmul.bf16 v15, v26  }
0x7e: {  	v15 =	vmul.bf16 v58, v40;
	v58 =	vld [tilespmem:s26+$0xFFFFFE50];
	v40 =	vmul.bf16 v62, v54  }
0x7f: {  	v26 =	vmul.bf16 v59, v39;
	v39 =	vld [tilespmem:s26+$0xFFFFFE60];
	v41 =	vmul.bf16 v59, v42  }
0x80: {  	v42 =	vmul.bf16 v61, v44;
	v44 =	vmul.bf16 v61, v47;
	v47 =	vld [tilespmem:s26+$0xFFFFFE70]  }
0x81: {  	v54 =	vbroadcast v38, $0x2;
	v50 =	vmul.bf16 v31, v50;
	v59 =	vld [tilespmem:s26+$0xFFFFFE10]  }
0x82: {  	v31 =	vmul.bf16 v31, v0;
	v0 =	vmul.bf16 v37, v19;
	v19 =	vld [tilespmem:s26+$0xFFFFFE20]  }
0x83: {  	v53 =	vmul.bf16 v54, v55;
	v55 =	vbroadcast v38, $0x0;
	v61 =	vld [tilespmem:s26+$0xFFFFFE30]  }
0x84: {  	v62 =	vbroadcast v38, $0x3;
	v38 =	vbroadcast v38, $0x1  }
0x85: {  	v48 =	vmul.bf16 v55, v48;
	v54 =	vmul.bf16 v54, v58  }
0x86: {  	v39 =	vmul.bf16 v62, v39;
	v55 =	vmul.bf16 v55, v59  }
0x87: {  	v47 =	vmul.bf16 v62, v47;
	v58 =	vmul.bf16 v38, v19  }
0x88: {  	v38 =	vmul.bf16 v38, v61;
	v59 =	vimm.f32 $0.0e+00;
	v19 =	vshll.u32 v48, $0x10  }
0x89: {  	v19 =	vadd.f32 v19, v59;
	v48 =	vadd.f32 v48, v59;
	v37 =	vshll.u32 v55, $0x10  }
0x8a: {  	v55 =	vadd.f32 v55, v59;
	v61 =	vadd.f32 v37, v59;
	v37 =	vshll.u32 v53, $0x10  }
0x8b: {  	v48 =	vadd.f32 v53, v48;
	v19 =	vadd.f32 v37, v19;
	v37 =	vshll.u32 v54, $0x10  }
0x8c: {  	v54 =	vadd.f32 v54, v55;
	v53 =	vadd.f32 v37, v61;
	v61 =	vshll.u32 v50, $0x10  }
0x8d: {  	v62 =	vshll.u32 v31, $0x10;
	v48 =	vadd.f32 v50, v48;
	v19 =	vadd.f32 v61, v19  }
0x8e: {  	v37 =	vshll.u32 v42, $0x10;
	v31 =	vadd.f32 v31, v54;
	v50 =	vadd.f32 v62, v53  }
0x8f: {  	v61 =	vshll.u32 v44, $0x10;
	v42 =	vadd.f32 v42, v48;
	v19 =	vadd.f32 v37, v19  }
0x90: {  	v62 =	vshll.u32 v16, $0x10;
	v31 =	vadd.f32 v44, v31;
	v48 =	vadd.f32 v61, v50  }
0x91: {  	v37 =	vshll.u32 v15, $0x10;
	v16 =	vadd.f32 v16, v42;
	v19 =	vadd.f32 v62, v19  }
0x92: {  	v50 =	vshll.u32 v18, $0x10;
	v31 =	vadd.f32 v15, v31;
	v42 =	vadd.f32 v37, v48  }
0x93: {  	v16 =	vadd.f32 v18, v16;
	v18 =	vshll.u32 v17, $0x10;
	v19 =	vadd.f32 v50, v19  }
0x94: {  	v17 =	vadd.f32 v17, v31;
	v31 =	vshll.u32 v20, $0x10;
	v18 =	vadd.f32 v18, v42  }
0x95: {  	v16 =	vadd.f32 v20, v16;
	v19 =	vadd.f32 v31, v19;
	v31 =	vshll.u32 v52, $0x10  }
0x96: {  	v17 =	vadd.f32 v52, v17;
	v18 =	vadd.f32 v31, v18;
	v31 =	vshll.u32 v51, $0x10  }
0x97: {  	v16 =	vadd.f32 v51, v16;
	v19 =	vadd.f32 v31, v19;
	v31 =	vshll.u32 v49, $0x10  }
0x98: {  	v17 =	vadd.f32 v49, v17;
	v18 =	vadd.f32 v31, v18;
	v31 =	vshll.u32 v45, $0x10  }
0x99: {  	v16 =	vadd.f32 v45, v16;
	v19 =	vadd.f32 v31, v19;
	v31 =	vshll.u32 v46, $0x10  }
0x9a: {  	v17 =	vadd.f32 v46, v17;
	v18 =	vadd.f32 v31, v18;
	v31 =	vshll.u32 v27, $0x10  }
0x9b: {  	v16 =	vadd.f32 v27, v16;
	v27 =	vshll.u32 v43, $0x10;
	v19 =	vadd.f32 v31, v19  }
0x9c: {  	v17 =	vadd.f32 v43, v17;
	v18 =	vadd.f32 v27, v18;
	v27 =	vshll.u32 v1, $0x10  }
0x9d: {  	v16 =	vadd.f32 v1, v16;
	v19 =	vadd.f32 v27, v19;
	v27 =	vshll.u32 v36, $0x10  }
0x9e: {  	v53 =	vld [tilespmem:$0x1FFC0];
	v17 =	vadd.f32 v36, v17;
	v18 =	vadd.f32 v27, v18;
	v27 =	vshll.u32 v3, $0x10  }
0x9f: {  	v54 =	vld [tilespmem:$0x1FFD0];
	v16 =	vadd.f32 v3, v16;
	v19 =	vadd.f32 v27, v19;
	v27 =	vshll.u32 v32, $0x10  }
0xa0: {  	v17 =	vadd.f32 v32, v17;
	v18 =	vadd.f32 v27, v18;
	v27 =	vshll.u32 v30, $0x10  }
0xa1: {  	v16 =	vadd.f32 v30, v16;
	v19 =	vadd.f32 v27, v19;
	v27 =	vshll.u32 v29, $0x10  }
0xa2: {  	v17 =	vadd.f32 v29, v17;
	v18 =	vadd.f32 v27, v18;
	v27 =	vshll.u32 v28, $0x10  }
0xa3: {  	v61 =	vld [tilespmem:$0x1FFF0];
	v30 =	vadd.f32 v38, v59;
	v19 =	vadd.f32 v27, v19;
	v27 =	vshll.u32 v53, $0x10  }
0xa4: {  	v55 =	vld [tilespmem:$0x1FFE0];
	v17 =	vadd.f32 v53, v17;
	v18 =	vadd.f32 v27, v18;
	v27 =	vshll.u32 v54, $0x10  }
0xa5: {  	v16 =	vadd.f32 v28, v16;
	v19 =	vadd.f32 v27, v19;
	v27 =	vshll.u32 v4, $0x10  }
0xa6: {  	v29 =	vshll.u32 v38, $0x10;
	v18 =	vadd.f32 v27, v18;
	v27 =	vadd.f32 v4, v17  }
0xa7: {  	v31 =	vshll.u32 v39, $0x10;
	v29 =	vadd.f32 v29, v59;
	v30 =	vadd.f32 v47, v30  }
0xa8: {  	v28 =	vshll.u32 v58, $0x10;
	v16 =	vadd.f32 v54, v16;
	v15 =	vadd.f32 v61, v27  }
0xa9: {  	v17 =	vshll.u32 v55, $0x10;
	v27 =	vadd.f32 v28, v59;
	v28 =	vadd.f32 v58, v59  }
0xaa: {  	v19 =	vadd.f32 v17, v19;
	v17 =	vadd.f32 v55, v16;
	v16 =	vshll.u32 v61, $0x10  }
0xab: {  	v27 =	vadd.f32 v31, v27;
	v28 =	vadd.f32 v39, v28;
	v31 =	vshll.u32 v47, $0x10  }
0xac: {  	v16 =	vadd.f32 v16, v18;
	v29 =	vadd.f32 v31, v29;
	v31 =	vshll.u32 v0, $0x10  }
0xad: {  	v27 =	vadd.f32 v31, v27;
	v28 =	vadd.f32 v0, v28;
	v31 =	vshll.u32 v2, $0x10  }
0xae: {  	v29 =	vadd.f32 v31, v29;
	v31 =	vadd.f32 v2, v30;
	v30 =	vshll.u32 v35, $0x10  }
0xaf: {  	v62 =	vadd.f32 v30, v27;
	v0 =	vadd.f32 v35, v28;
	v27 =	vshll.u32 v40, $0x10  }
0xb0: {  	v28 =	vshll.u32 v41, $0x10;
	v30 =	vadd.f32 v27, v29;
	v27 =	vadd.f32 v40, v31  }
0xb1: {  	s30 =	simm.s32 $0x0;
	s31 =	sadd.s32 $0x400, s26;
	s26 =	smov.u32 s1;
	v32 =	vshll.u32 v26, $0x10;
	v28 =	vadd.f32 v28, v62;
	v29 =	vadd.f32 v41, v0  }
.LBB2_9:
0xb2: {  	v36 =	vld [tilespmem:s31+$0x1C0]  }
0xb3: {  	v0 =	vld [tilespmem:s31+$0x1D0]  }
0xb4: {  	v38 =	vld [tilespmem:s31+$0x1E0]  }
0xb5: {  	v62 =	vshll.u32 v25, $0x10;
	v40 =	vld [tilespmem:s31+$0x1F0]  }
0xb6: {  	v37 =	vshll.u32 v24, $0x10;
	v39 =	vshll.u32 v23, $0x10;
	v41 =	vshll.u32 v13, $0x10;
	v42 =	vld [tilespmem:s31+$0x180]  }
0xb7: {  	v43 =	vshll.u32 v63, $0x10;
	v44 =	vld [tilespmem:s31+$0x190];
	v27 =	vadd.f32 v26, v27;
	v29 =	vadd.f32 v25, v29  }
0xb8: {  	v45 =	vshll.u32 v57, $0x10;
	v46 =	vld [tilespmem:s31+$0x1A0];
	v47 =	vshll.u32 v34, $0x10;
	v30 =	vadd.f32 v32, v30  }
0xb9: {  	v48 =	vld [tilespmem:s31+$0x1B0];
	v49 =	vshll.u32 v60, $0x10;
	s26 =	sadd.s32 $0x20, s26;
	v27 =	vadd.f32 v24, v27;
	v29 =	vadd.f32 v23, v29  }
0xba: {  	v51 =	vshll.u32 v33, $0x10;
	v28 =	vadd.f32 v62, v28;
	v32 =	vld [tilespmem:s26+$0x0];
	v30 =	vadd.f32 v37, v30  }
0xbb: {  	v50 =	vld [tilespmem:s31+$0x140];
	v52 =	vshll.u32 v56, $0x10;
	v27 =	vadd.f32 v13, v27;
	v29 =	vadd.f32 v63, v29  }
0xbc: {  	v53 =	vld [tilespmem:s31+$0x160];
	v54 =	vshll.u32 v14, $0x10;
	v28 =	vadd.f32 v39, v28;
	v30 =	vadd.f32 v41, v30  }
0xbd: {  	v35 =	vld [tilespmem:s31+$0x150];
	v55 =	vshll.u32 v11, $0x10;
	v27 =	vadd.f32 v57, v27;
	v29 =	vadd.f32 v34, v29  }
0xbe: {  	v58 =	vshll.u32 v7, $0x10;
	v31 =	vld [tilespmem:s31+$0x130];
	v28 =	vadd.f32 v43, v28;
	v30 =	vadd.f32 v45, v30  }
0xbf: {  	v59 =	vld [tilespmem:$0x1FF40];
	[tilespmem:$0x1FDB0] =	vst v42;
	v42 =	vbroadcast v32, $0x9;
	v27 =	vadd.f32 v60, v27;
	v29 =	vadd.f32 v33, v29  }
0xc0: {  	v61 =	vld [tilespmem:$0x1FF20];
	[tilespmem:$0x1FDD0] =	vst v46;
	v46 =	vbroadcast v32, $0x6;
	v28 =	vadd.f32 v47, v28;
	v30 =	vadd.f32 v49, v30  }
0xc1: {  	v62 =	vld [tilespmem:$0x1FF30];
	[tilespmem:$0x1FE00] =	vst v53;
	v53 =	vbroadcast v32, $0x4;
	v27 =	vadd.f32 v56, v27;
	v29 =	vadd.f32 v14, v29  }
0xc2: {  	v25 =	vld [tilespmem:s31+$0xFFFFFFE0];
	v57 =	vshll.u32 v9, $0x10;
	v28 =	vadd.f32 v51, v28;
	v30 =	vadd.f32 v52, v30  }
0xc3: {  	v37 =	vld [tilespmem:s31+$0x100];
	v51 =	vbroadcast v32, $0x7;
	v27 =	vadd.f32 v11, v27;
	v29 =	vadd.f32 v10, v29  }
0xc4: {  	v39 =	vld [tilespmem:s31+$0xC0];
	v28 =	vadd.f32 v54, v28;
	v56 =	vshll.u32 v10, $0x10;
	v30 =	vadd.f32 v55, v30  }
0xc5: {  	v24 =	vld [tilespmem:s31+$0xFFFFFFF0];
	v54 =	vbroadcast v32, $0x5;
	v27 =	vadd.f32 v9, v27;
	v7 =	vadd.f32 v7, v29  }
0xc6: {  	v60 =	vld [tilespmem:$0x1FF50];
	v28 =	vadd.f32 v56, v28;
	v30 =	vadd.f32 v57, v30;
	v29 =	vshll.u32 v6, $0x10  }
0xc7: {  	v23 =	vld [tilespmem:s31+$0xFFFFFF80];
	v6 =	vadd.f32 v6, v27;
	v27 =	vshll.u32 v5, $0x10;
	v5 =	vadd.f32 v5, v7  }
0xc8: {  	[tilespmem:$0x1FD90] =	vst v38;
	v38 =	vld [tilespmem:s31+$0x170];
	v55 =	vbroadcast v32, $0x2;
	v28 =	vadd.f32 v58, v28;
	v29 =	vadd.f32 v29, v30  }
0xc9: {  	[tilespmem:$0x1FDA0] =	vst v40;
	v40 =	vld [tilespmem:s31+$0xD0];
	v7 =	vshll.u32 v8, $0x10;
	v4 =	vadd.f32 v8, v6;
	v3 =	vadd.f32 v59, v5  }
0xca: {  	[tilespmem:$0x1FD80] =	vst v0;
	v41 =	vld [tilespmem:s31+$0xE0];
	v56 =	vbroadcast v32, $0x3;
	v27 =	vadd.f32 v27, v28;
	v7 =	vadd.f32 v7, v29  }
0xcb: {  	[tilespmem:$0x1FDC0] =	vst v44;
	v43 =	vld [tilespmem:s31+$0xF0];
	v6 =	vshll.u32 v59, $0x10;
	v2 =	vadd.f32 v60, v4;
	v0 =	vadd.f32 v61, v3  }
0xcc: {  	[tilespmem:$0x1FDE0] =	vst v48;
	v44 =	vld [tilespmem:s31+$0x80];
	v58 =	vbroadcast v32, $0x0;
	v5 =	vshll.u32 v60, $0x10;
	v6 =	vadd.f32 v6, v27  }
0xcd: {  	v48 =	vld [tilespmem:s31+$0xB0];
	v5 =	vadd.f32 v5, v7;
	v3 =	vbroadcast v32, $0xC;
	[tilespmem:$0x1FEF0] =	vst v0;
	v0 =	vadd.f32 v62, v2  }
0xce: {  	[tilespmem:$0x1FDF0] =	vst v50;
	v50 =	vld [tilespmem:s31+$0x50];
	v4 =	vshll.u32 v61, $0x10;
	v7 =	vbroadcast v32, $0x8;
	v60 =	vbroadcast v32, $0x1  }
0xcf: {  	v13 =	vld [tilespmem:s31+$0xFFFFFFA0];
	v1 =	vadd.f32 v4, v6;
	v4 =	vbroadcast v32, $0xD;
	[tilespmem:$0x1FF10] =	vst v0;
	v0 =	vbroadcast v32, $0xE  }
0xd0: {  	v63 =	vshll.u32 v62, $0x10;
	v34 =	vld [tilespmem:s31+$0x110];
	v6 =	vbroadcast v32, $0xB;
	v2 =	vbroadcast v32, $0xF  }
0xd1: {  	[tilespmem:$0x1FEE0] =	vst v1;
	v1 =	vadd.f32 v63, v5;
	v5 =	vbroadcast v32, $0xA;
	v32 =	vld [tilespmem:$0x1FD80];
	v36 =	vmul.bf16 v0, v36  }
0xd2: {  	v45 =	vld [tilespmem:s31+$0x90]  }
0xd3: {  	[tilespmem:$0x1FEC0] =	vst v36;
	v36 =	vld [tilespmem:$0x1FD90]  }
0xd4: {  	v47 =	vld [tilespmem:s31+$0xA0]  }
0xd5: {  	v33 =	vld [tilespmem:s31+$0x120]  }
0xd6: {  	v0 =	vmul.bf16 v0, v32;
	v32 =	vld [tilespmem:$0x1FDA0]  }
0xd7: {  	v49 =	vld [tilespmem:s31+$0x40]  }
0xd8: {  	[tilespmem:$0x1FED0] =	vst v0;
	v0 =	vmul.bf16 v2, v36;
	v36 =	vld [tilespmem:$0x1FDB0]  }
0xd9: {  	v30 =	vld [tilespmem:s31+$0x20]  }
0xda: {  	v38 =	vmul.bf16 v6, v38;
	[tilespmem:$0x1FF00] =	vst v1;
	v1 =	vld [tilespmem:s26+$0xFFFFFFF0]  }
0xdb: {  	v52 =	vld [tilespmem:s31+$0x60];
	[tilespmem:$0x1FF20] =	vst v0;
	v0 =	vmul.bf16 v2, v32  }
0xdc: {  	v40 =	vmul.bf16 v46, v40;
	v35 =	vmul.bf16 v5, v35;
	[tilespmem:$0x1FE50] =	vst v38;
	v32 =	vld [tilespmem:$0x1FDC0]  }
0xdd: {  	v38 =	vmul.bf16 v7, v37;
	[tilespmem:$0x1FF30] =	vst v0;
	v0 =	vmul.bf16 v3, v36;
	v36 =	vld [tilespmem:$0x1FDD0]  }
0xde: {  	[tilespmem:$0x1FE10] =	vst v19;
	v14 =	vld [tilespmem:s31+$0xFFFFFF90];
	v37 =	vmul.bf16 v7, v34;
	v34 =	vmul.bf16 v60, v30  }
0xdf: {  	v57 =	vld [tilespmem:s31+$0x70];
	[tilespmem:$0x1FE70] =	vst v35;
	v35 =	vmul.bf16 v54, v47;
	v61 =	vbroadcast v1, $0xE  }
0xe0: {  	[tilespmem:$0x1FE30] =	vst v16;
	v28 =	vld [tilespmem:s31+$0xFFFFFFC0];
	v62 =	vbroadcast v1, $0xF;
	v16 =	vbroadcast v1, $0xC  }
0xe1: {  	[tilespmem:$0x1FE20] =	vst v17;
	v59 =	vld [tilespmem:s31+$0x0];
	v17 =	vbroadcast v1, $0xD;
	v19 =	vbroadcast v1, $0xA  }
0xe2: {  	[tilespmem:$0x1FE80] =	vst v0;
	v0 =	vmul.bf16 v3, v32;
	v32 =	vmul.bf16 v4, v36;
	v36 =	vld [tilespmem:$0x1FDE0]  }
0xe3: {  	v27 =	vld [tilespmem:s31+$0xFFFFFFD0];
	v26 =	vbroadcast v1, $0xB;
	v21 =	vbroadcast v1, $0x8  }
0xe4: {  	[tilespmem:$0x1FE40] =	vst v15;
	v63 =	vld [tilespmem:s31+$0x10];
	v20 =	vbroadcast v1, $0x9;
	v15 =	vbroadcast v1, $0x6  }
0xe5: {  	v8 =	vbroadcast v1, $0x7;
	v9 =	vbroadcast v1, $0x4;
	[tilespmem:$0x1FF40] =	vst v32;
	v32 =	vld [tilespmem:$0x1FDF0]  }
0xe6: {  	v7 =	vld [tilespmem:s31+$0xFFFFFF00];
	v10 =	vbroadcast v1, $0x5;
	v11 =	vbroadcast v1, $0x2  }
0xe7: {  	v22 =	vbroadcast v1, $0x3;
	v4 =	vmul.bf16 v4, v36;
	v36 =	vld [tilespmem:$0x1FE00]  }
0xe8: {  	v30 =	vld [tilespmem:s31+$0xFFFFFEA0];
	v12 =	vbroadcast v1, $0x0;
	v18 =	vbroadcast v1, $0x1  }
0xe9: {  	v47 =	vld [tilespmem:s31+$0xFFFFFEE0];
	v28 =	vmul.bf16 v61, v28;
	v27 =	vmul.bf16 v61, v27  }
0xea: {  	v1 =	vld [tilespmem:s31+$0xFFFFFFB0];
	v14 =	vmul.bf16 v16, v14;
	v2 =	vmul.bf16 v5, v32  }
0xeb: {  	v61 =	vld [tilespmem:s31+$0xFFFFFE50];
	v3 =	vmul.bf16 v51, v41;
	v32 =	vmul.bf16 v51, v43  }
0xec: {  	v41 =	vld [tilespmem:s31+$0xFFFFFF30];
	v51 =	vmul.bf16 v55, v49;
	[tilespmem:$0x1FE60] =	vst v2;
	v2 =	vmul.bf16 v6, v36  }
0xed: {  	v5 =	vld [tilespmem:s31+$0xFFFFFF60];
	v36 =	vmul.bf16 v42, v33;
	v42 =	vmul.bf16 v42, v31  }
0xee: {  	v6 =	vld [tilespmem:s31+$0xFFFFFF70];
	v33 =	vmul.bf16 v56, v52;
	v56 =	vmul.bf16 v56, v57  }
0xef: {  	v31 =	vld [tilespmem:s31+$0xFFFFFF10];
	v57 =	vmul.bf16 v62, v24;
	[tilespmem:$0x1FE90] =	vst v42;
	v42 =	vmul.bf16 v46, v39  }
0xf0: {  	v43 =	vld [tilespmem:s31+$0xFFFFFEC0];
	v46 =	vmul.bf16 v53, v44;
	v44 =	vmul.bf16 v53, v45  }
0xf1: {  	v49 =	vld [tilespmem:s31+$0xFFFFFEF0];
	[tilespmem:$0x1FEB0] =	vst v2;
	v2 =	vmul.bf16 v54, v48;
	v48 =	vmul.bf16 v55, v50  }
0xf2: {  	[tilespmem:$0x1FEA0] =	vst v0;
	v0 =	vld [tilespmem:s31+$0xFFFFFF40];
	v53 =	vmul.bf16 v58, v63;
	v63 =	vmul.bf16 v62, v25  }
0xf3: {  	[tilespmem:$0x1FF50] =	vst v4;
	v4 =	vld [tilespmem:s31+$0xFFFFFF50];
	v25 =	vmul.bf16 v26, v5;
	v24 =	vmul.bf16 v26, v6  }
0xf4: {  	v52 =	vld [tilespmem:s31+$0xFFFFFEB0];
	v6 =	vmul.bf16 v21, v7;
	v7 =	vmul.bf16 v21, v31  }
0xf5: {  	v45 =	vld [tilespmem:s31+$0xFFFFFED0];
	v26 =	vmul.bf16 v20, v41;
	v21 =	vmul.bf16 v15, v43  }
0xf6: {  	v43 =	vmul.bf16 v8, v47;
	v41 =	vmul.bf16 v8, v49;
	v8 =	vld [tilespmem:s31+$0xFFFFFE30]  }
0xf7: {  	v55 =	vmul.bf16 v58, v59;
	v58 =	vmul.bf16 v16, v23;
	v16 =	vld [tilespmem:s31+$0xFFFFFE40]  }
0xf8: {  	v0 =	vmul.bf16 v19, v0;
	v4 =	vmul.bf16 v19, v4;
	v19 =	vld [tilespmem:s31+$0xFFFFFE00]  }
0xf9: {  	v39 =	vld [tilespmem:s31+$0xFFFFFF20];
	v23 =	vmul.bf16 v17, v13  }
0xfa: {  	v13 =	vmul.bf16 v17, v1;
	v5 =	vld [tilespmem:s31+$0xFFFFFE70];
	v15 =	vmul.bf16 v15, v45  }
0xfb: {  	v45 =	vmul.bf16 v10, v52;
	v52 =	vmul.bf16 v18, v8;
	v8 =	vld [tilespmem:$0x1FE10]  }
0xfc: {  	v1 =	vmul.bf16 v11, v61;
	v47 =	vmul.bf16 v10, v30  }
0xfd: {  	v10 =	vmul.bf16 v11, v16;
	v11 =	vmul.bf16 v12, v19  }
0xfe: {  	v39 =	vmul.bf16 v20, v39;
	v20 =	vld [tilespmem:s31+$0xFFFFFE10]  }
0xff: {  	v29 =	vld [tilespmem:s31+$0x30];
	v49 =	vmul.bf16 v22, v5;
	v5 =	vshll.u32 v11, $0x10  }
0x100: {  	v5 =	vadd.f32 v5, v8;
	v8 =	vld [tilespmem:$0x1FE20]  }
0x101: {  	v16 =	vld [tilespmem:$0x1FE30];
	_ =	sdelay $0x1  }
0x102: {  	v12 =	vmul.bf16 v12, v20  }
0x103: {  	v60 =	vmul.bf16 v60, v29;
	v29 =	vld [tilespmem:s31+$0xFFFFFE90]  }
0x104: {  	v50 =	vld [tilespmem:s31+$0xFFFFFE80];
	v8 =	vadd.f32 v11, v8;
	v11 =	vshll.u32 v12, $0x10  }
0x105: {  	v11 =	vadd.f32 v11, v16;
	v16 =	vld [tilespmem:$0x1FE40];
	_ =	sdelay $0x3  }
0x106: {  	v62 =	vmul.bf16 v9, v50  }
0x107: {  	v9 =	vmul.bf16 v9, v29;
	v12 =	vadd.f32 v12, v16;
	v16 =	vshll.u32 v10, $0x10  }
0x108: {  	v8 =	vadd.f32 v10, v8;
	v10 =	vshll.u32 v1, $0x10;
	v5 =	vadd.f32 v16, v5  }
0x109: {  	v10 =	vadd.f32 v10, v11;
	v16 =	vshll.u32 v62, $0x10;
	v1 =	vadd.f32 v1, v12  }
0x10a: {  	v8 =	vadd.f32 v62, v8;
	v12 =	vshll.u32 v9, $0x10;
	v5 =	vadd.f32 v16, v5  }
0x10b: {  	v16 =	vadd.f32 v12, v10;
	v1 =	vadd.f32 v9, v1;
	v9 =	vshll.u32 v21, $0x10  }
0x10c: {  	v8 =	vadd.f32 v21, v8;
	v5 =	vadd.f32 v9, v5;
	v9 =	vshll.u32 v15, $0x10  }
0x10d: {  	v62 =	vshll.u32 v6, $0x10;
	v12 =	vadd.f32 v9, v16;
	v1 =	vadd.f32 v15, v1  }
0x10e: {  	v6 =	vadd.f32 v6, v8;
	v8 =	vshll.u32 v7, $0x10;
	v5 =	vadd.f32 v62, v5  }
0x10f: {  	v8 =	vadd.f32 v8, v12;
	v9 =	vmovc v32;
	v1 =	vadd.f32 v7, v1;
	v32 =	vshll.u32 v0, $0x10  }
0x110: {  	v0 =	vadd.f32 v0, v6;
	v6 =	vshll.u32 v4, $0x10;
	v5 =	vadd.f32 v32, v5  }
0x111: {  	v6 =	vadd.f32 v6, v8;
	v1 =	vadd.f32 v4, v1;
	v4 =	vshll.u32 v58, $0x10  }
0x112: {  	v0 =	vadd.f32 v58, v0;
	v4 =	vadd.f32 v4, v5;
	v5 =	vshll.u32 v14, $0x10  }
0x113: {  	v5 =	vadd.f32 v5, v6;
	v1 =	vadd.f32 v14, v1;
	v6 =	vshll.u32 v28, $0x10  }
0x114: {  	v0 =	vadd.f32 v28, v0;
	v4 =	vadd.f32 v6, v4;
	v6 =	vshll.u32 v27, $0x10  }
0x115: {  	v5 =	vadd.f32 v6, v5;
	v1 =	vadd.f32 v27, v1;
	v6 =	vshll.u32 v55, $0x10  }
0x116: {  	v0 =	vadd.f32 v55, v0;
	v4 =	vadd.f32 v6, v4;
	v6 =	vshll.u32 v53, $0x10  }
0x117: {  	v5 =	vadd.f32 v6, v5;
	v1 =	vadd.f32 v53, v1;
	v6 =	vshll.u32 v51, $0x10  }
0x118: {  	v0 =	vadd.f32 v51, v0;
	v4 =	vadd.f32 v6, v4;
	v6 =	vshll.u32 v48, $0x10  }
0x119: {  	v31 =	vld [tilespmem:s31+$0xFFFFFE20];
	v5 =	vadd.f32 v6, v5;
	v1 =	vadd.f32 v48, v1;
	v6 =	vshll.u32 v46, $0x10  }
0x11a: {  	v0 =	vadd.f32 v46, v0;
	v46 =	vld [tilespmem:$0x1FE60];
	v4 =	vadd.f32 v6, v4;
	v6 =	vshll.u32 v44, $0x10  }
0x11b: {  	v48 =	vld [tilespmem:$0x1FE70];
	v5 =	vadd.f32 v6, v5;
	v1 =	vadd.f32 v44, v1;
	v6 =	vshll.u32 v42, $0x10  }
0x11c: {  	v51 =	vld [tilespmem:$0x1FE80];
	v4 =	vadd.f32 v6, v4;
	v6 =	vshll.u32 v40, $0x10  }
0x11d: {  	v10 =	vmovc v3;
	v3 =	vld [tilespmem:$0x1FEA0];
	v5 =	vadd.f32 v6, v5;
	v1 =	vadd.f32 v40, v1;
	v6 =	vshll.u32 v38, $0x10  }
0x11e: {  	v15 =	vld [tilespmem:$0x1FEC0];
	v0 =	vadd.f32 v42, v0;
	v4 =	vadd.f32 v6, v4;
	v6 =	vshll.u32 v37, $0x10  }
0x11f: {  	v5 =	vadd.f32 v6, v5;
	v1 =	vadd.f32 v37, v1;
	v6 =	vshll.u32 v46, $0x10  }
0x120: {  	v17 =	vld [tilespmem:s31+$0xFFFFFE60];
	v0 =	vadd.f32 v38, v0;
	v4 =	vadd.f32 v6, v4;
	v6 =	vshll.u32 v48, $0x10  }
0x121: {  	v58 =	vld [tilespmem:$0x1FEE0];
	v5 =	vadd.f32 v6, v5;
	v1 =	vadd.f32 v48, v1;
	v6 =	vshll.u32 v51, $0x10  }
0x122: {  	v61 =	vmul.bf16 v18, v31;
	v0 =	vadd.f32 v46, v0;
	v4 =	vadd.f32 v6, v4  }
0x123: {  	v53 =	vshll.u32 v3, $0x10;
	v1 =	vadd.f32 v3, v1;
	v3 =	vshll.u32 v15, $0x10  }
0x124: {  	v0 =	vadd.f32 v51, v0;
	v19 =	vadd.f32 v3, v4;
	v4 =	vld [tilespmem:$0x1FED0]  }
0x125: {  	v59 =	vld [tilespmem:$0x1FEF0];
	v3 =	vshll.u32 v61, $0x10  }
0x126: {  	v50 =	vmul.bf16 v22, v17;
	v17 =	vadd.f32 v15, v0;
	v0 =	vadd.f32 v3, v58;
	v3 =	vld [tilespmem:$0x1FF00];
	_ =	sdelay $0x2  }
0x127: {  	v11 =	vmov v2;
	v2 =	vadd.f32 v53, v5;
	v55 =	vshll.u32 v4, $0x10  }
0x128: {  	v15 =	vadd.f32 v4, v1;
	v1 =	vadd.f32 v61, v59;
	v61 =	vshll.u32 v52, $0x10  }
0x129: {  	v16 =	vadd.f32 v55, v2;
	v2 =	vadd.f32 v61, v3;
	v3 =	vld [tilespmem:$0x1FF10];
	_ =	sdelay $0x2  }
0x12a: {  	v4 =	vshll.u32 v50, $0x10  }
0x12b: {  	v0 =	vadd.f32 v4, v0;
	v4 =	vshll.u32 v49, $0x10;
	v1 =	vadd.f32 v50, v1  }
0x12c: {  	s30 =	sadd.s32 $0x2, s30;
	v2 =	vadd.f32 v4, v2;
	v4 =	vshll.u32 v47, $0x10;
	v3 =	vadd.f32 v52, v3  }
0x12d: {  	p3 =	slt.u32 s30, $0x6;
	v0 =	vadd.f32 v4, v0;
	v1 =	vadd.f32 v47, v1;
	v4 =	vshll.u32 v45, $0x10  }
.Ltmp4:
0x12e: {  	v2 =	vadd.f32 v4, v2;
	v4 =	vshll.u32 v43, $0x10;
	v3 =	vadd.f32 v49, v3;
	(pc) =	sbr.rel @p3 .LBB2_9-.Ltmp4, $4  }
0x12f: {  	v62 =	vshll.u32 v39, $0x10;
	v0 =	vadd.f32 v4, v0  }
0x130: {  	v8 =	vld [tilespmem:$0x1FE50];
	v1 =	vadd.f32 v43, v1;
	v4 =	vshll.u32 v41, $0x10;
	v3 =	vadd.f32 v45, v3  }
0x131: {  	v6 =	vld [tilespmem:$0x1FE90];
	v30 =	vadd.f32 v4, v2;
	v28 =	vadd.f32 v62, v0  }
0x132: {  	s31 =	sadd.s32 $0x400, s31;
	v7 =	vmovc v36;
	v32 =	vshll.u32 v26, $0x10;
	v14 =	vmovc v35;
	v5 =	vld [tilespmem:$0x1FEB0];
	v29 =	vadd.f32 v39, v1;
	v27 =	vadd.f32 v41, v3  }
0x133: {  	v1 =	vshll.u32 v25, $0x10  }
0x134: {  	v0 =	vadd.f32 v32, v30;
	v3 =	vshll.u32 v24, $0x10;
	v1 =	vadd.f32 v1, v28  }
0x135: {  	v38 =	vshll.u32 v23, $0x10;
	v2 =	vadd.f32 v26, v27;
	v4 =	vadd.f32 v25, v29  }
0x136: {  	v39 =	vshll.u32 v13, $0x10;
	v0 =	vadd.f32 v3, v0;
	v1 =	vadd.f32 v38, v1  }
0x137: {  	v40 =	vshll.u32 v63, $0x10;
	v2 =	vadd.f32 v24, v2;
	v4 =	vadd.f32 v23, v4  }
0x138: {  	v41 =	vshll.u32 v57, $0x10;
	v0 =	vadd.f32 v39, v0;
	v1 =	vadd.f32 v40, v1  }
0x139: {  	v42 =	vshll.u32 v34, $0x10;
	v2 =	vadd.f32 v13, v2;
	v4 =	vadd.f32 v63, v4  }
0x13a: {  	v43 =	vshll.u32 v60, $0x10;
	v0 =	vadd.f32 v41, v0;
	v1 =	vadd.f32 v42, v1  }
0x13b: {  	v44 =	vshll.u32 v33, $0x10;
	v2 =	vadd.f32 v57, v2;
	v4 =	vadd.f32 v34, v4  }
0x13c: {  	v45 =	vshll.u32 v56, $0x10;
	v0 =	vadd.f32 v43, v0;
	v1 =	vadd.f32 v44, v1  }
0x13d: {  	v46 =	vshll.u32 v14, $0x10;
	v2 =	vadd.f32 v60, v2;
	v4 =	vadd.f32 v33, v4  }
0x13e: {  	v47 =	vshll.u32 v11, $0x10;
	v0 =	vadd.f32 v45, v0;
	v1 =	vadd.f32 v46, v1  }
0x13f: {  	v48 =	vshll.u32 v10, $0x10;
	v2 =	vadd.f32 v56, v2;
	v4 =	vadd.f32 v14, v4  }
0x140: {  	v49 =	vshll.u32 v9, $0x10;
	v54 =	vld [tilespmem:$0x1FF40];
	v0 =	vadd.f32 v47, v0;
	v1 =	vadd.f32 v48, v1  }
0x141: {  	v50 =	vshll.u32 v7, $0x10;
	v59 =	vld [tilespmem:$0x1FF20];
	v2 =	vadd.f32 v11, v2;
	v4 =	vadd.f32 v10, v4  }
0x142: {  	v51 =	vshll.u32 v6, $0x10;
	v57 =	vld [tilespmem:$0x1FF50];
	v0 =	vadd.f32 v49, v0;
	v1 =	vadd.f32 v50, v1  }
0x143: {  	v52 =	vshll.u32 v5, $0x10;
	v2 =	vadd.f32 v9, v2;
	v4 =	vadd.f32 v7, v4  }
0x144: {  	v61 =	vld [tilespmem:$0x1FF30];
	v53 =	vshll.u32 v8, $0x10;
	v0 =	vadd.f32 v51, v0;
	v1 =	vadd.f32 v52, v1  }
0x145: {  	v55 =	vshll.u32 v54, $0x10;
	v2 =	vadd.f32 v6, v2;
	v4 =	vadd.f32 v5, v4  }
0x146: {  	v60 =	vshll.u32 v59, $0x10;
	v0 =	vadd.f32 v53, v0;
	v1 =	vadd.f32 v55, v1  }
0x147: {  	v58 =	vshll.u32 v57, $0x10;
	v2 =	vadd.f32 v8, v2;
	v56 =	vadd.f32 v54, v4  }
0x148: {  	v0 =	vadd.f32 v58, v0;
	v1 =	vadd.f32 v60, v1  }
0x149: {  	s26 =	sadd.s32 s24, s28;
	v62 =	vshll.u32 v61, $0x10;
	v2 =	vadd.f32 v57, v2;
	v3 =	vadd.f32 v59, v56  }
0x14a: {  	s26 =	sshll.u32 s26, $0x6;
	v0 =	vadd.f32 v62, v0;
	v1 =	vadd.f32 v1, v19  }
0x14b: {  	p3 =	sgt.u32 s28, $0x4B;
	s26 =	sand.u32 $0x3FFFFFC0, s26;
	v2 =	vadd.f32 v61, v2;
	v3 =	vadd.f32 v3, v17  }
0x14c: {  	p4 =	sne.s32 @!p3 s29, $0x0;
	v0 =	vadd.f32 v0, v16;
	[tilespmem:s26+$0x9000] =	vst v1  }
0x14d: {  	p2 =	por !p2, !p2;
	s29 =	sadd.s32 $0x4, s28;
	p4 =	por p4, p3;
	[tilespmem:s26+$0x9010] =	vst v3;
	v63 =	vadd.f32 v2, v15  }
0x14e: {  	p1 =	por !p1, !p1;
	p2 =	por p3, p2;
	s30 =	sshll.u32 @!p4 s29, $0x7;
	[tilespmem:s26+$0x9020] =	vst v0  }
0x14f: {  	s31 =	simm.s32 @!p4 $0x5000;
	[tilespmem:s26+$0x9030] =	vst v63;
	s26 =	sand.u32 @!p4 $0x3FFFFF80, s30;
	s30 =	simm.s32 @!p4 $0x80  }
0x150: {  	[tilespmem:s31], [sflag:$0x1] =	stream.indirect.gather @!p4 [spmem:s3], $0x20, s26, s30, $0xb8;
	[tilespmem:$0x13000] =	vst v63  }
0x151: {  	p0 =	por !p0, !p0;
	p1 =	por p3, p1;
	s26 =	sshll.u32 @!p2 s29, $0x7  }
0x152: {  	s30 =	simm.s32 @!p2 $0x80;
	s31 =	simm.s32 @!p2 $0x6000;
	s26 =	sand.u32 @!p2 $0x3FFFFF80, s26  }
0x153: {  	[tilespmem:s31], [sflag:$0x2] =	stream.indirect.gather @!p2 [spmem:s3], $0x20, s26, s30, $0xb8;
	[tilespmem:$0x13000] =	vst v63  }
0x154: {  	p0 =	por p3, p0;
	s26 =	sshll.u32 @!p1 s29, $0x7  }
0x155: {  	s30 =	simm.s32 @!p1 $0x80;
	s31 =	simm.s32 @!p1 $0x7000;
	s26 =	sand.u32 @!p1 $0x3FFFFF80, s26  }
0x156: {  	[tilespmem:s31], [sflag:$0x3] =	stream.indirect.gather @!p1 [spmem:s3], $0x20, s26, s30, $0xb8;
	[tilespmem:$0x13000] =	vst v63  }
0x157: {  	s28 =	sadd.s32 $0x1, s28;
	s26 =	sshll.u32 @!p0 s29, $0x7  }
0x158: {  	s29 =	simm.s32 @!p0 $0x80;
	s30 =	simm.s32 @!p0 $0x8000;
	s26 =	sand.u32 @!p0 $0x3FFFFF80, s26  }
0x159: {  	[tilespmem:s30], [sflag:$0x4] =	stream.indirect.gather @!p0 [spmem:s3], $0x20, s26, s29, $0xb8;
	[tilespmem:$0x13000] =	vst v63  }
0x15a: {  	p0 =	sne.s32 s28, $0x50  }
.Ltmp5:
0x15b: {  	_ = 	snop;
	(pc) =	sbr.rel @p0 .LBB2_3-.Ltmp5, $2  }
0x15c: {  	_ =	sdelay $0x2  }
0x15d: {  	s25 =	sadd.s32 $0x1, s25;
	s1 =	sadd.s32 $0x80, s1  }
0x15e: {  	s23 =	sadd.s32 $0x1, s23  }
0x15f: {  	p0 =	sne.s32 s23, $0x4  }
.Ltmp6:
0x160: {  	_ = 	snop;
	(pc) =	sbr.rel @p0 .LBB2_2-.Ltmp6, $1  }
0x161: {  	_ =	sdelay $0x3  }
0x162: {  	s22 =	sadd.s32 $0x1, s22  }
0x163: {  	p0 =	sne.s32 s22, s10  }
.Ltmp7:
0x164: {  	_ = 	snop;
	(pc) =	sbr.rel @p0 .LBB2_1-.Ltmp7, $4  }
0x165: {  	[hbm4b:s9+s4] =	stream.linear.scatter [tilespmem:s21], [sflag:$0x5], $0x5000, $0x38;
	[tilespmem:$0x13000] =	vst v63  }
0x166: {  	_ =	swait.ge [sflag:s12], $0x5000  }
0x167: {  	[sflag:s12] =	ssyncset.done $0x0  }
0x168: {  	[sflag:s12] =	ssyncadd.s32 $0xFFFFB000  }
0x169: {  	_ =	sfence.sel $0x180000  }
0x16a: {  	[bflag:$0x0] =	sbarrier.arrive $0xFFFF  }
0x16b: {  	_ =	strace $0x90000047  }
0x16c: {  	[bflag:$0x2] =	sbarrier.arrive $0xFFFF  }
0x16d: {  	p0 =	sne.s32 s0, $0x0;
	s0 =	rddreg [dreg:$0x3]  }
0x16e: {  	s0 =	sadd.s32 @!p0 $0x100000, s0  }
0x16f: {  	[sflag:s0] =	ssyncadd.tile.s32 @!p0 $0x1;
	_ =	shalt  }
.Lfunc_end2:
_tile_overlayer_lowered:
.L_overlay_start_2:
0x170: {  	(tag) =	ssettag $0x2  }
0x171: {  	s0 =	rddreg [dreg:$0x0];
	s2 =	stileid.u32  }
0x172: {  	s1 =	rddreg [dreg:$0x1];
	p0 =	sne.s32 s2, $0x0  }
0x173: {  	s3 =	rddreg [dreg:$0x2];
	[bflag:$0x3] =	sbarrier.arrive $0xFFFF;
	s2 =	simm.s32 @!p0 $0x1C05  }
0x174: {  	[timem:s3], [sflag:s2] =	dma.local @!p0 [hbm:s0], s1  }
0x175: {  	s0 =	simm.s32 @!p0 $0x5  }
0x176: {  	_ =	swait.ge @!p0 [sflag:s0], s1  }
0x177: {  	s1 =	ssub.s32 @!p0 $0x0, s1;
	[sflag:s0] =	ssyncset.done @!p0 $0x0  }
0x178: {  	[sflag:s0] =	ssyncadd.s32 @!p0 s1  }
0x179: {  	[bflag:$0x3] =	sbarrier.arrive $0xFFFF  }
0x17a: {  	_ =	shalt  }

</sc_bundles>
